<compile_context>
chip_gen: v7x
topology: tpu7x:2x2x1
jax: 0.10.2.dev20260603
libtpu: 0.0.44.dev20260713+nightly
codegen_flags: <defaults>
</compile_context>

<pallas_src>
import functools

import jax
import jax.numpy as jnp
from jax import lax
from jax.experimental import pallas as pl
from jax.experimental.pallas import tpu as pltpu
from jax.experimental.pallas import tpu_sc as plsc

N_PAD = 10240
N_EDGES = 320000
NC, NS = 2, 16
CHUNK = 80
EDGES_PER_TILE = N_EDGES // (NC * NS)
ITERS = EDGES_PER_TILE // CHUNK
STRIPE = N_PAD // NS

_MESH = plsc.VectorSubcoreMesh(core_axis_name="c", subcore_axis_name="s")


def _zero_vmem(ref, rows, cols):
    zz = jnp.zeros((16,), jnp.float32)

    def body(t, _):
        i = t // (cols // 16)
        j = t % (cols // 16)
        ref[i, pl.ds(j * 16, 16)] = zz
        return 0

    lax.fori_loop(0, rows * (cols // 16), body, 0)


def _sc_degree(dst):

    @functools.partial(
        pl.kernel,
        mesh=_MESH,
        out_type=jax.ShapeDtypeStruct((NC, N_PAD, 16), jnp.float32),
        scratch_types=[
            pltpu.VMEM((CHUNK,), jnp.int32),
            pltpu.VMEM((CHUNK, 16), jnp.float32),
            pltpu.VMEM((CHUNK, 16), jnp.float32),
            pltpu.VMEM_SHARED((N_PAD, 16), jnp.float32),
        ],
        compiler_params=pltpu.CompilerParams(use_tc_tiling_on_sc=False),
    )
    def k(dst_hbm, out_hbm, didx, zrows, orows, acc):
        c = lax.axis_index("c")
        s = lax.axis_index("s")
        _zero_vmem(zrows, CHUNK, 16)
        one = jnp.ones((16,), jnp.float32)

        def fill_ones(i, _):
            orows[i, pl.ds(0, 16)] = one
            return 0

        lax.fori_loop(0, CHUNK, fill_ones, 0)

        def zero_acc(i, _):
            pltpu.sync_copy(zrows, acc.at[pl.ds(s * STRIPE + i * CHUNK, CHUNK)])
            return 0

        lax.fori_loop(0, STRIPE // CHUNK, zero_acc, 0)
        plsc.subcore_barrier()

        def step(k_, _):
            base = (c * NS + s) * EDGES_PER_TILE + k_ * CHUNK
            pltpu.sync_copy(dst_hbm.at[pl.ds(base, CHUNK)], didx)
            pltpu.sync_copy(orows, acc.at[didx], add=True)
            return 0

        lax.fori_loop(0, ITERS, step, 0)
        plsc.subcore_barrier()

        def flush(i, _):
            r = s * STRIPE + i * CHUNK
            pltpu.sync_copy(acc.at[pl.ds(r, CHUNK)], out_hbm.at[c, pl.ds(r, CHUNK)])
            return 0

        lax.fori_loop(0, STRIPE // CHUNK, flush, 0)

    return k(dst)


def _sc_scatter(h2, src, dst, d):

    @functools.partial(
        pl.kernel,
        mesh=_MESH,
        out_type=jax.ShapeDtypeStruct((NC, N_PAD, d), jnp.float32),
        scratch_types=[
            pltpu.VMEM((2, CHUNK), jnp.int32),
            pltpu.VMEM((2, CHUNK), jnp.int32),
            pltpu.VMEM((2, CHUNK, d), jnp.float32),
            pltpu.VMEM_SHARED((N_PAD, d), jnp.float32),
            pltpu.SemaphoreType.DMA,
            pltpu.SemaphoreType.DMA,
        ],
        compiler_params=pltpu.CompilerParams(use_tc_tiling_on_sc=False),
    )
    def k(h2_hbm, src_hbm, dst_hbm, out_hbm, sidx, didx, rows, acc, sem0,
          sem1):
        c = lax.axis_index("c")
        s = lax.axis_index("s")
        sems = (sem0, sem1)
        tile_base = (c * NS + s) * EDGES_PER_TILE

        def zbody(t, _):
            rows[0, t // (d // 16), pl.ds((t % (d // 16)) * 16, 16)] = \
                jnp.zeros((16,), jnp.float32)
            return 0

        lax.fori_loop(0, CHUNK * (d // 16), zbody, 0)

        def zero_acc(i, _):
            pltpu.sync_copy(rows.at[0],
                            acc.at[pl.ds(s * STRIPE + i * CHUNK, CHUNK)])
            return 0

        lax.fori_loop(0, STRIPE // CHUNK, zero_acc, 0)
        plsc.subcore_barrier()

        def start(buf, chunk):
            base = tile_base + chunk * CHUNK
            pltpu.sync_copy(src_hbm.at[pl.ds(base, CHUNK)], sidx.at[buf])
            pltpu.sync_copy(dst_hbm.at[pl.ds(base, CHUNK)], didx.at[buf])
            pltpu.async_copy(h2_hbm.at[sidx.at[buf]], rows.at[buf],
                             sems[buf])

        def drain(buf):
            pltpu.make_async_copy(h2_hbm.at[sidx.at[buf]], rows.at[buf],
                                  sems[buf]).wait()
            pltpu.sync_copy(rows.at[buf], acc.at[didx.at[buf]], add=True)

        start(0, 0)

        def step(t, _):
            start(1, 2 * t + 1)
            drain(0)
            start(0, 2 * t + 2)
            drain(1)
            return 0

        lax.fori_loop(0, (ITERS - 1) // 2, step, 0)
        drain(0)
        plsc.subcore_barrier()

        r = s * STRIPE
        pltpu.sync_copy(acc.at[pl.ds(r, STRIPE)], out_hbm.at[c, pl.ds(r, STRIPE)])

    return k(h2, src, dst)


ROWS_BLK = 1024


def _tc_layer1(x, W1, degp):

    def body(x_ref, w_ref, p0_ref, p1_ref, h2_ref, dinv_ref):
        deg = p0_ref[0, :, 0:1] + p1_ref[0, :, 0:1] + 1.0
        dinv = lax.rsqrt(deg)
        h = jnp.dot(x_ref[...], w_ref[...], preferred_element_type=jnp.float32)
        h2_ref[...] = h * dinv
        dinv_ref[...] = dinv

    g = N_PAD // ROWS_BLK
    return pl.pallas_call(
        body,
        grid=(g,),
        in_specs=[
            pl.BlockSpec((ROWS_BLK, 128), lambda i: (i, 0)),
            pl.BlockSpec((128, 128), lambda i: (0, 0)),
            pl.BlockSpec((1, ROWS_BLK, 16), lambda i: (0, i, 0)),
            pl.BlockSpec((1, ROWS_BLK, 16), lambda i: (1, i, 0)),
        ],
        out_specs=[
            pl.BlockSpec((ROWS_BLK, 128), lambda i: (i, 0)),
            pl.BlockSpec((ROWS_BLK, 1), lambda i: (i, 0)),
        ],
        out_shape=[
            jax.ShapeDtypeStruct((N_PAD, 128), jnp.float32),
            jax.ShapeDtypeStruct((N_PAD, 1), jnp.float32),
        ],
    )(x, W1, degp, degp)


def _tc_mid(P, h2, dinv, b, gam, bet, rm, rv, W, dout):

    din = h2.shape[1]

    def body(p_ref, h2_ref, dinv_ref, b_ref, g_ref, be_ref, rm_ref, rv_ref,
             w_ref, o_ref):
        acc = (p_ref[0] + p_ref[1] + h2_ref[...]) * dinv_ref[...] + b_ref[...]
        y = g_ref[...] * (acc - rm_ref[...]) * lax.rsqrt(rv_ref[...] + 1e-5) \
            + be_ref[...]
        y = jnp.maximum(y, 0.0)
        h = jnp.dot(y, w_ref[...], preferred_element_type=jnp.float32)
        o_ref[...] = h * dinv_ref[...]

    g = N_PAD // ROWS_BLK
    vec = lambda: pl.BlockSpec((1, din), lambda i: (0, 0))
    return pl.pallas_call(
        body,
        grid=(g,),
        in_specs=[
            pl.BlockSpec((2, ROWS_BLK, din), lambda i: (0, i, 0)),
            pl.BlockSpec((ROWS_BLK, din), lambda i: (i, 0)),
            pl.BlockSpec((ROWS_BLK, 1), lambda i: (i, 0)),
            vec(), vec(), vec(), vec(), vec(),
            pl.BlockSpec((din, dout), lambda i: (0, 0)),
        ],
        out_specs=pl.BlockSpec((ROWS_BLK, dout), lambda i: (i, 0)),
        out_shape=jax.ShapeDtypeStruct((N_PAD, dout), jnp.float32),
    )(P, h2, dinv, b.reshape(1, -1), gam.reshape(1, -1), bet.reshape(1, -1),
      rm.reshape(1, -1), rv.reshape(1, -1), W)


def _tc_final(P, h3, dinv, b, dout):
    def body(p_ref, h_ref, dinv_ref, b_ref, o_ref):
        o_ref[...] = (p_ref[0] + p_ref[1] + h_ref[...]) * dinv_ref[...] \
            + b_ref[...]

    g = N_PAD // ROWS_BLK
    return pl.pallas_call(
        body,
        grid=(g,),
        in_specs=[
            pl.BlockSpec((2, ROWS_BLK, dout), lambda i: (0, i, 0)),
            pl.BlockSpec((ROWS_BLK, dout), lambda i: (i, 0)),
            pl.BlockSpec((ROWS_BLK, 1), lambda i: (i, 0)),
            pl.BlockSpec((1, dout), lambda i: (0, 0)),
        ],
        out_specs=pl.BlockSpec((ROWS_BLK, dout), lambda i: (i, 0)),
        out_shape=jax.ShapeDtypeStruct((N_PAD, dout), jnp.float32),
    )(P, h3, dinv, b.reshape(1, -1))


def kernel(x, adj_t, W1, b1, g1, be1, rm1, rv1, W2, b2, g2, be2, rm2, rv2,
           W3, b3):
    src = adj_t[0]
    dst = adj_t[1]
    x_pad = jnp.pad(x, ((0, N_PAD - x.shape[0]), (0, 0)))
    W3p = jnp.pad(W3, ((0, 0), (0, 64 - W3.shape[1])))
    b3p = jnp.pad(b3, (0, 64 - b3.shape[0]))

    degp = _sc_degree(dst)
    h2, dinv = _tc_layer1(x_pad, W1, degp)
    P1 = _sc_scatter(h2, src, dst, 128)
    h2b = _tc_mid(P1, h2, dinv, b1, g1, be1, rm1, rv1, W2, 128)
    P2 = _sc_scatter(h2b, src, dst, 128)
    h3 = _tc_mid(P2, h2b, dinv, b2, g2, be2, rm2, rv2, W3p, 64)
    P3 = _sc_scatter(h3, src, dst, 64)
    out = _tc_final(P3, h3, dinv, b3p, 64)
    return out[:10000, :40]

# --- scband reference (transcript-rebuilt; emitter-appended) ---
"""Pipeline reference for scband-gcn-arxiv-64278480552434 (READ-ONLY COPY).

The authoritative reference and input builder live on the scoring server;
editing this copy changes nothing except your own understanding.
"""

import jax, jax.numpy as jnp
import numpy as np

N_NODES = 10000
N_EDGES = 320000
IN_DIM = 128
HID = 128
OUT_DIM = 40


def gcn_conv(x, src, dst, W, b):
    # PyG GCNConv: x' = D^{-1/2} (A + I) D^{-1/2} X W + b
    # (self loops already appended to src/dst by caller)
    n = x.shape[0]
    deg = jnp.zeros((n,), x.dtype).at[dst].add(1.0)
    dinv = jnp.where(deg > 0, 1.0 / jnp.sqrt(deg), 0.0)
    norm = dinv[src] * dinv[dst]
    h = x @ W
    msg = h[src] * norm[:, None]
    out = jnp.zeros((n, W.shape[1]), x.dtype).at[dst].add(msg)
    return out + b


def batch_norm(x, g, b, rm, rv, eps=1e-5):
    # BatchNorm1d in eval mode (running stats); dropout is identity in eval
    return g * (x - rm) / jnp.sqrt(rv + eps) + b


def setup_inputs(seed: int = 0):
    key = jax.random.key(seed)
    ks = jax.random.split(key, 8)
    x = jax.random.normal(ks[0], (N_NODES, IN_DIM), dtype=jnp.float32)
    adj_t = jax.random.randint(ks[1], (2, N_EDGES), 0, N_NODES, dtype=jnp.int32)

    def lin(k, fi, fo):
        return (jax.random.normal(k, (fi, fo), dtype=jnp.float32) / np.sqrt(fi)).astype(jnp.float32)

    W1 = lin(ks[2], IN_DIM, HID)
    b1 = jnp.zeros((HID,), jnp.float32)
    g1 = jnp.ones((HID,), jnp.float32)
    be1 = jnp.zeros((HID,), jnp.float32)
    rm1 = jnp.zeros((HID,), jnp.float32)
    rv1 = jnp.ones((HID,), jnp.float32)
    W2 = lin(ks[3], HID, HID)
    b2 = jnp.zeros((HID,), jnp.float32)
    g2 = jnp.ones((HID,), jnp.float32)
    be2 = jnp.zeros((HID,), jnp.float32)
    rm2 = jnp.zeros((HID,), jnp.float32)
    rv2 = jnp.ones((HID,), jnp.float32)
    W3 = lin(ks[4], HID, OUT_DIM)
    b3 = jnp.zeros((OUT_DIM,), jnp.float32)
    return {
        "x": x, "adj_t": adj_t,
        "W1": W1, "b1": b1, "g1": g1, "be1": be1, "rm1": rm1, "rv1": rv1,
        "W2": W2, "b2": b2, "g2": g2, "be2": be2, "rm2": rm2, "rv2": rv2,
        "W3": W3, "b3": b3,
    }


def reference(x, adj_t, W1, b1, g1, be1, rm1, rv1, W2, b2, g2, be2, rm2, rv2, W3, b3):
    n = x.shape[0]
    loop = jnp.arange(n, dtype=adj_t.dtype)
    src = jnp.concatenate([adj_t[0], loop])
    dst = jnp.concatenate([adj_t[1], loop])
    h = gcn_conv(x, src, dst, W1, b1)
    h = batch_norm(h, g1, be1, rm1, rv1)
    h = jax.nn.relu(h)
    h = gcn_conv(h, src, dst, W2, b2)
    h = batch_norm(h, g2, be2, rm2, rv2)
    h = jax.nn.relu(h)
    h = gcn_conv(h, src, dst, W3, b3)
    return h

if __name__ == "__main__":
    import jax
    _d = setup_inputs()
    print(jax.jit(kernel)(*tuple(_d.values())))

</pallas_src>

<mosaic_0001>
#map = affine_map<(d0, d1) -> (0)>
#map1 = affine_map<(d0, d1) -> (0, 0, 0)>
module attributes {stable_mosaic.version = 14 : i64} {
  func.func @k(%arg0: i32, %arg1: i32, %arg2: memref<320000xi32, #tpu.memory_space<hbm>>, %arg3: memref<2x10240x16xf32, #tpu.memory_space<hbm>>, %arg4: memref<80xi32, #tpu.memory_space<vmem>>, %arg5: memref<80x16xf32, #tpu.memory_space<vmem>>, %arg6: memref<80x16xf32, #tpu.memory_space<vmem>>, %arg7: memref<10240x16xf32, #tpu.memory_space<vmem_shared>>) attributes {dimension_semantics = [#tpu.dimension_semantics<core_parallel>, #tpu.dimension_semantics<subcore_parallel>], iteration_bounds = array<i64: 2, 16>, scalar_prefetch = 0 : i64, scratch_operands = 4 : i64, tpu.core_type = #tpu.core_type<sc_vector_subcore>, window_params = [{transform_indices = #map}, {transform_indices = #map1}]} {
    %broadcast_in_dim3A = arith.constant 0.000000e+00 : f32
    %broadcast_in_dim3A_0 = vector.broadcast %broadcast_in_dim3A : f32 to vector<16xf32>
    %scan3A = arith.constant 0 : i32
    %scan3A_1 = arith.constant 0 : i32
    %scan3A_2 = arith.constant 80 : i32
    %scan3A_3 = arith.addi %scan3A_1, %scan3A_2 : i32
    %scan3A_4 = arith.constant 1 : i32
    %scan3A_5 = scf.for %scan3A_38 = %scan3A_1 to %scan3A_3 step %scan3A_4 iter_args(%scan3A_39 = %scan3A) -> (i32)  : i32 {
      %jit3A = arith.constant 1 : i32
      %div3A = arith.divsi %scan3A_38, %jit3A : i32
      %sign3A = arith.constant 0 : i32
      %sign3A_40 = arith.cmpi sgt, %scan3A_38, %sign3A : i32
      %sign3A_41 = arith.extui %sign3A_40 : i1 to i32
      %sign3A_42 = arith.constant 0 : i32
      %sign3A_43 = arith.cmpi slt, %scan3A_38, %sign3A_42 : i32
      %sign3A_44 = arith.extui %sign3A_43 : i1 to i32
      %sign3A_45 = arith.subi %sign3A_41, %sign3A_44 : i32
      %sign3A_46 = arith.constant 0 : i32
      %sign3A_47 = arith.cmpi sgt, %jit3A, %sign3A_46 : i32
      %sign3A_48 = arith.extui %sign3A_47 : i1 to i32
      %sign3A_49 = arith.constant 0 : i32
      %sign3A_50 = arith.cmpi slt, %jit3A, %sign3A_49 : i32
      %sign3A_51 = arith.extui %sign3A_50 : i1 to i32
      %sign3A_52 = arith.subi %sign3A_48, %sign3A_51 : i32
      %ne3A = arith.cmpi ne, %sign3A_45, %sign3A_52 : i32
      %rem3A = arith.remsi %scan3A_38, %jit3A : i32
      %ne3A_53 = arith.constant 0 : i32
      %ne3A_54 = arith.cmpi ne, %rem3A, %ne3A_53 : i32
      %and3A = arith.andi %ne3A, %ne3A_54 : i1
      %sub3A = arith.constant 1 : i32
      %sub3A_55 = arith.subi %div3A, %sub3A : i32
      %select_n3A = arith.select %and3A, %sub3A_55, %div3A : i32
      %jit3A_56 = arith.constant 1 : i32
      %eq3A = arith.constant 0 : i32
      %eq3A_57 = arith.cmpi eq, %jit3A_56, %eq3A : i32
      %jit3A_58 = arith.constant 1 : i32
      %select_n3A_59 = arith.select %eq3A_57, %jit3A_58, %jit3A_56 : i32
      %rem3A_60 = arith.remsi %scan3A_38, %select_n3A_59 : i32
      %ne3A_61 = arith.constant 0 : i32
      %ne3A_62 = arith.cmpi ne, %rem3A_60, %ne3A_61 : i32
      %lt3A = arith.constant 0 : i32
      %lt3A_63 = arith.cmpi slt, %rem3A_60, %lt3A : i32
      %lt3A_64 = arith.constant 0 : i32
      %lt3A_65 = arith.cmpi slt, %select_n3A_59, %lt3A_64 : i32
      %ne3A_66 = arith.xori %lt3A_63, %lt3A_65 : i1
      %and3A_67 = arith.andi %ne3A_66, %ne3A_62 : i1
      %add3A = arith.addi %rem3A_60, %select_n3A_59 : i32
      %select_n3A_68 = arith.select %and3A_67, %add3A, %rem3A_60 : i32
      %mul3A = arith.constant 16 : i32
      %mul3A_69 = arith.muli %select_n3A_68, %mul3A : i32
      %swap3A = arith.index_cast %select_n3A : i32 to index
      %swap3A_70 = arith.index_cast %mul3A_69 : i32 to index
      %swap3A_71 = tpu.vector_load %arg5[%swap3A, %swap3A_70] {strides = array<i32>} : memref<80x16xf32, #tpu.memory_space<vmem>>, vector<1x16xf32>,
      %swap3A_72 = vector.shape_cast %swap3A_71 : vector<1x16xf32> to vector<16xf32>
      %swap3A_73 = vector.shape_cast %broadcast_in_dim3A_0 : vector<16xf32> to vector<1x16xf32>
      tpu.vector_store %arg5[%swap3A, %swap3A_70], %swap3A_73 {strides = array<i32>} : memref<80x16xf32, #tpu.memory_space<vmem>>, vector<1x16xf32>,
      %scan3A_74 = arith.constant 0 : i32
      scf.yield %scan3A_74 : i32
    }
    %scan3A_6 = arith.constant 80 : i32
    %broadcast_in_dim3A_7 = arith.constant 1.000000e+00 : f32
    %broadcast_in_dim3A_8 = vector.broadcast %broadcast_in_dim3A_7 : f32 to vector<16xf32>
    %scan3A_9 = arith.constant 0 : i32
    %scan3A_10 = arith.constant 0 : i32
    %scan3A_11 = arith.constant 80 : i32
    %scan3A_12 = arith.addi %scan3A_10, %scan3A_11 : i32
    %scan3A_13 = arith.constant 1 : i32
    %scan3A_14 = scf.for %scan3A_38 = %scan3A_10 to %scan3A_12 step %scan3A_13 iter_args(%scan3A_39 = %scan3A_9) -> (i32)  : i32 {
      %swap3A = arith.index_cast %scan3A_38 : i32 to index
      %swap3A_40 = arith.constant 0 : index
      %swap3A_41 = tpu.vector_load %arg6[%swap3A, %swap3A_40] {strides = array<i32>} : memref<80x16xf32, #tpu.memory_space<vmem>>, vector<1x16xf32>,
      %swap3A_42 = vector.shape_cast %swap3A_41 : vector<1x16xf32> to vector<16xf32>
      %swap3A_43 = vector.shape_cast %broadcast_in_dim3A_8 : vector<16xf32> to vector<1x16xf32>
      tpu.vector_store %arg6[%swap3A, %swap3A_40], %swap3A_43 {strides = array<i32>} : memref<80x16xf32, #tpu.memory_space<vmem>>, vector<1x16xf32>,
      %scan3A_44 = arith.constant 0 : i32
      scf.yield %scan3A_44 : i32
    }
    %scan3A_15 = arith.constant 80 : i32
    %scan3A_16 = arith.constant 0 : i32
    %scan3A_17 = arith.constant 0 : i32
    %scan3A_18 = arith.constant 8 : i32
    %scan3A_19 = arith.addi %scan3A_17, %scan3A_18 : i32
    %scan3A_20 = arith.constant 1 : i32
    %scan3A_21 = scf.for %scan3A_38 = %scan3A_17 to %scan3A_19 step %scan3A_20 iter_args(%scan3A_39 = %scan3A_16) -> (i32)  : i32 {
      %mul3A = arith.constant 640 : i32
      %mul3A_40 = arith.muli %arg1, %mul3A : i32
      %mul3A_41 = arith.constant 80 : i32
      %mul3A_42 = arith.muli %scan3A_38, %mul3A_41 : i32
      %add3A = arith.addi %mul3A_40, %mul3A_42 : i32
      "tpu.region"() ({
        %run_scoped3A = tpu.sem_alloc : memref<!tpu.dma_semaphore, #tpu.memory_space<semaphore_mem>>
        %dma_start3A = arith.constant 0 : i32
        %dma_start3A_44 = tpu.memref_slice %arg7[%add3A, %dma_start3A] : memref<10240x16xf32, #tpu.memory_space<vmem_shared>> -> memref<80x16xf32, #tpu.memory_space<vmem_shared>>
        %dma_start3A_45 = arith.constant 0 : i32
        %dma_start3A_46 = tpu.memref_slice %arg7[%add3A, %dma_start3A_45] : memref<10240x16xf32, #tpu.memory_space<vmem_shared>> -> memref<80x16xf32, #tpu.memory_space<vmem_shared>>
        tpu.enqueue_dma source(%arg5 : memref<80x16xf32, #tpu.memory_space<vmem>>) target(%dma_start3A_46 : memref<80x16xf32, #tpu.memory_space<vmem_shared>>) target_semaphore(%run_scoped3A : memref<!tpu.dma_semaphore, #tpu.memory_space<semaphore_mem>>)
        %dma_wait3A = arith.constant 0 : i32
        %dma_wait3A_47 = tpu.memref_slice %arg7[%add3A, %dma_wait3A] : memref<10240x16xf32, #tpu.memory_space<vmem_shared>> -> memref<80x16xf32, #tpu.memory_space<vmem_shared>>
        %dma_wait3A_48 = arith.constant 0 : i32
        %dma_wait3A_49 = tpu.memref_slice %arg7[%add3A, %dma_wait3A_48] : memref<10240x16xf32, #tpu.memory_space<vmem_shared>> -> memref<80x16xf32, #tpu.memory_space<vmem_shared>>
        tpu.wait_dma2 semaphore(%run_scoped3A : memref<!tpu.dma_semaphore, #tpu.memory_space<semaphore_mem>>) src(%arg5 : memref<80x16xf32, #tpu.memory_space<vmem>>) dst(%dma_wait3A_49 : memref<80x16xf32, #tpu.memory_space<vmem_shared>>)
        tpu.yield
      }) : () -> ()
      %scan3A_43 = arith.constant 0 : i32
      scf.yield %scan3A_43 : i32
    }
    %scan3A_22 = arith.constant 8 : i32
    %barrier3A = arith.constant 0 : index
    tpu.barrier barrier_id(%barrier3A)
    %scan3A_23 = arith.constant 0 : i32
    %scan3A_24 = arith.constant 0 : i32
    %scan3A_25 = arith.constant 125 : i32
    %scan3A_26 = arith.addi %scan3A_24, %scan3A_25 : i32
    %scan3A_27 = arith.constant 1 : i32
    %scan3A_28 = scf.for %scan3A_38 = %scan3A_24 to %scan3A_26 step %scan3A_27 iter_args(%scan3A_39 = %scan3A_23) -> (i32)  : i32 {
      %mul3A = arith.constant 16 : i32
      %mul3A_40 = arith.muli %arg0, %mul3A : i32
      %add3A = arith.addi %mul3A_40, %arg1 : i32
      %mul3A_41 = arith.constant 10000 : i32
      %mul3A_42 = arith.muli %add3A, %mul3A_41 : i32
      %mul3A_43 = arith.constant 80 : i32
      %mul3A_44 = arith.muli %scan3A_38, %mul3A_43 : i32
      %add3A_45 = arith.addi %mul3A_42, %mul3A_44 : i32
      "tpu.region"() ({
        %run_scoped3A = tpu.sem_alloc : memref<!tpu.dma_semaphore, #tpu.memory_space<semaphore_mem>>
        %dma_start3A = tpu.memref_slice %arg2[%add3A_45] : memref<320000xi32, #tpu.memory_space<hbm>> -> memref<80xi32, #tpu.memory_space<hbm>>
        %dma_start3A_47 = tpu.memref_slice %arg2[%add3A_45] : memref<320000xi32, #tpu.memory_space<hbm>> -> memref<80xi32, #tpu.memory_space<hbm>>
        tpu.enqueue_dma source(%dma_start3A_47 : memref<80xi32, #tpu.memory_space<hbm>>) target(%arg4 : memref<80xi32, #tpu.memory_space<vmem>>) target_semaphore(%run_scoped3A : memref<!tpu.dma_semaphore, #tpu.memory_space<semaphore_mem>>)
        %dma_wait3A = tpu.memref_slice %arg2[%add3A_45] : memref<320000xi32, #tpu.memory_space<hbm>> -> memref<80xi32, #tpu.memory_space<hbm>>
        %dma_wait3A_48 = tpu.memref_slice %arg2[%add3A_45] : memref<320000xi32, #tpu.memory_space<hbm>> -> memref<80xi32, #tpu.memory_space<hbm>>
        tpu.wait_dma2 semaphore(%run_scoped3A : memref<!tpu.dma_semaphore, #tpu.memory_space<semaphore_mem>>) src(%dma_wait3A_48 : memref<80xi32, #tpu.memory_space<hbm>>) dst(%arg4 : memref<80xi32, #tpu.memory_space<vmem>>)
        tpu.yield
      }) : () -> ()
      "tpu.region"() ({
        %run_scoped3A = tpu.sem_alloc : memref<!tpu.dma_semaphore, #tpu.memory_space<semaphore_mem>>
        %dma_start3A = arith.constant 0 : i32
        %dma_start3A_47 = arith.constant 0 : i32
        %dma_start3A_48 = tpu.memref_slice %arg7[%dma_start3A, %dma_start3A_47] : memref<10240x16xf32, #tpu.memory_space<vmem_shared>> -> memref<10240x16xf32, #tpu.memory_space<vmem_shared>>
        tpu.enqueue_indirect_dma source(%arg6 : memref<80x16xf32, #tpu.memory_space<vmem>>) target(%dma_start3A_48 : memref<10240x16xf32, #tpu.memory_space<vmem_shared>>) offsets(%arg4 : memref<80xi32, #tpu.memory_space<vmem>>) semaphore(%run_scoped3A : memref<!tpu.dma_semaphore, #tpu.memory_space<semaphore_mem>>) {add = true}
        %dma_wait3A = arith.constant 0 : i32
        %dma_wait3A_49 = arith.constant 0 : i32
        %dma_wait3A_50 = tpu.memref_slice %arg7[%dma_wait3A, %dma_wait3A_49] : memref<10240x16xf32, #tpu.memory_space<vmem_shared>> -> memref<10240x16xf32, #tpu.memory_space<vmem_shared>>
        tpu.wait_indirect_dma semaphore(%run_scoped3A : memref<!tpu.dma_semaphore, #tpu.memory_space<semaphore_mem>>) src(%arg6 : memref<80x16xf32, #tpu.memory_space<vmem>>) dst(%dma_wait3A_50 : memref<10240x16xf32, #tpu.memory_space<vmem_shared>>)
        tpu.yield
      }) : () -> ()
      %scan3A_46 = arith.constant 0 : i32
      scf.yield %scan3A_46 : i32
    }
    %scan3A_29 = arith.constant 125 : i32
    %barrier3A_30 = arith.constant 0 : index
    tpu.barrier barrier_id(%barrier3A_30)
    %scan3A_31 = arith.constant 0 : i32
    %scan3A_32 = arith.constant 0 : i32
    %scan3A_33 = arith.constant 8 : i32
    %scan3A_34 = arith.addi %scan3A_32, %scan3A_33 : i32
    %scan3A_35 = arith.constant 1 : i32
    %scan3A_36 = scf.for %scan3A_38 = %scan3A_32 to %scan3A_34 step %scan3A_35 iter_args(%scan3A_39 = %scan3A_31) -> (i32)  : i32 {
      %mul3A = arith.constant 640 : i32
      %mul3A_40 = arith.muli %arg1, %mul3A : i32
      %mul3A_41 = arith.constant 80 : i32
      %mul3A_42 = arith.muli %scan3A_38, %mul3A_41 : i32
      %add3A = arith.addi %mul3A_40, %mul3A_42 : i32
      "tpu.region"() ({
        %run_scoped3A = tpu.sem_alloc : memref<!tpu.dma_semaphore, #tpu.memory_space<semaphore_mem>>
        %dma_start3A = arith.constant 0 : i32
        %dma_start3A_44 = tpu.memref_slice %arg3[%arg0, %add3A, %dma_start3A] : memref<2x10240x16xf32, #tpu.memory_space<hbm>> -> memref<1x80x16xf32, #tpu.memory_space<hbm>>
        %dma_start3A_45 = tpu.memref_squeeze %dma_start3A_44 : memref<1x80x16xf32, #tpu.memory_space<hbm>> -> memref<80x16xf32, #tpu.memory_space<hbm>>
        %dma_start3A_46 = arith.constant 0 : i32
        %dma_start3A_47 = tpu.memref_slice %arg7[%add3A, %dma_start3A_46] : memref<10240x16xf32, #tpu.memory_space<vmem_shared>> -> memref<80x16xf32, #tpu.memory_space<vmem_shared>>
        tpu.enqueue_dma source(%dma_start3A_47 : memref<80x16xf32, #tpu.memory_space<vmem_shared>>) target(%dma_start3A_45 : memref<80x16xf32, #tpu.memory_space<hbm>>) target_semaphore(%run_scoped3A : memref<!tpu.dma_semaphore, #tpu.memory_space<semaphore_mem>>)
        %dma_wait3A = arith.constant 0 : i32
        %dma_wait3A_48 = tpu.memref_slice %arg3[%arg0, %add3A, %dma_wait3A] : memref<2x10240x16xf32, #tpu.memory_space<hbm>> -> memref<1x80x16xf32, #tpu.memory_space<hbm>>
        %dma_wait3A_49 = tpu.memref_squeeze %dma_wait3A_48 : memref<1x80x16xf32, #tpu.memory_space<hbm>> -> memref<80x16xf32, #tpu.memory_space<hbm>>
        %dma_wait3A_50 = arith.constant 0 : i32
        %dma_wait3A_51 = tpu.memref_slice %arg7[%add3A, %dma_wait3A_50] : memref<10240x16xf32, #tpu.memory_space<vmem_shared>> -> memref<80x16xf32, #tpu.memory_space<vmem_shared>>
        tpu.wait_dma2 semaphore(%run_scoped3A : memref<!tpu.dma_semaphore, #tpu.memory_space<semaphore_mem>>) src(%dma_wait3A_51 : memref<80x16xf32, #tpu.memory_space<vmem_shared>>) dst(%dma_wait3A_49 : memref<80x16xf32, #tpu.memory_space<hbm>>)
        tpu.yield
      }) : () -> ()
      %scan3A_43 = arith.constant 0 : i32
      scf.yield %scan3A_43 : i32
    }
    %scan3A_37 = arith.constant 8 : i32
    return
  }
}

#map = affine_map<(d0, d1) -> (0, 0)>
#map1 = affine_map<(d0, d1) -> (0)>
#map2 = affine_map<(d0, d1) -> (0, 0, 0)>
module attributes {stable_mosaic.version = 14 : i64} {
  func.func @k(%arg0: i32, %arg1: i32, %arg2: memref<10240x128xf32, #tpu.memory_space<hbm>>, %arg3: memref<320000xi32, #tpu.memory_space<hbm>>, %arg4: memref<320000xi32, #tpu.memory_space<hbm>>, %arg5: memref<2x10240x128xf32, #tpu.memory_space<hbm>>, %arg6: memref<2x80xi32, #tpu.memory_space<vmem>>, %arg7: memref<2x80xi32, #tpu.memory_space<vmem>>, %arg8: memref<2x80x128xf32, #tpu.memory_space<vmem>>, %arg9: memref<10240x128xf32, #tpu.memory_space<vmem_shared>>, %arg10: memref<!tpu.dma_semaphore, #tpu.memory_space<semaphore_mem>>, %arg11: memref<!tpu.dma_semaphore, #tpu.memory_space<semaphore_mem>>) attributes {dimension_semantics = [#tpu.dimension_semantics<core_parallel>, #tpu.dimension_semantics<subcore_parallel>], iteration_bounds = array<i64: 2, 16>, scalar_prefetch = 0 : i64, scratch_operands = 6 : i64, tpu.core_type = #tpu.core_type<sc_vector_subcore>, window_params = [{transform_indices = #map}, {transform_indices = #map1}, {transform_indices = #map1}, {transform_indices = #map2}]} {
    %mul3A = arith.constant 16 : i32
    %mul3A_0 = arith.muli %arg0, %mul3A : i32
    %add3A = arith.addi %mul3A_0, %arg1 : i32
    %mul3A_1 = arith.constant 10000 : i32
    %mul3A_2 = arith.muli %add3A, %mul3A_1 : i32
    %scan3A = arith.constant 0 : i32
    %scan3A_3 = arith.constant 0 : i32
    %scan3A_4 = arith.constant 640 : i32
    %scan3A_5 = arith.addi %scan3A_3, %scan3A_4 : i32
    %scan3A_6 = arith.constant 1 : i32
    %scan3A_7 = scf.for %scan3A_53 = %scan3A_3 to %scan3A_5 step %scan3A_6 iter_args(%scan3A_54 = %scan3A) -> (i32)  : i32 {
      %broadcast_in_dim3A = arith.constant 0.000000e+00 : f32
      %broadcast_in_dim3A_55 = vector.broadcast %broadcast_in_dim3A : f32 to vector<16xf32>
      %jit3A = arith.constant 8 : i32
      %div3A = arith.divsi %scan3A_53, %jit3A : i32
      %sign3A = arith.constant 0 : i32
      %sign3A_56 = arith.cmpi sgt, %scan3A_53, %sign3A : i32
      %sign3A_57 = arith.extui %sign3A_56 : i1 to i32
      %sign3A_58 = arith.constant 0 : i32
      %sign3A_59 = arith.cmpi slt, %scan3A_53, %sign3A_58 : i32
      %sign3A_60 = arith.extui %sign3A_59 : i1 to i32
      %sign3A_61 = arith.subi %sign3A_57, %sign3A_60 : i32
      %sign3A_62 = arith.constant 0 : i32
      %sign3A_63 = arith.cmpi sgt, %jit3A, %sign3A_62 : i32
      %sign3A_64 = arith.extui %sign3A_63 : i1 to i32
      %sign3A_65 = arith.constant 0 : i32
      %sign3A_66 = arith.cmpi slt, %jit3A, %sign3A_65 : i32
      %sign3A_67 = arith.extui %sign3A_66 : i1 to i32
      %sign3A_68 = arith.subi %sign3A_64, %sign3A_67 : i32
      %ne3A = arith.cmpi ne, %sign3A_61, %sign3A_68 : i32
      %rem3A = arith.remsi %scan3A_53, %jit3A : i32
      %ne3A_69 = arith.constant 0 : i32
      %ne3A_70 = arith.cmpi ne, %rem3A, %ne3A_69 : i32
      %and3A = arith.andi %ne3A, %ne3A_70 : i1
      %sub3A = arith.constant 1 : i32
      %sub3A_71 = arith.subi %div3A, %sub3A : i32
      %select_n3A = arith.select %and3A, %sub3A_71, %div3A : i32
      %jit3A_72 = arith.constant 8 : i32
      %eq3A = arith.constant 0 : i32
      %eq3A_73 = arith.cmpi eq, %jit3A_72, %eq3A : i32
      %jit3A_74 = arith.constant 1 : i32
      %select_n3A_75 = arith.select %eq3A_73, %jit3A_74, %jit3A_72 : i32
      %rem3A_76 = arith.remsi %scan3A_53, %select_n3A_75 : i32
      %ne3A_77 = arith.constant 0 : i32
      %ne3A_78 = arith.cmpi ne, %rem3A_76, %ne3A_77 : i32
      %lt3A = arith.constant 0 : i32
      %lt3A_79 = arith.cmpi slt, %rem3A_76, %lt3A : i32
      %lt3A_80 = arith.constant 0 : i32
      %lt3A_81 = arith.cmpi slt, %select_n3A_75, %lt3A_80 : i32
      %ne3A_82 = arith.xori %lt3A_79, %lt3A_81 : i1
      %and3A_83 = arith.andi %ne3A_82, %ne3A_78 : i1
      %add3A_84 = arith.addi %rem3A_76, %select_n3A_75 : i32
      %select_n3A_85 = arith.select %and3A_83, %add3A_84, %rem3A_76 : i32
      %mul3A_86 = arith.constant 16 : i32
      %mul3A_87 = arith.muli %select_n3A_85, %mul3A_86 : i32
      %swap3A = arith.constant 0 : i32
      %swap3A_88 = arith.index_cast %swap3A : i32 to index
      %swap3A_89 = arith.index_cast %select_n3A : i32 to index
      %swap3A_90 = arith.index_cast %mul3A_87 : i32 to index
      %swap3A_91 = tpu.vector_load %arg8[%swap3A_88, %swap3A_89, %swap3A_90] {strides = array<i32>} : memref<2x80x128xf32, #tpu.memory_space<vmem>>, vector<1x1x16xf32>,
      %swap3A_92 = vector.shape_cast %swap3A_91 : vector<1x1x16xf32> to vector<16xf32>
      %swap3A_93 = vector.shape_cast %broadcast_in_dim3A_55 : vector<16xf32> to vector<1x1x16xf32>
      tpu.vector_store %arg8[%swap3A_88, %swap3A_89, %swap3A_90], %swap3A_93 {strides = array<i32>} : memref<2x80x128xf32, #tpu.memory_space<vmem>>, vector<1x1x16xf32>,
      %scan3A_94 = arith.constant 0 : i32
      scf.yield %scan3A_94 : i32
    }
    %scan3A_8 = arith.constant 640 : i32
    %scan3A_9 = arith.constant 0 : i32
    %scan3A_10 = arith.constant 0 : i32
    %scan3A_11 = arith.constant 8 : i32
    %scan3A_12 = arith.addi %scan3A_10, %scan3A_11 : i32
    %scan3A_13 = arith.constant 1 : i32
    %scan3A_14 = scf.for %scan3A_53 = %scan3A_10 to %scan3A_12 step %scan3A_13 iter_args(%scan3A_54 = %scan3A_9) -> (i32)  : i32 {
      %mul3A_55 = arith.constant 640 : i32
      %mul3A_56 = arith.muli %arg1, %mul3A_55 : i32
      %mul3A_57 = arith.constant 80 : i32
      %mul3A_58 = arith.muli %scan3A_53, %mul3A_57 : i32
      %add3A_59 = arith.addi %mul3A_56, %mul3A_58 : i32
      %run_scoped3A_60 = arith.constant 0 : i32
      "tpu.region"() ({
        %run_scoped3A_62 = tpu.sem_alloc : memref<!tpu.dma_semaphore, #tpu.memory_space<semaphore_mem>>
        %dma_start3A_63 = arith.constant 0 : i32
        %dma_start3A_64 = arith.constant 0 : i32
        %dma_start3A_65 = tpu.memref_slice %arg8[%run_scoped3A_60, %dma_start3A_63, %dma_start3A_64] : memref<2x80x128xf32, #tpu.memory_space<vmem>> -> memref<1x80x128xf32, #tpu.memory_space<vmem>>
        %dma_start3A_66 = tpu.memref_squeeze %dma_start3A_65 : memref<1x80x128xf32, #tpu.memory_space<vmem>> -> memref<80x128xf32, #tpu.memory_space<vmem>>
        %dma_start3A_67 = arith.constant 0 : i32
        %dma_start3A_68 = tpu.memref_slice %arg9[%add3A_59, %dma_start3A_67] : memref<10240x128xf32, #tpu.memory_space<vmem_shared>> -> memref<80x128xf32, #tpu.memory_space<vmem_shared>>
        %dma_start3A_69 = arith.constant 0 : i32
        %dma_start3A_70 = tpu.memref_slice %arg9[%add3A_59, %dma_start3A_69] : memref<10240x128xf32, #tpu.memory_space<vmem_shared>> -> memref<80x128xf32, #tpu.memory_space<vmem_shared>>
        %dma_start3A_71 = arith.constant 0 : i32
        %dma_start3A_72 = arith.constant 0 : i32
        %dma_start3A_73 = tpu.memref_slice %arg8[%run_scoped3A_60, %dma_start3A_71, %dma_start3A_72] : memref<2x80x128xf32, #tpu.memory_space<vmem>> -> memref<1x80x128xf32, #tpu.memory_space<vmem>>
        %dma_start3A_74 = tpu.memref_squeeze %dma_start3A_73 : memref<1x80x128xf32, #tpu.memory_space<vmem>> -> memref<80x128xf32, #tpu.memory_space<vmem>>
        tpu.enqueue_dma source(%dma_start3A_74 : memref<80x128xf32, #tpu.memory_space<vmem>>) target(%dma_start3A_70 : memref<80x128xf32, #tpu.memory_space<vmem_shared>>) target_semaphore(%run_scoped3A_62 : memref<!tpu.dma_semaphore, #tpu.memory_space<semaphore_mem>>)
        %dma_wait3A_75 = arith.constant 0 : i32
        %dma_wait3A_76 = arith.constant 0 : i32
        %dma_wait3A_77 = tpu.memref_slice %arg8[%run_scoped3A_60, %dma_wait3A_75, %dma_wait3A_76] : memref<2x80x128xf32, #tpu.memory_space<vmem>> -> memref<1x80x128xf32, #tpu.memory_space<vmem>>
        %dma_wait3A_78 = tpu.memref_squeeze %dma_wait3A_77 : memref<1x80x128xf32, #tpu.memory_space<vmem>> -> memref<80x128xf32, #tpu.memory_space<vmem>>
        %dma_wait3A_79 = arith.constant 0 : i32
        %dma_wait3A_80 = tpu.memref_slice %arg9[%add3A_59, %dma_wait3A_79] : memref<10240x128xf32, #tpu.memory_space<vmem_shared>> -> memref<80x128xf32, #tpu.memory_space<vmem_shared>>
        %dma_wait3A_81 = arith.constant 0 : i32
        %dma_wait3A_82 = tpu.memref_slice %arg9[%add3A_59, %dma_wait3A_81] : memref<10240x128xf32, #tpu.memory_space<vmem_shared>> -> memref<80x128xf32, #tpu.memory_space<vmem_shared>>
        %dma_wait3A_83 = arith.constant 0 : i32
        %dma_wait3A_84 = arith.constant 0 : i32
        %dma_wait3A_85 = tpu.memref_slice %arg8[%run_scoped3A_60, %dma_wait3A_83, %dma_wait3A_84] : memref<2x80x128xf32, #tpu.memory_space<vmem>> -> memref<1x80x128xf32, #tpu.memory_space<vmem>>
        %dma_wait3A_86 = tpu.memref_squeeze %dma_wait3A_85 : memref<1x80x128xf32, #tpu.memory_space<vmem>> -> memref<80x128xf32, #tpu.memory_space<vmem>>
        tpu.wait_dma2 semaphore(%run_scoped3A_62 : memref<!tpu.dma_semaphore, #tpu.memory_space<semaphore_mem>>) src(%dma_wait3A_86 : memref<80x128xf32, #tpu.memory_space<vmem>>) dst(%dma_wait3A_82 : memref<80x128xf32, #tpu.memory_space<vmem_shared>>)
        tpu.yield
      }) : () -> ()
      %scan3A_61 = arith.constant 0 : i32
      scf.yield %scan3A_61 : i32
    }
    %scan3A_15 = arith.constant 8 : i32
    %barrier3A = arith.constant 0 : index
    tpu.barrier barrier_id(%barrier3A)
    %add3A_16 = arith.constant 0 : i32
    %add3A_17 = arith.addi %mul3A_2, %add3A_16 : i32
    %run_scoped3A = arith.constant 0 : i32
    "tpu.region"() ({
      %run_scoped3A_53 = tpu.sem_alloc : memref<!tpu.dma_semaphore, #tpu.memory_space<semaphore_mem>>
      %dma_start3A_54 = arith.constant 0 : i32
      %dma_start3A_55 = tpu.memref_slice %arg6[%run_scoped3A, %dma_start3A_54] : memref<2x80xi32, #tpu.memory_space<vmem>> -> memref<1x80xi32, #tpu.memory_space<vmem>>
      %dma_start3A_56 = tpu.memref_squeeze %dma_start3A_55 : memref<1x80xi32, #tpu.memory_space<vmem>> -> memref<80xi32, #tpu.memory_space<vmem>>
      %dma_start3A_57 = tpu.memref_slice %arg3[%add3A_17] : memref<320000xi32, #tpu.memory_space<hbm>> -> memref<80xi32, #tpu.memory_space<hbm>>
      %dma_start3A_58 = arith.constant 0 : i32
      %dma_start3A_59 = tpu.memref_slice %arg6[%run_scoped3A, %dma_start3A_58] : memref<2x80xi32, #tpu.memory_space<vmem>> -> memref<1x80xi32, #tpu.memory_space<vmem>>
      %dma_start3A_60 = tpu.memref_squeeze %dma_start3A_59 : memref<1x80xi32, #tpu.memory_space<vmem>> -> memref<80xi32, #tpu.memory_space<vmem>>
      %dma_start3A_61 = tpu.memref_slice %arg3[%add3A_17] : memref<320000xi32, #tpu.memory_space<hbm>> -> memref<80xi32, #tpu.memory_space<hbm>>
      tpu.enqueue_dma source(%dma_start3A_61 : memref<80xi32, #tpu.memory_space<hbm>>) target(%dma_start3A_60 : memref<80xi32, #tpu.memory_space<vmem>>) target_semaphore(%run_scoped3A_53 : memref<!tpu.dma_semaphore, #tpu.memory_space<semaphore_mem>>)
      %dma_wait3A_62 = arith.constant 0 : i32
      %dma_wait3A_63 = tpu.memref_slice %arg6[%run_scoped3A, %dma_wait3A_62] : memref<2x80xi32, #tpu.memory_space<vmem>> -> memref<1x80xi32, #tpu.memory_space<vmem>>
      %dma_wait3A_64 = tpu.memref_squeeze %dma_wait3A_63 : memref<1x80xi32, #tpu.memory_space<vmem>> -> memref<80xi32, #tpu.memory_space<vmem>>
      %dma_wait3A_65 = tpu.memref_slice %arg3[%add3A_17] : memref<320000xi32, #tpu.memory_space<hbm>> -> memref<80xi32, #tpu.memory_space<hbm>>
      %dma_wait3A_66 = arith.constant 0 : i32
      %dma_wait3A_67 = tpu.memref_slice %arg6[%run_scoped3A, %dma_wait3A_66] : memref<2x80xi32, #tpu.memory_space<vmem>> -> memref<1x80xi32, #tpu.memory_space<vmem>>
      %dma_wait3A_68 = tpu.memref_squeeze %dma_wait3A_67 : memref<1x80xi32, #tpu.memory_space<vmem>> -> memref<80xi32, #tpu.memory_space<vmem>>
      %dma_wait3A_69 = tpu.memref_slice %arg3[%add3A_17] : memref<320000xi32, #tpu.memory_space<hbm>> -> memref<80xi32, #tpu.memory_space<hbm>>
      tpu.wait_dma2 semaphore(%run_scoped3A_53 : memref<!tpu.dma_semaphore, #tpu.memory_space<semaphore_mem>>) src(%dma_wait3A_69 : memref<80xi32, #tpu.memory_space<hbm>>) dst(%dma_wait3A_68 : memref<80xi32, #tpu.memory_space<vmem>>)
      tpu.yield
    }) : () -> ()
    %run_scoped3A_18 = arith.constant 0 : i32
    "tpu.region"() ({
      %run_scoped3A_53 = tpu.sem_alloc : memref<!tpu.dma_semaphore, #tpu.memory_space<semaphore_mem>>
      %dma_start3A_54 = arith.constant 0 : i32
      %dma_start3A_55 = tpu.memref_slice %arg7[%run_scoped3A_18, %dma_start3A_54] : memref<2x80xi32, #tpu.memory_space<vmem>> -> memref<1x80xi32, #tpu.memory_space<vmem>>
      %dma_start3A_56 = tpu.memref_squeeze %dma_start3A_55 : memref<1x80xi32, #tpu.memory_space<vmem>> -> memref<80xi32, #tpu.memory_space<vmem>>
      %dma_start3A_57 = tpu.memref_slice %arg4[%add3A_17] : memref<320000xi32, #tpu.memory_space<hbm>> -> memref<80xi32, #tpu.memory_space<hbm>>
      %dma_start3A_58 = arith.constant 0 : i32
      %dma_start3A_59 = tpu.memref_slice %arg7[%run_scoped3A_18, %dma_start3A_58] : memref<2x80xi32, #tpu.memory_space<vmem>> -> memref<1x80xi32, #tpu.memory_space<vmem>>
      %dma_start3A_60 = tpu.memref_squeeze %dma_start3A_59 : memref<1x80xi32, #tpu.memory_space<vmem>> -> memref<80xi32, #tpu.memory_space<vmem>>
      %dma_start3A_61 = tpu.memref_slice %arg4[%add3A_17] : memref<320000xi32, #tpu.memory_space<hbm>> -> memref<80xi32, #tpu.memory_space<hbm>>
      tpu.enqueue_dma source(%dma_start3A_61 : memref<80xi32, #tpu.memory_space<hbm>>) target(%dma_start3A_60 : memref<80xi32, #tpu.memory_space<vmem>>) target_semaphore(%run_scoped3A_53 : memref<!tpu.dma_semaphore, #tpu.memory_space<semaphore_mem>>)
      %dma_wait3A_62 = arith.constant 0 : i32
      %dma_wait3A_63 = tpu.memref_slice %arg7[%run_scoped3A_18, %dma_wait3A_62] : memref<2x80xi32, #tpu.memory_space<vmem>> -> memref<1x80xi32, #tpu.memory_space<vmem>>
      %dma_wait3A_64 = tpu.memref_squeeze %dma_wait3A_63 : memref<1x80xi32, #tpu.memory_space<vmem>> -> memref<80xi32, #tpu.memory_space<vmem>>
      %dma_wait3A_65 = tpu.memref_slice %arg4[%add3A_17] : memref<320000xi32, #tpu.memory_space<hbm>> -> memref<80xi32, #tpu.memory_space<hbm>>
      %dma_wait3A_66 = arith.constant 0 : i32
      %dma_wait3A_67 = tpu.memref_slice %arg7[%run_scoped3A_18, %dma_wait3A_66] : memref<2x80xi32, #tpu.memory_space<vmem>> -> memref<1x80xi32, #tpu.memory_space<vmem>>
      %dma_wait3A_68 = tpu.memref_squeeze %dma_wait3A_67 : memref<1x80xi32, #tpu.memory_space<vmem>> -> memref<80xi32, #tpu.memory_space<vmem>>
      %dma_wait3A_69 = tpu.memref_slice %arg4[%add3A_17] : memref<320000xi32, #tpu.memory_space<hbm>> -> memref<80xi32, #tpu.memory_space<hbm>>
      tpu.wait_dma2 semaphore(%run_scoped3A_53 : memref<!tpu.dma_semaphore, #tpu.memory_space<semaphore_mem>>) src(%dma_wait3A_69 : memref<80xi32, #tpu.memory_space<hbm>>) dst(%dma_wait3A_68 : memref<80xi32, #tpu.memory_space<vmem>>)
      tpu.yield
    }) : () -> ()
    %dma_start3A = arith.constant 0 : i32
    %dma_start3A_19 = arith.constant 0 : i32
    %dma_start3A_20 = arith.constant 0 : i32
    %dma_start3A_21 = arith.constant 0 : i32
    %dma_start3A_22 = tpu.memref_slice %arg8[%dma_start3A_19, %dma_start3A_20, %dma_start3A_21] : memref<2x80x128xf32, #tpu.memory_space<vmem>> -> memref<1x80x128xf32, #tpu.memory_space<vmem>>
    %dma_start3A_23 = tpu.memref_squeeze %dma_start3A_22 : memref<1x80x128xf32, #tpu.memory_space<vmem>> -> memref<80x128xf32, #tpu.memory_space<vmem>>
    %dma_start3A_24 = arith.constant 0 : i32
    %dma_start3A_25 = tpu.memref_slice %arg6[%dma_start3A, %dma_start3A_24] : memref<2x80xi32, #tpu.memory_space<vmem>> -> memref<1x80xi32, #tpu.memory_space<vmem>>
    %dma_start3A_26 = tpu.memref_squeeze %dma_start3A_25 : memref<1x80xi32, #tpu.memory_space<vmem>> -> memref<80xi32, #tpu.memory_space<vmem>>
    %dma_start3A_27 = arith.constant 0 : i32
    %dma_start3A_28 = arith.constant 0 : i32
    %dma_start3A_29 = tpu.memref_slice %arg2[%dma_start3A_27, %dma_start3A_28] : memref<10240x128xf32, #tpu.memory_space<hbm>> -> memref<10240x128xf32, #tpu.memory_space<hbm>>
    tpu.enqueue_indirect_dma source(%dma_start3A_29 : memref<10240x128xf32, #tpu.memory_space<hbm>>) target(%dma_start3A_23 : memref<80x128xf32, #tpu.memory_space<vmem>>) offsets(%dma_start3A_26 : memref<80xi32, #tpu.memory_space<vmem>>) semaphore(%arg10 : memref<!tpu.dma_semaphore, #tpu.memory_space<semaphore_mem>>)
    %scan3A_30 = arith.constant 0 : i32
    %scan3A_31 = arith.constant 0 : i32
    %scan3A_32 = arith.constant 62 : i32
    %scan3A_33 = arith.addi %scan3A_31, %scan3A_32 : i32
    %scan3A_34 = arith.constant 1 : i32
    %scan3A_35 = scf.for %scan3A_53 = %scan3A_31 to %scan3A_33 step %scan3A_34 iter_args(%scan3A_54 = %scan3A_30) -> (i32)  : i32 {
      %mul3A_55 = arith.constant 2 : i32
      %mul3A_56 = arith.muli %mul3A_55, %scan3A_53 : i32
      %add3A_57 = arith.constant 1 : i32
      %add3A_58 = arith.addi %mul3A_56, %add3A_57 : i32
      %mul3A_59 = arith.constant 80 : i32
      %mul3A_60 = arith.muli %add3A_58, %mul3A_59 : i32
      %add3A_61 = arith.addi %mul3A_2, %mul3A_60 : i32
      %run_scoped3A_62 = arith.constant 1 : i32
      "tpu.region"() ({
        %run_scoped3A_126 = tpu.sem_alloc : memref<!tpu.dma_semaphore, #tpu.memory_space<semaphore_mem>>
        %dma_start3A_127 = arith.constant 0 : i32
        %dma_start3A_128 = tpu.memref_slice %arg6[%run_scoped3A_62, %dma_start3A_127] : memref<2x80xi32, #tpu.memory_space<vmem>> -> memref<1x80xi32, #tpu.memory_space<vmem>>
        %dma_start3A_129 = tpu.memref_squeeze %dma_start3A_128 : memref<1x80xi32, #tpu.memory_space<vmem>> -> memref<80xi32, #tpu.memory_space<vmem>>
        %dma_start3A_130 = tpu.memref_slice %arg3[%add3A_61] : memref<320000xi32, #tpu.memory_space<hbm>> -> memref<80xi32, #tpu.memory_space<hbm>>
        %dma_start3A_131 = arith.constant 0 : i32
        %dma_start3A_132 = tpu.memref_slice %arg6[%run_scoped3A_62, %dma_start3A_131] : memref<2x80xi32, #tpu.memory_space<vmem>> -> memref<1x80xi32, #tpu.memory_space<vmem>>
        %dma_start3A_133 = tpu.memref_squeeze %dma_start3A_132 : memref<1x80xi32, #tpu.memory_space<vmem>> -> memref<80xi32, #tpu.memory_space<vmem>>
        %dma_start3A_134 = tpu.memref_slice %arg3[%add3A_61] : memref<320000xi32, #tpu.memory_space<hbm>> -> memref<80xi32, #tpu.memory_space<hbm>>
        tpu.enqueue_dma source(%dma_start3A_134 : memref<80xi32, #tpu.memory_space<hbm>>) target(%dma_start3A_133 : memref<80xi32, #tpu.memory_space<vmem>>) target_semaphore(%run_scoped3A_126 : memref<!tpu.dma_semaphore, #tpu.memory_space<semaphore_mem>>)
        %dma_wait3A_135 = arith.constant 0 : i32
        %dma_wait3A_136 = tpu.memref_slice %arg6[%run_scoped3A_62, %dma_wait3A_135] : memref<2x80xi32, #tpu.memory_space<vmem>> -> memref<1x80xi32, #tpu.memory_space<vmem>>
        %dma_wait3A_137 = tpu.memref_squeeze %dma_wait3A_136 : memref<1x80xi32, #tpu.memory_space<vmem>> -> memref<80xi32, #tpu.memory_space<vmem>>
        %dma_wait3A_138 = tpu.memref_slice %arg3[%add3A_61] : memref<320000xi32, #tpu.memory_space<hbm>> -> memref<80xi32, #tpu.memory_space<hbm>>
        %dma_wait3A_139 = arith.constant 0 : i32
        %dma_wait3A_140 = tpu.memref_slice %arg6[%run_scoped3A_62, %dma_wait3A_139] : memref<2x80xi32, #tpu.memory_space<vmem>> -> memref<1x80xi32, #tpu.memory_space<vmem>>
        %dma_wait3A_141 = tpu.memref_squeeze %dma_wait3A_140 : memref<1x80xi32, #tpu.memory_space<vmem>> -> memref<80xi32, #tpu.memory_space<vmem>>
        %dma_wait3A_142 = tpu.memref_slice %arg3[%add3A_61] : memref<320000xi32, #tpu.memory_space<hbm>> -> memref<80xi32, #tpu.memory_space<hbm>>
        tpu.wait_dma2 semaphore(%run_scoped3A_126 : memref<!tpu.dma_semaphore, #tpu.memory_space<semaphore_mem>>) src(%dma_wait3A_142 : memref<80xi32, #tpu.memory_space<hbm>>) dst(%dma_wait3A_141 : memref<80xi32, #tpu.memory_space<vmem>>)
        tpu.yield
      }) : () -> ()
      %run_scoped3A_63 = arith.constant 1 : i32
      "tpu.region"() ({
        %run_scoped3A_126 = tpu.sem_alloc : memref<!tpu.dma_semaphore, #tpu.memory_space<semaphore_mem>>
        %dma_start3A_127 = arith.constant 0 : i32
        %dma_start3A_128 = tpu.memref_slice %arg7[%run_scoped3A_63, %dma_start3A_127] : memref<2x80xi32, #tpu.memory_space<vmem>> -> memref<1x80xi32, #tpu.memory_space<vmem>>
        %dma_start3A_129 = tpu.memref_squeeze %dma_start3A_128 : memref<1x80xi32, #tpu.memory_space<vmem>> -> memref<80xi32, #tpu.memory_space<vmem>>
        %dma_start3A_130 = tpu.memref_slice %arg4[%add3A_61] : memref<320000xi32, #tpu.memory_space<hbm>> -> memref<80xi32, #tpu.memory_space<hbm>>
        %dma_start3A_131 = arith.constant 0 : i32
        %dma_start3A_132 = tpu.memref_slice %arg7[%run_scoped3A_63, %dma_start3A_131] : memref<2x80xi32, #tpu.memory_space<vmem>> -> memref<1x80xi32, #tpu.memory_space<vmem>>
        %dma_start3A_133 = tpu.memref_squeeze %dma_start3A_132 : memref<1x80xi32, #tpu.memory_space<vmem>> -> memref<80xi32, #tpu.memory_space<vmem>>
        %dma_start3A_134 = tpu.memref_slice %arg4[%add3A_61] : memref<320000xi32, #tpu.memory_space<hbm>> -> memref<80xi32, #tpu.memory_space<hbm>>
        tpu.enqueue_dma source(%dma_start3A_134 : memref<80xi32, #tpu.memory_space<hbm>>) target(%dma_start3A_133 : memref<80xi32, #tpu.memory_space<vmem>>) target_semaphore(%run_scoped3A_126 : memref<!tpu.dma_semaphore, #tpu.memory_space<semaphore_mem>>)
        %dma_wait3A_135 = arith.constant 0 : i32
        %dma_wait3A_136 = tpu.memref_slice %arg7[%run_scoped3A_63, %dma_wait3A_135] : memref<2x80xi32, #tpu.memory_space<vmem>> -> memref<1x80xi32, #tpu.memory_space<vmem>>
        %dma_wait3A_137 = tpu.memref_squeeze %dma_wait3A_136 : memref<1x80xi32, #tpu.memory_space<vmem>> -> memref<80xi32, #tpu.memory_space<vmem>>
        %dma_wait3A_138 = tpu.memref_slice %arg4[%add3A_61] : memref<320000xi32, #tpu.memory_space<hbm>> -> memref<80xi32, #tpu.memory_space<hbm>>
        %dma_wait3A_139 = arith.constant 0 : i32
        %dma_wait3A_140 = tpu.memref_slice %arg7[%run_scoped3A_63, %dma_wait3A_139] : memref<2x80xi32, #tpu.memory_space<vmem>> -> memref<1x80xi32, #tpu.memory_space<vmem>>
        %dma_wait3A_141 = tpu.memref_squeeze %dma_wait3A_140 : memref<1x80xi32, #tpu.memory_space<vmem>> -> memref<80xi32, #tpu.memory_space<vmem>>
        %dma_wait3A_142 = tpu.memref_slice %arg4[%add3A_61] : memref<320000xi32, #tpu.memory_space<hbm>> -> memref<80xi32, #tpu.memory_space<hbm>>
        tpu.wait_dma2 semaphore(%run_scoped3A_126 : memref<!tpu.dma_semaphore, #tpu.memory_space<semaphore_mem>>) src(%dma_wait3A_142 : memref<80xi32, #tpu.memory_space<hbm>>) dst(%dma_wait3A_141 : memref<80xi32, #tpu.memory_space<vmem>>)
        tpu.yield
      }) : () -> ()
      %dma_start3A_64 = arith.constant 1 : i32
      %dma_start3A_65 = arith.constant 1 : i32
      %dma_start3A_66 = arith.constant 0 : i32
      %dma_start3A_67 = arith.constant 0 : i32
      %dma_start3A_68 = tpu.memref_slice %arg8[%dma_start3A_65, %dma_start3A_66, %dma_start3A_67] : memref<2x80x128xf32, #tpu.memory_space<vmem>> -> memref<1x80x128xf32, #tpu.memory_space<vmem>>
      %dma_start3A_69 = tpu.memref_squeeze %dma_start3A_68 : memref<1x80x128xf32, #tpu.memory_space<vmem>> -> memref<80x128xf32, #tpu.memory_space<vmem>>
      %dma_start3A_70 = arith.constant 0 : i32
      %dma_start3A_71 = tpu.memref_slice %arg6[%dma_start3A_64, %dma_start3A_70] : memref<2x80xi32, #tpu.memory_space<vmem>> -> memref<1x80xi32, #tpu.memory_space<vmem>>
      %dma_start3A_72 = tpu.memref_squeeze %dma_start3A_71 : memref<1x80xi32, #tpu.memory_space<vmem>> -> memref<80xi32, #tpu.memory_space<vmem>>
      %dma_start3A_73 = arith.constant 0 : i32
      %dma_start3A_74 = arith.constant 0 : i32
      %dma_start3A_75 = tpu.memref_slice %arg2[%dma_start3A_73, %dma_start3A_74] : memref<10240x128xf32, #tpu.memory_space<hbm>> -> memref<10240x128xf32, #tpu.memory_space<hbm>>
      tpu.enqueue_indirect_dma source(%dma_start3A_75 : memref<10240x128xf32, #tpu.memory_space<hbm>>) target(%dma_start3A_69 : memref<80x128xf32, #tpu.memory_space<vmem>>) offsets(%dma_start3A_72 : memref<80xi32, #tpu.memory_space<vmem>>) semaphore(%arg11 : memref<!tpu.dma_semaphore, #tpu.memory_space<semaphore_mem>>)
      %dma_wait3A_76 = arith.constant 0 : i32
      %dma_wait3A_77 = arith.constant 0 : i32
      %dma_wait3A_78 = arith.constant 0 : i32
      %dma_wait3A_79 = arith.constant 0 : i32
      %dma_wait3A_80 = tpu.memref_slice %arg8[%dma_wait3A_77, %dma_wait3A_78, %dma_wait3A_79] : memref<2x80x128xf32, #tpu.memory_space<vmem>> -> memref<1x80x128xf32, #tpu.memory_space<vmem>>
      %dma_wait3A_81 = tpu.memref_squeeze %dma_wait3A_80 : memref<1x80x128xf32, #tpu.memory_space<vmem>> -> memref<80x128xf32, #tpu.memory_space<vmem>>
      %dma_wait3A_82 = arith.constant 0 : i32
      %dma_wait3A_83 = tpu.memref_slice %arg6[%dma_wait3A_76, %dma_wait3A_82] : memref<2x80xi32, #tpu.memory_space<vmem>> -> memref<1x80xi32, #tpu.memory_space<vmem>>
      %dma_wait3A_84 = tpu.memref_squeeze %dma_wait3A_83 : memref<1x80xi32, #tpu.memory_space<vmem>> -> memref<80xi32, #tpu.memory_space<vmem>>
      %dma_wait3A_85 = arith.constant 0 : i32
      %dma_wait3A_86 = arith.constant 0 : i32
      %dma_wait3A_87 = tpu.memref_slice %arg2[%dma_wait3A_85, %dma_wait3A_86] : memref<10240x128xf32, #tpu.memory_space<hbm>> -> memref<10240x128xf32, #tpu.memory_space<hbm>>
      tpu.wait_indirect_dma semaphore(%arg10 : memref<!tpu.dma_semaphore, #tpu.memory_space<semaphore_mem>>) src(%dma_wait3A_87 : memref<10240x128xf32, #tpu.memory_space<hbm>>) dst(%dma_wait3A_81 : memref<80x128xf32, #tpu.memory_space<vmem>>)
      %run_scoped3A_88 = arith.constant 0 : i32
      %run_scoped3A_89 = arith.constant 0 : i32
      "tpu.region"() ({
        %run_scoped3A_126 = tpu.sem_alloc : memref<!tpu.dma_semaphore, #tpu.memory_space<semaphore_mem>>
        %dma_start3A_127 = arith.constant 0 : i32
        %dma_start3A_128 = arith.constant 0 : i32
        %dma_start3A_129 = tpu.memref_slice %arg8[%run_scoped3A_88, %dma_start3A_127, %dma_start3A_128] : memref<2x80x128xf32, #tpu.memory_space<vmem>> -> memref<1x80x128xf32, #tpu.memory_space<vmem>>
        %dma_start3A_130 = tpu.memref_squeeze %dma_start3A_129 : memref<1x80x128xf32, #tpu.memory_space<vmem>> -> memref<80x128xf32, #tpu.memory_space<vmem>>
        %dma_start3A_131 = arith.constant 0 : i32
        %dma_start3A_132 = tpu.memref_slice %arg7[%run_scoped3A_89, %dma_start3A_131] : memref<2x80xi32, #tpu.memory_space<vmem>> -> memref<1x80xi32, #tpu.memory_space<vmem>>
        %dma_start3A_133 = tpu.memref_squeeze %dma_start3A_132 : memref<1x80xi32, #tpu.memory_space<vmem>> -> memref<80xi32, #tpu.memory_space<vmem>>
        %dma_start3A_134 = arith.constant 0 : i32
        %dma_start3A_135 = arith.constant 0 : i32
        %dma_start3A_136 = tpu.memref_slice %arg9[%dma_start3A_134, %dma_start3A_135] : memref<10240x128xf32, #tpu.memory_space<vmem_shared>> -> memref<10240x128xf32, #tpu.memory_space<vmem_shared>>
        tpu.enqueue_indirect_dma source(%dma_start3A_130 : memref<80x128xf32, #tpu.memory_space<vmem>>) target(%dma_start3A_136 : memref<10240x128xf32, #tpu.memory_space<vmem_shared>>) offsets(%dma_start3A_133 : memref<80xi32, #tpu.memory_space<vmem>>) semaphore(%run_scoped3A_126 : memref<!tpu.dma_semaphore, #tpu.memory_space<semaphore_mem>>) {add = true}
        %dma_wait3A_137 = arith.constant 0 : i32
        %dma_wait3A_138 = arith.constant 0 : i32
        %dma_wait3A_139 = tpu.memref_slice %arg8[%run_scoped3A_88, %dma_wait3A_137, %dma_wait3A_138] : memref<2x80x128xf32, #tpu.memory_space<vmem>> -> memref<1x80x128xf32, #tpu.memory_space<vmem>>
        %dma_wait3A_140 = tpu.memref_squeeze %dma_wait3A_139 : memref<1x80x128xf32, #tpu.memory_space<vmem>> -> memref<80x128xf32, #tpu.memory_space<vmem>>
        %dma_wait3A_141 = arith.constant 0 : i32
        %dma_wait3A_142 = tpu.memref_slice %arg7[%run_scoped3A_89, %dma_wait3A_141] : memref<2x80xi32, #tpu.memory_space<vmem>> -> memref<1x80xi32, #tpu.memory_space<vmem>>
        %dma_wait3A_143 = tpu.memref_squeeze %dma_wait3A_142 : memref<1x80xi32, #tpu.memory_space<vmem>> -> memref<80xi32, #tpu.memory_space<vmem>>
        %dma_wait3A_144 = arith.constant 0 : i32
        %dma_wait3A_145 = arith.constant 0 : i32
        %dma_wait3A_146 = tpu.memref_slice %arg9[%dma_wait3A_144, %dma_wait3A_145] : memref<10240x128xf32, #tpu.memory_space<vmem_shared>> -> memref<10240x128xf32, #tpu.memory_space<vmem_shared>>
        tpu.wait_indirect_dma semaphore(%run_scoped3A_126 : memref<!tpu.dma_semaphore, #tpu.memory_space<semaphore_mem>>) src(%dma_wait3A_140 : memref<80x128xf32, #tpu.memory_space<vmem>>) dst(%dma_wait3A_146 : memref<10240x128xf32, #tpu.memory_space<vmem_shared>>)
        tpu.yield
      }) : () -> ()
      %mul3A_90 = arith.constant 2 : i32
      %mul3A_91 = arith.muli %mul3A_90, %scan3A_53 : i32
      %add3A_92 = arith.constant 2 : i32
      %add3A_93 = arith.addi %mul3A_91, %add3A_92 : i32
      %mul3A_94 = arith.constant 80 : i32
      %mul3A_95 = arith.muli %add3A_93, %mul3A_94 : i32
      %add3A_96 = arith.addi %mul3A_2, %mul3A_95 : i32
      %run_scoped3A_97 = arith.constant 0 : i32
      "tpu.region"() ({
        %run_scoped3A_126 = tpu.sem_alloc : memref<!tpu.dma_semaphore, #tpu.memory_space<semaphore_mem>>
        %dma_start3A_127 = arith.constant 0 : i32
        %dma_start3A_128 = tpu.memref_slice %arg6[%run_scoped3A_97, %dma_start3A_127] : memref<2x80xi32, #tpu.memory_space<vmem>> -> memref<1x80xi32, #tpu.memory_space<vmem>>
        %dma_start3A_129 = tpu.memref_squeeze %dma_start3A_128 : memref<1x80xi32, #tpu.memory_space<vmem>> -> memref<80xi32, #tpu.memory_space<vmem>>
        %dma_start3A_130 = tpu.memref_slice %arg3[%add3A_96] : memref<320000xi32, #tpu.memory_space<hbm>> -> memref<80xi32, #tpu.memory_space<hbm>>
        %dma_start3A_131 = arith.constant 0 : i32
        %dma_start3A_132 = tpu.memref_slice %arg6[%run_scoped3A_97, %dma_start3A_131] : memref<2x80xi32, #tpu.memory_space<vmem>> -> memref<1x80xi32, #tpu.memory_space<vmem>>
        %dma_start3A_133 = tpu.memref_squeeze %dma_start3A_132 : memref<1x80xi32, #tpu.memory_space<vmem>> -> memref<80xi32, #tpu.memory_space<vmem>>
        %dma_start3A_134 = tpu.memref_slice %arg3[%add3A_96] : memref<320000xi32, #tpu.memory_space<hbm>> -> memref<80xi32, #tpu.memory_space<hbm>>
        tpu.enqueue_dma source(%dma_start3A_134 : memref<80xi32, #tpu.memory_space<hbm>>) target(%dma_start3A_133 : memref<80xi32, #tpu.memory_space<vmem>>) target_semaphore(%run_scoped3A_126 : memref<!tpu.dma_semaphore, #tpu.memory_space<semaphore_mem>>)
        %dma_wait3A_135 = arith.constant 0 : i32
        %dma_wait3A_136 = tpu.memref_slice %arg6[%run_scoped3A_97, %dma_wait3A_135] : memref<2x80xi32, #tpu.memory_space<vmem>> -> memref<1x80xi32, #tpu.memory_space<vmem>>
        %dma_wait3A_137 = tpu.memref_squeeze %dma_wait3A_136 : memref<1x80xi32, #tpu.memory_space<vmem>> -> memref<80xi32, #tpu.memory_space<vmem>>
        %dma_wait3A_138 = tpu.memref_slice %arg3[%add3A_96] : memref<320000xi32, #tpu.memory_space<hbm>> -> memref<80xi32, #tpu.memory_space<hbm>>
        %dma_wait3A_139 = arith.constant 0 : i32
        %dma_wait3A_140 = tpu.memref_slice %arg6[%run_scoped3A_97, %dma_wait3A_139] : memref<2x80xi32, #tpu.memory_space<vmem>> -> memref<1x80xi32, #tpu.memory_space<vmem>>
        %dma_wait3A_141 = tpu.memref_squeeze %dma_wait3A_140 : memref<1x80xi32, #tpu.memory_space<vmem>> -> memref<80xi32, #tpu.memory_space<vmem>>
        %dma_wait3A_142 = tpu.memref_slice %arg3[%add3A_96] : memref<320000xi32, #tpu.memory_space<hbm>> -> memref<80xi32, #tpu.memory_space<hbm>>
        tpu.wait_dma2 semaphore(%run_scoped3A_126 : memref<!tpu.dma_semaphore, #tpu.memory_space<semaphore_mem>>) src(%dma_wait3A_142 : memref<80xi32, #tpu.memory_space<hbm>>) dst(%dma_wait3A_141 : memref<80xi32, #tpu.memory_space<vmem>>)
        tpu.yield
      }) : () -> ()
      %run_scoped3A_98 = arith.constant 0 : i32
      "tpu.region"() ({
        %run_scoped3A_126 = tpu.sem_alloc : memref<!tpu.dma_semaphore, #tpu.memory_space<semaphore_mem>>
        %dma_start3A_127 = arith.constant 0 : i32
        %dma_start3A_128 = tpu.memref_slice %arg7[%run_scoped3A_98, %dma_start3A_127] : memref<2x80xi32, #tpu.memory_space<vmem>> -> memref<1x80xi32, #tpu.memory_space<vmem>>
        %dma_start3A_129 = tpu.memref_squeeze %dma_start3A_128 : memref<1x80xi32, #tpu.memory_space<vmem>> -> memref<80xi32, #tpu.memory_space<vmem>>
        %dma_start3A_130 = tpu.memref_slice %arg4[%add3A_96] : memref<320000xi32, #tpu.memory_space<hbm>> -> memref<80xi32, #tpu.memory_space<hbm>>
        %dma_start3A_131 = arith.constant 0 : i32
        %dma_start3A_132 = tpu.memref_slice %arg7[%run_scoped3A_98, %dma_start3A_131] : memref<2x80xi32, #tpu.memory_space<vmem>> -> memref<1x80xi32, #tpu.memory_space<vmem>>
        %dma_start3A_133 = tpu.memref_squeeze %dma_start3A_132 : memref<1x80xi32, #tpu.memory_space<vmem>> -> memref<80xi32, #tpu.memory_space<vmem>>
        %dma_start3A_134 = tpu.memref_slice %arg4[%add3A_96] : memref<320000xi32, #tpu.memory_space<hbm>> -> memref<80xi32, #tpu.memory_space<hbm>>
        tpu.enqueue_dma source(%dma_start3A_134 : memref<80xi32, #tpu.memory_space<hbm>>) target(%dma_start3A_133 : memref<80xi32, #tpu.memory_space<vmem>>) target_semaphore(%run_scoped3A_126 : memref<!tpu.dma_semaphore, #tpu.memory_space<semaphore_mem>>)
        %dma_wait3A_135 = arith.constant 0 : i32
        %dma_wait3A_136 = tpu.memref_slice %arg7[%run_scoped3A_98, %dma_wait3A_135] : memref<2x80xi32, #tpu.memory_space<vmem>> -> memref<1x80xi32, #tpu.memory_space<vmem>>
        %dma_wait3A_137 = tpu.memref_squeeze %dma_wait3A_136 : memref<1x80xi32, #tpu.memory_space<vmem>> -> memref<80xi32, #tpu.memory_space<vmem>>
        %dma_wait3A_138 = tpu.memref_slice %arg4[%add3A_96] : memref<320000xi32, #tpu.memory_space<hbm>> -> memref<80xi32, #tpu.memory_space<hbm>>
        %dma_wait3A_139 = arith.constant 0 : i32
        %dma_wait3A_140 = tpu.memref_slice %arg7[%run_scoped3A_98, %dma_wait3A_139] : memref<2x80xi32, #tpu.memory_space<vmem>> -> memref<1x80xi32, #tpu.memory_space<vmem>>
        %dma_wait3A_141 = tpu.memref_squeeze %dma_wait3A_140 : memref<1x80xi32, #tpu.memory_space<vmem>> -> memref<80xi32, #tpu.memory_space<vmem>>
        %dma_wait3A_142 = tpu.memref_slice %arg4[%add3A_96] : memref<320000xi32, #tpu.memory_space<hbm>> -> memref<80xi32, #tpu.memory_space<hbm>>
        tpu.wait_dma2 semaphore(%run_scoped3A_126 : memref<!tpu.dma_semaphore, #tpu.memory_space<semaphore_mem>>) src(%dma_wait3A_142 : memref<80xi32, #tpu.memory_space<hbm>>) dst(%dma_wait3A_141 : memref<80xi32, #tpu.memory_space<vmem>>)
        tpu.yield
      }) : () -> ()
      %dma_start3A_99 = arith.constant 0 : i32
      %dma_start3A_100 = arith.constant 0 : i32
      %dma_start3A_101 = arith.constant 0 : i32
      %dma_start3A_102 = arith.constant 0 : i32
      %dma_start3A_103 = tpu.memref_slice %arg8[%dma_start3A_100, %dma_start3A_101, %dma_start3A_102] : memref<2x80x128xf32, #tpu.memory_space<vmem>> -> memref<1x80x128xf32, #tpu.memory_space<vmem>>
      %dma_start3A_104 = tpu.memref_squeeze %dma_start3A_103 : memref<1x80x128xf32, #tpu.memory_space<vmem>> -> memref<80x128xf32, #tpu.memory_space<vmem>>
      %dma_start3A_105 = arith.constant 0 : i32
      %dma_start3A_106 = tpu.memref_slice %arg6[%dma_start3A_99, %dma_start3A_105] : memref<2x80xi32, #tpu.memory_space<vmem>> -> memref<1x80xi32, #tpu.memory_space<vmem>>
      %dma_start3A_107 = tpu.memref_squeeze %dma_start3A_106 : memref<1x80xi32, #tpu.memory_space<vmem>> -> memref<80xi32, #tpu.memory_space<vmem>>
      %dma_start3A_108 = arith.constant 0 : i32
      %dma_start3A_109 = arith.constant 0 : i32
      %dma_start3A_110 = tpu.memref_slice %arg2[%dma_start3A_108, %dma_start3A_109] : memref<10240x128xf32, #tpu.memory_space<hbm>> -> memref<10240x128xf32, #tpu.memory_space<hbm>>
      tpu.enqueue_indirect_dma source(%dma_start3A_110 : memref<10240x128xf32, #tpu.memory_space<hbm>>) target(%dma_start3A_104 : memref<80x128xf32, #tpu.memory_space<vmem>>) offsets(%dma_start3A_107 : memref<80xi32, #tpu.memory_space<vmem>>) semaphore(%arg10 : memref<!tpu.dma_semaphore, #tpu.memory_space<semaphore_mem>>)
      %dma_wait3A_111 = arith.constant 1 : i32
      %dma_wait3A_112 = arith.constant 1 : i32
      %dma_wait3A_113 = arith.constant 0 : i32
      %dma_wait3A_114 = arith.constant 0 : i32
      %dma_wait3A_115 = tpu.memref_slice %arg8[%dma_wait3A_112, %dma_wait3A_113, %dma_wait3A_114] : memref<2x80x128xf32, #tpu.memory_space<vmem>> -> memref<1x80x128xf32, #tpu.memory_space<vmem>>
      %dma_wait3A_116 = tpu.memref_squeeze %dma_wait3A_115 : memref<1x80x128xf32, #tpu.memory_space<vmem>> -> memref<80x128xf32, #tpu.memory_space<vmem>>
      %dma_wait3A_117 = arith.constant 0 : i32
      %dma_wait3A_118 = tpu.memref_slice %arg6[%dma_wait3A_111, %dma_wait3A_117] : memref<2x80xi32, #tpu.memory_space<vmem>> -> memref<1x80xi32, #tpu.memory_space<vmem>>
      %dma_wait3A_119 = tpu.memref_squeeze %dma_wait3A_118 : memref<1x80xi32, #tpu.memory_space<vmem>> -> memref<80xi32, #tpu.memory_space<vmem>>
      %dma_wait3A_120 = arith.constant 0 : i32
      %dma_wait3A_121 = arith.constant 0 : i32
      %dma_wait3A_122 = tpu.memref_slice %arg2[%dma_wait3A_120, %dma_wait3A_121] : memref<10240x128xf32, #tpu.memory_space<hbm>> -> memref<10240x128xf32, #tpu.memory_space<hbm>>
      tpu.wait_indirect_dma semaphore(%arg11 : memref<!tpu.dma_semaphore, #tpu.memory_space<semaphore_mem>>) src(%dma_wait3A_122 : memref<10240x128xf32, #tpu.memory_space<hbm>>) dst(%dma_wait3A_116 : memref<80x128xf32, #tpu.memory_space<vmem>>)
      %run_scoped3A_123 = arith.constant 1 : i32
      %run_scoped3A_124 = arith.constant 1 : i32
      "tpu.region"() ({
        %run_scoped3A_126 = tpu.sem_alloc : memref<!tpu.dma_semaphore, #tpu.memory_space<semaphore_mem>>
        %dma_start3A_127 = arith.constant 0 : i32
        %dma_start3A_128 = arith.constant 0 : i32
        %dma_start3A_129 = tpu.memref_slice %arg8[%run_scoped3A_123, %dma_start3A_127, %dma_start3A_128] : memref<2x80x128xf32, #tpu.memory_space<vmem>> -> memref<1x80x128xf32, #tpu.memory_space<vmem>>
        %dma_start3A_130 = tpu.memref_squeeze %dma_start3A_129 : memref<1x80x128xf32, #tpu.memory_space<vmem>> -> memref<80x128xf32, #tpu.memory_space<vmem>>
        %dma_start3A_131 = arith.constant 0 : i32
        %dma_start3A_132 = tpu.memref_slice %arg7[%run_scoped3A_124, %dma_start3A_131] : memref<2x80xi32, #tpu.memory_space<vmem>> -> memref<1x80xi32, #tpu.memory_space<vmem>>
        %dma_start3A_133 = tpu.memref_squeeze %dma_start3A_132 : memref<1x80xi32, #tpu.memory_space<vmem>> -> memref<80xi32, #tpu.memory_space<vmem>>
        %dma_start3A_134 = arith.constant 0 : i32
        %dma_start3A_135 = arith.constant 0 : i32
        %dma_start3A_136 = tpu.memref_slice %arg9[%dma_start3A_134, %dma_start3A_135] : memref<10240x128xf32, #tpu.memory_space<vmem_shared>> -> memref<10240x128xf32, #tpu.memory_space<vmem_shared>>
        tpu.enqueue_indirect_dma source(%dma_start3A_130 : memref<80x128xf32, #tpu.memory_space<vmem>>) target(%dma_start3A_136 : memref<10240x128xf32, #tpu.memory_space<vmem_shared>>) offsets(%dma_start3A_133 : memref<80xi32, #tpu.memory_space<vmem>>) semaphore(%run_scoped3A_126 : memref<!tpu.dma_semaphore, #tpu.memory_space<semaphore_mem>>) {add = true}
        %dma_wait3A_137 = arith.constant 0 : i32
        %dma_wait3A_138 = arith.constant 0 : i32
        %dma_wait3A_139 = tpu.memref_slice %arg8[%run_scoped3A_123, %dma_wait3A_137, %dma_wait3A_138] : memref<2x80x128xf32, #tpu.memory_space<vmem>> -> memref<1x80x128xf32, #tpu.memory_space<vmem>>
        %dma_wait3A_140 = tpu.memref_squeeze %dma_wait3A_139 : memref<1x80x128xf32, #tpu.memory_space<vmem>> -> memref<80x128xf32, #tpu.memory_space<vmem>>
        %dma_wait3A_141 = arith.constant 0 : i32
        %dma_wait3A_142 = tpu.memref_slice %arg7[%run_scoped3A_124, %dma_wait3A_141] : memref<2x80xi32, #tpu.memory_space<vmem>> -> memref<1x80xi32, #tpu.memory_space<vmem>>
        %dma_wait3A_143 = tpu.memref_squeeze %dma_wait3A_142 : memref<1x80xi32, #tpu.memory_space<vmem>> -> memref<80xi32, #tpu.memory_space<vmem>>
        %dma_wait3A_144 = arith.constant 0 : i32
        %dma_wait3A_145 = arith.constant 0 : i32
        %dma_wait3A_146 = tpu.memref_slice %arg9[%dma_wait3A_144, %dma_wait3A_145] : memref<10240x128xf32, #tpu.memory_space<vmem_shared>> -> memref<10240x128xf32, #tpu.memory_space<vmem_shared>>
        tpu.wait_indirect_dma semaphore(%run_scoped3A_126 : memref<!tpu.dma_semaphore, #tpu.memory_space<semaphore_mem>>) src(%dma_wait3A_140 : memref<80x128xf32, #tpu.memory_space<vmem>>) dst(%dma_wait3A_146 : memref<10240x128xf32, #tpu.memory_space<vmem_shared>>)
        tpu.yield
      }) : () -> ()
      %scan3A_125 = arith.constant 0 : i32
      scf.yield %scan3A_125 : i32
    }
    %scan3A_36 = arith.constant 62 : i32
    %dma_wait3A = arith.constant 0 : i32
    %dma_wait3A_37 = arith.constant 0 : i32
    %dma_wait3A_38 = arith.constant 0 : i32
    %dma_wait3A_39 = arith.constant 0 : i32
    %dma_wait3A_40 = tpu.memref_slice %arg8[%dma_wait3A_37, %dma_wait3A_38, %dma_wait3A_39] : memref<2x80x128xf32, #tpu.memory_space<vmem>> -> memref<1x80x128xf32, #tpu.memory_space<vmem>>
    %dma_wait3A_41 = tpu.memref_squeeze %dma_wait3A_40 : memref<1x80x128xf32, #tpu.memory_space<vmem>> -> memref<80x128xf32, #tpu.memory_space<vmem>>
    %dma_wait3A_42 = arith.constant 0 : i32
    %dma_wait3A_43 = tpu.memref_slice %arg6[%dma_wait3A, %dma_wait3A_42] : memref<2x80xi32, #tpu.memory_space<vmem>> -> memref<1x80xi32, #tpu.memory_space<vmem>>
    %dma_wait3A_44 = tpu.memref_squeeze %dma_wait3A_43 : memref<1x80xi32, #tpu.memory_space<vmem>> -> memref<80xi32, #tpu.memory_space<vmem>>
    %dma_wait3A_45 = arith.constant 0 : i32
    %dma_wait3A_46 = arith.constant 0 : i32
    %dma_wait3A_47 = tpu.memref_slice %arg2[%dma_wait3A_45, %dma_wait3A_46] : memref<10240x128xf32, #tpu.memory_space<hbm>> -> memref<10240x128xf32, #tpu.memory_space<hbm>>
    tpu.wait_indirect_dma semaphore(%arg10 : memref<!tpu.dma_semaphore, #tpu.memory_space<semaphore_mem>>) src(%dma_wait3A_47 : memref<10240x128xf32, #tpu.memory_space<hbm>>) dst(%dma_wait3A_41 : memref<80x128xf32, #tpu.memory_space<vmem>>)
    %run_scoped3A_48 = arith.constant 0 : i32
    %run_scoped3A_49 = arith.constant 0 : i32
    "tpu.region"() ({
      %run_scoped3A_53 = tpu.sem_alloc : memref<!tpu.dma_semaphore, #tpu.memory_space<semaphore_mem>>
      %dma_start3A_54 = arith.constant 0 : i32
      %dma_start3A_55 = arith.constant 0 : i32
      %dma_start3A_56 = tpu.memref_slice %arg8[%run_scoped3A_48, %dma_start3A_54, %dma_start3A_55] : memref<2x80x128xf32, #tpu.memory_space<vmem>> -> memref<1x80x128xf32, #tpu.memory_space<vmem>>
      %dma_start3A_57 = tpu.memref_squeeze %dma_start3A_56 : memref<1x80x128xf32, #tpu.memory_space<vmem>> -> memref<80x128xf32, #tpu.memory_space<vmem>>
      %dma_start3A_58 = arith.constant 0 : i32
      %dma_start3A_59 = tpu.memref_slice %arg7[%run_scoped3A_49, %dma_start3A_58] : memref<2x80xi32, #tpu.memory_space<vmem>> -> memref<1x80xi32, #tpu.memory_space<vmem>>
      %dma_start3A_60 = tpu.memref_squeeze %dma_start3A_59 : memref<1x80xi32, #tpu.memory_space<vmem>> -> memref<80xi32, #tpu.memory_space<vmem>>
      %dma_start3A_61 = arith.constant 0 : i32
      %dma_start3A_62 = arith.constant 0 : i32
      %dma_start3A_63 = tpu.memref_slice %arg9[%dma_start3A_61, %dma_start3A_62] : memref<10240x128xf32, #tpu.memory_space<vmem_shared>> -> memref<10240x128xf32, #tpu.memory_space<vmem_shared>>
      tpu.enqueue_indirect_dma source(%dma_start3A_57 : memref<80x128xf32, #tpu.memory_space<vmem>>) target(%dma_start3A_63 : memref<10240x128xf32, #tpu.memory_space<vmem_shared>>) offsets(%dma_start3A_60 : memref<80xi32, #tpu.memory_space<vmem>>) semaphore(%run_scoped3A_53 : memref<!tpu.dma_semaphore, #tpu.memory_space<semaphore_mem>>) {add = true}
      %dma_wait3A_64 = arith.constant 0 : i32
      %dma_wait3A_65 = arith.constant 0 : i32
      %dma_wait3A_66 = tpu.memref_slice %arg8[%run_scoped3A_48, %dma_wait3A_64, %dma_wait3A_65] : memref<2x80x128xf32, #tpu.memory_space<vmem>> -> memref<1x80x128xf32, #tpu.memory_space<vmem>>
      %dma_wait3A_67 = tpu.memref_squeeze %dma_wait3A_66 : memref<1x80x128xf32, #tpu.memory_space<vmem>> -> memref<80x128xf32, #tpu.memory_space<vmem>>
      %dma_wait3A_68 = arith.constant 0 : i32
      %dma_wait3A_69 = tpu.memref_slice %arg7[%run_scoped3A_49, %dma_wait3A_68] : memref<2x80xi32, #tpu.memory_space<vmem>> -> memref<1x80xi32, #tpu.memory_space<vmem>>
      %dma_wait3A_70 = tpu.memref_squeeze %dma_wait3A_69 : memref<1x80xi32, #tpu.memory_space<vmem>> -> memref<80xi32, #tpu.memory_space<vmem>>
      %dma_wait3A_71 = arith.constant 0 : i32
      %dma_wait3A_72 = arith.constant 0 : i32
      %dma_wait3A_73 = tpu.memref_slice %arg9[%dma_wait3A_71, %dma_wait3A_72] : memref<10240x128xf32, #tpu.memory_space<vmem_shared>> -> memref<10240x128xf32, #tpu.memory_space<vmem_shared>>
      tpu.wait_indirect_dma semaphore(%run_scoped3A_53 : memref<!tpu.dma_semaphore, #tpu.memory_space<semaphore_mem>>) src(%dma_wait3A_67 : memref<80x128xf32, #tpu.memory_space<vmem>>) dst(%dma_wait3A_73 : memref<10240x128xf32, #tpu.memory_space<vmem_shared>>)
      tpu.yield
    }) : () -> ()
    %barrier3A_50 = arith.constant 0 : index
    tpu.barrier barrier_id(%barrier3A_50)
    %mul3A_51 = arith.constant 640 : i32
    %mul3A_52 = arith.muli %arg1, %mul3A_51 : i32
    "tpu.region"() ({
      %run_scoped3A_53 = tpu.sem_alloc : memref<!tpu.dma_semaphore, #tpu.memory_space<semaphore_mem>>
      %dma_start3A_54 = arith.constant 0 : i32
      %dma_start3A_55 = tpu.memref_slice %arg5[%arg0, %mul3A_52, %dma_start3A_54] : memref<2x10240x128xf32, #tpu.memory_space<hbm>> -> memref<1x640x128xf32, #tpu.memory_space<hbm>>
      %dma_start3A_56 = tpu.memref_squeeze %dma_start3A_55 : memref<1x640x128xf32, #tpu.memory_space<hbm>> -> memref<640x128xf32, #tpu.memory_space<hbm>>
      %dma_start3A_57 = arith.constant 0 : i32
      %dma_start3A_58 = tpu.memref_slice %arg9[%mul3A_52, %dma_start3A_57] : memref<10240x128xf32, #tpu.memory_space<vmem_shared>> -> memref<640x128xf32, #tpu.memory_space<vmem_shared>>
      tpu.enqueue_dma source(%dma_start3A_58 : memref<640x128xf32, #tpu.memory_space<vmem_shared>>) target(%dma_start3A_56 : memref<640x128xf32, #tpu.memory_space<hbm>>) target_semaphore(%run_scoped3A_53 : memref<!tpu.dma_semaphore, #tpu.memory_space<semaphore_mem>>)
      %dma_wait3A_59 = arith.constant 0 : i32
      %dma_wait3A_60 = tpu.memref_slice %arg5[%arg0, %mul3A_52, %dma_wait3A_59] : memref<2x10240x128xf32, #tpu.memory_space<hbm>> -> memref<1x640x128xf32, #tpu.memory_space<hbm>>
      %dma_wait3A_61 = tpu.memref_squeeze %dma_wait3A_60 : memref<1x640x128xf32, #tpu.memory_space<hbm>> -> memref<640x128xf32, #tpu.memory_space<hbm>>
      %dma_wait3A_62 = arith.constant 0 : i32
      %dma_wait3A_63 = tpu.memref_slice %arg9[%mul3A_52, %dma_wait3A_62] : memref<10240x128xf32, #tpu.memory_space<vmem_shared>> -> memref<640x128xf32, #tpu.memory_space<vmem_shared>>
      tpu.wait_dma2 semaphore(%run_scoped3A_53 : memref<!tpu.dma_semaphore, #tpu.memory_space<semaphore_mem>>) src(%dma_wait3A_63 : memref<640x128xf32, #tpu.memory_space<vmem_shared>>) dst(%dma_wait3A_61 : memref<640x128xf32, #tpu.memory_space<hbm>>)
      tpu.yield
    }) : () -> ()
    return
  }
}

#map = affine_map<(d0, d1) -> (0, 0)>
#map1 = affine_map<(d0, d1) -> (0)>
#map2 = affine_map<(d0, d1) -> (0, 0, 0)>
module attributes {stable_mosaic.version = 14 : i64} {
  func.func @k(%arg0: i32, %arg1: i32, %arg2: memref<10240x128xf32, #tpu.memory_space<hbm>>, %arg3: memref<320000xi32, #tpu.memory_space<hbm>>, %arg4: memref<320000xi32, #tpu.memory_space<hbm>>, %arg5: memref<2x10240x128xf32, #tpu.memory_space<hbm>>, %arg6: memref<2x80xi32, #tpu.memory_space<vmem>>, %arg7: memref<2x80xi32, #tpu.memory_space<vmem>>, %arg8: memref<2x80x128xf32, #tpu.memory_space<vmem>>, %arg9: memref<10240x128xf32, #tpu.memory_space<vmem_shared>>, %arg10: memref<!tpu.dma_semaphore, #tpu.memory_space<semaphore_mem>>, %arg11: memref<!tpu.dma_semaphore, #tpu.memory_space<semaphore_mem>>) attributes {dimension_semantics = [#tpu.dimension_semantics<core_parallel>, #tpu.dimension_semantics<subcore_parallel>], iteration_bounds = array<i64: 2, 16>, scalar_prefetch = 0 : i64, scratch_operands = 6 : i64, tpu.core_type = #tpu.core_type<sc_vector_subcore>, window_params = [{transform_indices = #map}, {transform_indices = #map1}, {transform_indices = #map1}, {transform_indices = #map2}]} {
    %mul3A = arith.constant 16 : i32
    %mul3A_0 = arith.muli %arg0, %mul3A : i32
    %add3A = arith.addi %mul3A_0, %arg1 : i32
    %mul3A_1 = arith.constant 10000 : i32
    %mul3A_2 = arith.muli %add3A, %mul3A_1 : i32
    %scan3A = arith.constant 0 : i32
    %scan3A_3 = arith.constant 0 : i32
    %scan3A_4 = arith.constant 640 : i32
    %scan3A_5 = arith.addi %scan3A_3, %scan3A_4 : i32
    %scan3A_6 = arith.constant 1 : i32
    %scan3A_7 = scf.for %scan3A_53 = %scan3A_3 to %scan3A_5 step %scan3A_6 iter_args(%scan3A_54 = %scan3A) -> (i32)  : i32 {
      %broadcast_in_dim3A = arith.constant 0.000000e+00 : f32
      %broadcast_in_dim3A_55 = vector.broadcast %broadcast_in_dim3A : f32 to vector<16xf32>
      %jit3A = arith.constant 8 : i32
      %div3A = arith.divsi %scan3A_53, %jit3A : i32
      %sign3A = arith.constant 0 : i32
      %sign3A_56 = arith.cmpi sgt, %scan3A_53, %sign3A : i32
      %sign3A_57 = arith.extui %sign3A_56 : i1 to i32
      %sign3A_58 = arith.constant 0 : i32
      %sign3A_59 = arith.cmpi slt, %scan3A_53, %sign3A_58 : i32
      %sign3A_60 = arith.extui %sign3A_59 : i1 to i32
      %sign3A_61 = arith.subi %sign3A_57, %sign3A_60 : i32
      %sign3A_62 = arith.constant 0 : i32
      %sign3A_63 = arith.cmpi sgt, %jit3A, %sign3A_62 : i32
      %sign3A_64 = arith.extui %sign3A_63 : i1 to i32
      %sign3A_65 = arith.constant 0 : i32
      %sign3A_66 = arith.cmpi slt, %jit3A, %sign3A_65 : i32
      %sign3A_67 = arith.extui %sign3A_66 : i1 to i32
      %sign3A_68 = arith.subi %sign3A_64, %sign3A_67 : i32
      %ne3A = arith.cmpi ne, %sign3A_61, %sign3A_68 : i32
      %rem3A = arith.remsi %scan3A_53, %jit3A : i32
      %ne3A_69 = arith.constant 0 : i32
      %ne3A_70 = arith.cmpi ne, %rem3A, %ne3A_69 : i32
      %and3A = arith.andi %ne3A, %ne3A_70 : i1
      %sub3A = arith.constant 1 : i32
      %sub3A_71 = arith.subi %div3A, %sub3A : i32
      %select_n3A = arith.select %and3A, %sub3A_71, %div3A : i32
      %jit3A_72 = arith.constant 8 : i32
      %eq3A = arith.constant 0 : i32
      %eq3A_73 = arith.cmpi eq, %jit3A_72, %eq3A : i32
      %jit3A_74 = arith.constant 1 : i32
      %select_n3A_75 = arith.select %eq3A_73, %jit3A_74, %jit3A_72 : i32
      %rem3A_76 = arith.remsi %scan3A_53, %select_n3A_75 : i32
      %ne3A_77 = arith.constant 0 : i32
      %ne3A_78 = arith.cmpi ne, %rem3A_76, %ne3A_77 : i32
      %lt3A = arith.constant 0 : i32
      %lt3A_79 = arith.cmpi slt, %rem3A_76, %lt3A : i32
      %lt3A_80 = arith.constant 0 : i32
      %lt3A_81 = arith.cmpi slt, %select_n3A_75, %lt3A_80 : i32
      %ne3A_82 = arith.xori %lt3A_79, %lt3A_81 : i1
      %and3A_83 = arith.andi %ne3A_82, %ne3A_78 : i1
      %add3A_84 = arith.addi %rem3A_76, %select_n3A_75 : i32
      %select_n3A_85 = arith.select %and3A_83, %add3A_84, %rem3A_76 : i32
      %mul3A_86 = arith.constant 16 : i32
      %mul3A_87 = arith.muli %select_n3A_85, %mul3A_86 : i32
      %swap3A = arith.constant 0 : i32
      %swap3A_88 = arith.index_cast %swap3A : i32 to index
      %swap3A_89 = arith.index_cast %select_n3A : i32 to index
      %swap3A_90 = arith.index_cast %mul3A_87 : i32 to index
      %swap3A_91 = tpu.vector_load %arg8[%swap3A_88, %swap3A_89, %swap3A_90] {strides = array<i32>} : memref<2x80x128xf32, #tpu.memory_space<vmem>>, vector<1x1x16xf32>,
      %swap3A_92 = vector.shape_cast %swap3A_91 : vector<1x1x16xf32> to vector<16xf32>
      %swap3A_93 = vector.shape_cast %broadcast_in_dim3A_55 : vector<16xf32> to vector<1x1x16xf32>
      tpu.vector_store %arg8[%swap3A_88, %swap3A_89, %swap3A_90], %swap3A_93 {strides = array<i32>} : memref<2x80x128xf32, #tpu.memory_space<vmem>>, vector<1x1x16xf32>,
      %scan3A_94 = arith.constant 0 : i32
      scf.yield %scan3A_94 : i32
    }
    %scan3A_8 = arith.constant 640 : i32
    %scan3A_9 = arith.constant 0 : i32
    %scan3A_10 = arith.constant 0 : i32
    %scan3A_11 = arith.constant 8 : i32
    %scan3A_12 = arith.addi %scan3A_10, %scan3A_11 : i32
    %scan3A_13 = arith.constant 1 : i32
    %scan3A_14 = scf.for %scan3A_53 = %scan3A_10 to %scan3A_12 step %scan3A_13 iter_args(%scan3A_54 = %scan3A_9) -> (i32)  : i32 {
      %mul3A_55 = arith.constant 640 : i32
      %mul3A_56 = arith.muli %arg1, %mul3A_55 : i32
      %mul3A_57 = arith.constant 80 : i32
      %mul3A_58 = arith.muli %scan3A_53, %mul3A_57 : i32
      %add3A_59 = arith.addi %mul3A_56, %mul3A_58 : i32
      %run_scoped3A_60 = arith.constant 0 : i32
      "tpu.region"() ({
        %run_scoped3A_62 = tpu.sem_alloc : memref<!tpu.dma_semaphore, #tpu.memory_space<semaphore_mem>>
        %dma_start3A_63 = arith.constant 0 : i32
        %dma_start3A_64 = arith.constant 0 : i32
        %dma_start3A_65 = tpu.memref_slice %arg8[%run_scoped3A_60, %dma_start3A_63, %dma_start3A_64] : memref<2x80x128xf32, #tpu.memory_space<vmem>> -> memref<1x80x128xf32, #tpu.memory_space<vmem>>
        %dma_start3A_66 = tpu.memref_squeeze %dma_start3A_65 : memref<1x80x128xf32, #tpu.memory_space<vmem>> -> memref<80x128xf32, #tpu.memory_space<vmem>>
        %dma_start3A_67 = arith.constant 0 : i32
        %dma_start3A_68 = tpu.memref_slice %arg9[%add3A_59, %dma_start3A_67] : memref<10240x128xf32, #tpu.memory_space<vmem_shared>> -> memref<80x128xf32, #tpu.memory_space<vmem_shared>>
        %dma_start3A_69 = arith.constant 0 : i32
        %dma_start3A_70 = tpu.memref_slice %arg9[%add3A_59, %dma_start3A_69] : memref<10240x128xf32, #tpu.memory_space<vmem_shared>> -> memref<80x128xf32, #tpu.memory_space<vmem_shared>>
        %dma_start3A_71 = arith.constant 0 : i32
        %dma_start3A_72 = arith.constant 0 : i32
        %dma_start3A_73 = tpu.memref_slice %arg8[%run_scoped3A_60, %dma_start3A_71, %dma_start3A_72] : memref<2x80x128xf32, #tpu.memory_space<vmem>> -> memref<1x80x128xf32, #tpu.memory_space<vmem>>
        %dma_start3A_74 = tpu.memref_squeeze %dma_start3A_73 : memref<1x80x128xf32, #tpu.memory_space<vmem>> -> memref<80x128xf32, #tpu.memory_space<vmem>>
        tpu.enqueue_dma source(%dma_start3A_74 : memref<80x128xf32, #tpu.memory_space<vmem>>) target(%dma_start3A_70 : memref<80x128xf32, #tpu.memory_space<vmem_shared>>) target_semaphore(%run_scoped3A_62 : memref<!tpu.dma_semaphore, #tpu.memory_space<semaphore_mem>>)
        %dma_wait3A_75 = arith.constant 0 : i32
        %dma_wait3A_76 = arith.constant 0 : i32
        %dma_wait3A_77 = tpu.memref_slice %arg8[%run_scoped3A_60, %dma_wait3A_75, %dma_wait3A_76] : memref<2x80x128xf32, #tpu.memory_space<vmem>> -> memref<1x80x128xf32, #tpu.memory_space<vmem>>
        %dma_wait3A_78 = tpu.memref_squeeze %dma_wait3A_77 : memref<1x80x128xf32, #tpu.memory_space<vmem>> -> memref<80x128xf32, #tpu.memory_space<vmem>>
        %dma_wait3A_79 = arith.constant 0 : i32
        %dma_wait3A_80 = tpu.memref_slice %arg9[%add3A_59, %dma_wait3A_79] : memref<10240x128xf32, #tpu.memory_space<vmem_shared>> -> memref<80x128xf32, #tpu.memory_space<vmem_shared>>
        %dma_wait3A_81 = arith.constant 0 : i32
        %dma_wait3A_82 = tpu.memref_slice %arg9[%add3A_59, %dma_wait3A_81] : memref<10240x128xf32, #tpu.memory_space<vmem_shared>> -> memref<80x128xf32, #tpu.memory_space<vmem_shared>>
        %dma_wait3A_83 = arith.constant 0 : i32
        %dma_wait3A_84 = arith.constant 0 : i32
        %dma_wait3A_85 = tpu.memref_slice %arg8[%run_scoped3A_60, %dma_wait3A_83, %dma_wait3A_84] : memref<2x80x128xf32, #tpu.memory_space<vmem>> -> memref<1x80x128xf32, #tpu.memory_space<vmem>>
        %dma_wait3A_86 = tpu.memref_squeeze %dma_wait3A_85 : memref<1x80x128xf32, #tpu.memory_space<vmem>> -> memref<80x128xf32, #tpu.memory_space<vmem>>
        tpu.wait_dma2 semaphore(%run_scoped3A_62 : memref<!tpu.dma_semaphore, #tpu.memory_space<semaphore_mem>>) src(%dma_wait3A_86 : memref<80x128xf32, #tpu.memory_space<vmem>>) dst(%dma_wait3A_82 : memref<80x128xf32, #tpu.memory_space<vmem_shared>>)
        tpu.yield
      }) : () -> ()
      %scan3A_61 = arith.constant 0 : i32
      scf.yield %scan3A_61 : i32
    }
    %scan3A_15 = arith.constant 8 : i32
    %barrier3A = arith.constant 0 : index
    tpu.barrier barrier_id(%barrier3A)
    %add3A_16 = arith.constant 0 : i32
    %add3A_17 = arith.addi %mul3A_2, %add3A_16 : i32
    %run_scoped3A = arith.constant 0 : i32
    "tpu.region"() ({
      %run_scoped3A_53 = tpu.sem_alloc : memref<!tpu.dma_semaphore, #tpu.memory_space<semaphore_mem>>
      %dma_start3A_54 = arith.constant 0 : i32
      %dma_start3A_55 = tpu.memref_slice %arg6[%run_scoped3A, %dma_start3A_54] : memref<2x80xi32, #tpu.memory_space<vmem>> -> memref<1x80xi32, #tpu.memory_space<vmem>>
      %dma_start3A_56 = tpu.memref_squeeze %dma_start3A_55 : memref<1x80xi32, #tpu.memory_space<vmem>> -> memref<80xi32, #tpu.memory_space<vmem>>
      %dma_start3A_57 = tpu.memref_slice %arg3[%add3A_17] : memref<320000xi32, #tpu.memory_space<hbm>> -> memref<80xi32, #tpu.memory_space<hbm>>
      %dma_start3A_58 = arith.constant 0 : i32
      %dma_start3A_59 = tpu.memref_slice %arg6[%run_scoped3A, %dma_start3A_58] : memref<2x80xi32, #tpu.memory_space<vmem>> -> memref<1x80xi32, #tpu.memory_space<vmem>>
      %dma_start3A_60 = tpu.memref_squeeze %dma_start3A_59 : memref<1x80xi32, #tpu.memory_space<vmem>> -> memref<80xi32, #tpu.memory_space<vmem>>
      %dma_start3A_61 = tpu.memref_slice %arg3[%add3A_17] : memref<320000xi32, #tpu.memory_space<hbm>> -> memref<80xi32, #tpu.memory_space<hbm>>
      tpu.enqueue_dma source(%dma_start3A_61 : memref<80xi32, #tpu.memory_space<hbm>>) target(%dma_start3A_60 : memref<80xi32, #tpu.memory_space<vmem>>) target_semaphore(%run_scoped3A_53 : memref<!tpu.dma_semaphore, #tpu.memory_space<semaphore_mem>>)
      %dma_wait3A_62 = arith.constant 0 : i32
      %dma_wait3A_63 = tpu.memref_slice %arg6[%run_scoped3A, %dma_wait3A_62] : memref<2x80xi32, #tpu.memory_space<vmem>> -> memref<1x80xi32, #tpu.memory_space<vmem>>
      %dma_wait3A_64 = tpu.memref_squeeze %dma_wait3A_63 : memref<1x80xi32, #tpu.memory_space<vmem>> -> memref<80xi32, #tpu.memory_space<vmem>>
      %dma_wait3A_65 = tpu.memref_slice %arg3[%add3A_17] : memref<320000xi32, #tpu.memory_space<hbm>> -> memref<80xi32, #tpu.memory_space<hbm>>
      %dma_wait3A_66 = arith.constant 0 : i32
      %dma_wait3A_67 = tpu.memref_slice %arg6[%run_scoped3A, %dma_wait3A_66] : memref<2x80xi32, #tpu.memory_space<vmem>> -> memref<1x80xi32, #tpu.memory_space<vmem>>
      %dma_wait3A_68 = tpu.memref_squeeze %dma_wait3A_67 : memref<1x80xi32, #tpu.memory_space<vmem>> -> memref<80xi32, #tpu.memory_space<vmem>>
      %dma_wait3A_69 = tpu.memref_slice %arg3[%add3A_17] : memref<320000xi32, #tpu.memory_space<hbm>> -> memref<80xi32, #tpu.memory_space<hbm>>
      tpu.wait_dma2 semaphore(%run_scoped3A_53 : memref<!tpu.dma_semaphore, #tpu.memory_space<semaphore_mem>>) src(%dma_wait3A_69 : memref<80xi32, #tpu.memory_space<hbm>>) dst(%dma_wait3A_68 : memref<80xi32, #tpu.memory_space<vmem>>)
      tpu.yield
    }) : () -> ()
    %run_scoped3A_18 = arith.constant 0 : i32
    "tpu.region"() ({
      %run_scoped3A_53 = tpu.sem_alloc : memref<!tpu.dma_semaphore, #tpu.memory_space<semaphore_mem>>
      %dma_start3A_54 = arith.constant 0 : i32
      %dma_start3A_55 = tpu.memref_slice %arg7[%run_scoped3A_18, %dma_start3A_54] : memref<2x80xi32, #tpu.memory_space<vmem>> -> memref<1x80xi32, #tpu.memory_space<vmem>>
      %dma_start3A_56 = tpu.memref_squeeze %dma_start3A_55 : memref<1x80xi32, #tpu.memory_space<vmem>> -> memref<80xi32, #tpu.memory_space<vmem>>
      %dma_start3A_57 = tpu.memref_slice %arg4[%add3A_17] : memref<320000xi32, #tpu.memory_space<hbm>> -> memref<80xi32, #tpu.memory_space<hbm>>
      %dma_start3A_58 = arith.constant 0 : i32
      %dma_start3A_59 = tpu.memref_slice %arg7[%run_scoped3A_18, %dma_start3A_58] : memref<2x80xi32, #tpu.memory_space<vmem>> -> memref<1x80xi32, #tpu.memory_space<vmem>>
      %dma_start3A_60 = tpu.memref_squeeze %dma_start3A_59 : memref<1x80xi32, #tpu.memory_space<vmem>> -> memref<80xi32, #tpu.memory_space<vmem>>
      %dma_start3A_61 = tpu.memref_slice %arg4[%add3A_17] : memref<320000xi32, #tpu.memory_space<hbm>> -> memref<80xi32, #tpu.memory_space<hbm>>
      tpu.enqueue_dma source(%dma_start3A_61 : memref<80xi32, #tpu.memory_space<hbm>>) target(%dma_start3A_60 : memref<80xi32, #tpu.memory_space<vmem>>) target_semaphore(%run_scoped3A_53 : memref<!tpu.dma_semaphore, #tpu.memory_space<semaphore_mem>>)
      %dma_wait3A_62 = arith.constant 0 : i32
      %dma_wait3A_63 = tpu.memref_slice %arg7[%run_scoped3A_18, %dma_wait3A_62] : memref<2x80xi32, #tpu.memory_space<vmem>> -> memref<1x80xi32, #tpu.memory_space<vmem>>
      %dma_wait3A_64 = tpu.memref_squeeze %dma_wait3A_63 : memref<1x80xi32, #tpu.memory_space<vmem>> -> memref<80xi32, #tpu.memory_space<vmem>>
      %dma_wait3A_65 = tpu.memref_slice %arg4[%add3A_17] : memref<320000xi32, #tpu.memory_space<hbm>> -> memref<80xi32, #tpu.memory_space<hbm>>
      %dma_wait3A_66 = arith.constant 0 : i32
      %dma_wait3A_67 = tpu.memref_slice %arg7[%run_scoped3A_18, %dma_wait3A_66] : memref<2x80xi32, #tpu.memory_space<vmem>> -> memref<1x80xi32, #tpu.memory_space<vmem>>
      %dma_wait3A_68 = tpu.memref_squeeze %dma_wait3A_67 : memref<1x80xi32, #tpu.memory_space<vmem>> -> memref<80xi32, #tpu.memory_space<vmem>>
      %dma_wait3A_69 = tpu.memref_slice %arg4[%add3A_17] : memref<320000xi32, #tpu.memory_space<hbm>> -> memref<80xi32, #tpu.memory_space<hbm>>
      tpu.wait_dma2 semaphore(%run_scoped3A_53 : memref<!tpu.dma_semaphore, #tpu.memory_space<semaphore_mem>>) src(%dma_wait3A_69 : memref<80xi32, #tpu.memory_space<hbm>>) dst(%dma_wait3A_68 : memref<80xi32, #tpu.memory_space<vmem>>)
      tpu.yield
    }) : () -> ()
    %dma_start3A = arith.constant 0 : i32
    %dma_start3A_19 = arith.constant 0 : i32
    %dma_start3A_20 = arith.constant 0 : i32
    %dma_start3A_21 = arith.constant 0 : i32
    %dma_start3A_22 = tpu.memref_slice %arg8[%dma_start3A_19, %dma_start3A_20, %dma_start3A_21] : memref<2x80x128xf32, #tpu.memory_space<vmem>> -> memref<1x80x128xf32, #tpu.memory_space<vmem>>
    %dma_start3A_23 = tpu.memref_squeeze %dma_start3A_22 : memref<1x80x128xf32, #tpu.memory_space<vmem>> -> memref<80x128xf32, #tpu.memory_space<vmem>>
    %dma_start3A_24 = arith.constant 0 : i32
    %dma_start3A_25 = tpu.memref_slice %arg6[%dma_start3A, %dma_start3A_24] : memref<2x80xi32, #tpu.memory_space<vmem>> -> memref<1x80xi32, #tpu.memory_space<vmem>>
    %dma_start3A_26 = tpu.memref_squeeze %dma_start3A_25 : memref<1x80xi32, #tpu.memory_space<vmem>> -> memref<80xi32, #tpu.memory_space<vmem>>
    %dma_start3A_27 = arith.constant 0 : i32
    %dma_start3A_28 = arith.constant 0 : i32
    %dma_start3A_29 = tpu.memref_slice %arg2[%dma_start3A_27, %dma_start3A_28] : memref<10240x128xf32, #tpu.memory_space<hbm>> -> memref<10240x128xf32, #tpu.memory_space<hbm>>
    tpu.enqueue_indirect_dma source(%dma_start3A_29 : memref<10240x128xf32, #tpu.memory_space<hbm>>) target(%dma_start3A_23 : memref<80x128xf32, #tpu.memory_space<vmem>>) offsets(%dma_start3A_26 : memref<80xi32, #tpu.memory_space<vmem>>) semaphore(%arg10 : memref<!tpu.dma_semaphore, #tpu.memory_space<semaphore_mem>>)
    %scan3A_30 = arith.constant 0 : i32
    %scan3A_31 = arith.constant 0 : i32
    %scan3A_32 = arith.constant 62 : i32
    %scan3A_33 = arith.addi %scan3A_31, %scan3A_32 : i32
    %scan3A_34 = arith.constant 1 : i32
    %scan3A_35 = scf.for %scan3A_53 = %scan3A_31 to %scan3A_33 step %scan3A_34 iter_args(%scan3A_54 = %scan3A_30) -> (i32)  : i32 {
      %mul3A_55 = arith.constant 2 : i32
      %mul3A_56 = arith.muli %mul3A_55, %scan3A_53 : i32
      %add3A_57 = arith.constant 1 : i32
      %add3A_58 = arith.addi %mul3A_56, %add3A_57 : i32
      %mul3A_59 = arith.constant 80 : i32
      %mul3A_60 = arith.muli %add3A_58, %mul3A_59 : i32
      %add3A_61 = arith.addi %mul3A_2, %mul3A_60 : i32
      %run_scoped3A_62 = arith.constant 1 : i32
      "tpu.region"() ({
        %run_scoped3A_126 = tpu.sem_alloc : memref<!tpu.dma_semaphore, #tpu.memory_space<semaphore_mem>>
        %dma_start3A_127 = arith.constant 0 : i32
        %dma_start3A_128 = tpu.memref_slice %arg6[%run_scoped3A_62, %dma_start3A_127] : memref<2x80xi32, #tpu.memory_space<vmem>> -> memref<1x80xi32, #tpu.memory_space<vmem>>
        %dma_start3A_129 = tpu.memref_squeeze %dma_start3A_128 : memref<1x80xi32, #tpu.memory_space<vmem>> -> memref<80xi32, #tpu.memory_space<vmem>>
        %dma_start3A_130 = tpu.memref_slice %arg3[%add3A_61] : memref<320000xi32, #tpu.memory_space<hbm>> -> memref<80xi32, #tpu.memory_space<hbm>>
        %dma_start3A_131 = arith.constant 0 : i32
        %dma_start3A_132 = tpu.memref_slice %arg6[%run_scoped3A_62, %dma_start3A_131] : memref<2x80xi32, #tpu.memory_space<vmem>> -> memref<1x80xi32, #tpu.memory_space<vmem>>
        %dma_start3A_133 = tpu.memref_squeeze %dma_start3A_132 : memref<1x80xi32, #tpu.memory_space<vmem>> -> memref<80xi32, #tpu.memory_space<vmem>>
        %dma_start3A_134 = tpu.memref_slice %arg3[%add3A_61] : memref<320000xi32, #tpu.memory_space<hbm>> -> memref<80xi32, #tpu.memory_space<hbm>>
        tpu.enqueue_dma source(%dma_start3A_134 : memref<80xi32, #tpu.memory_space<hbm>>) target(%dma_start3A_133 : memref<80xi32, #tpu.memory_space<vmem>>) target_semaphore(%run_scoped3A_126 : memref<!tpu.dma_semaphore, #tpu.memory_space<semaphore_mem>>)
        %dma_wait3A_135 = arith.constant 0 : i32
        %dma_wait3A_136 = tpu.memref_slice %arg6[%run_scoped3A_62, %dma_wait3A_135] : memref<2x80xi32, #tpu.memory_space<vmem>> -> memref<1x80xi32, #tpu.memory_space<vmem>>
        %dma_wait3A_137 = tpu.memref_squeeze %dma_wait3A_136 : memref<1x80xi32, #tpu.memory_space<vmem>> -> memref<80xi32, #tpu.memory_space<vmem>>
        %dma_wait3A_138 = tpu.memref_slice %arg3[%add3A_61] : memref<320000xi32, #tpu.memory_space<hbm>> -> memref<80xi32, #tpu.memory_space<hbm>>
        %dma_wait3A_139 = arith.constant 0 : i32
        %dma_wait3A_140 = tpu.memref_slice %arg6[%run_scoped3A_62, %dma_wait3A_139] : memref<2x80xi32, #tpu.memory_space<vmem>> -> memref<1x80xi32, #tpu.memory_space<vmem>>
        %dma_wait3A_141 = tpu.memref_squeeze %dma_wait3A_140 : memref<1x80xi32, #tpu.memory_space<vmem>> -> memref<80xi32, #tpu.memory_space<vmem>>
        %dma_wait3A_142 = tpu.memref_slice %arg3[%add3A_61] : memref<320000xi32, #tpu.memory_space<hbm>> -> memref<80xi32, #tpu.memory_space<hbm>>
        tpu.wait_dma2 semaphore(%run_scoped3A_126 : memref<!tpu.dma_semaphore, #tpu.memory_space<semaphore_mem>>) src(%dma_wait3A_142 : memref<80xi32, #tpu.memory_space<hbm>>) dst(%dma_wait3A_141 : memref<80xi32, #tpu.memory_space<vmem>>)
        tpu.yield
      }) : () -> ()
      %run_scoped3A_63 = arith.constant 1 : i32
      "tpu.region"() ({
        %run_scoped3A_126 = tpu.sem_alloc : memref<!tpu.dma_semaphore, #tpu.memory_space<semaphore_mem>>
        %dma_start3A_127 = arith.constant 0 : i32
        %dma_start3A_128 = tpu.memref_slice %arg7[%run_scoped3A_63, %dma_start3A_127] : memref<2x80xi32, #tpu.memory_space<vmem>> -> memref<1x80xi32, #tpu.memory_space<vmem>>
        %dma_start3A_129 = tpu.memref_squeeze %dma_start3A_128 : memref<1x80xi32, #tpu.memory_space<vmem>> -> memref<80xi32, #tpu.memory_space<vmem>>
        %dma_start3A_130 = tpu.memref_slice %arg4[%add3A_61] : memref<320000xi32, #tpu.memory_space<hbm>> -> memref<80xi32, #tpu.memory_space<hbm>>
        %dma_start3A_131 = arith.constant 0 : i32
        %dma_start3A_132 = tpu.memref_slice %arg7[%run_scoped3A_63, %dma_start3A_131] : memref<2x80xi32, #tpu.memory_space<vmem>> -> memref<1x80xi32, #tpu.memory_space<vmem>>
        %dma_start3A_133 = tpu.memref_squeeze %dma_start3A_132 : memref<1x80xi32, #tpu.memory_space<vmem>> -> memref<80xi32, #tpu.memory_space<vmem>>
        %dma_start3A_134 = tpu.memref_slice %arg4[%add3A_61] : memref<320000xi32, #tpu.memory_space<hbm>> -> memref<80xi32, #tpu.memory_space<hbm>>
        tpu.enqueue_dma source(%dma_start3A_134 : memref<80xi32, #tpu.memory_space<hbm>>) target(%dma_start3A_133 : memref<80xi32, #tpu.memory_space<vmem>>) target_semaphore(%run_scoped3A_126 : memref<!tpu.dma_semaphore, #tpu.memory_space<semaphore_mem>>)
        %dma_wait3A_135 = arith.constant 0 : i32
        %dma_wait3A_136 = tpu.memref_slice %arg7[%run_scoped3A_63, %dma_wait3A_135] : memref<2x80xi32, #tpu.memory_space<vmem>> -> memref<1x80xi32, #tpu.memory_space<vmem>>
        %dma_wait3A_137 = tpu.memref_squeeze %dma_wait3A_136 : memref<1x80xi32, #tpu.memory_space<vmem>> -> memref<80xi32, #tpu.memory_space<vmem>>
        %dma_wait3A_138 = tpu.memref_slice %arg4[%add3A_61] : memref<320000xi32, #tpu.memory_space<hbm>> -> memref<80xi32, #tpu.memory_space<hbm>>
        %dma_wait3A_139 = arith.constant 0 : i32
        %dma_wait3A_140 = tpu.memref_slice %arg7[%run_scoped3A_63, %dma_wait3A_139] : memref<2x80xi32, #tpu.memory_space<vmem>> -> memref<1x80xi32, #tpu.memory_space<vmem>>
        %dma_wait3A_141 = tpu.memref_squeeze %dma_wait3A_140 : memref<1x80xi32, #tpu.memory_space<vmem>> -> memref<80xi32, #tpu.memory_space<vmem>>
        %dma_wait3A_142 = tpu.memref_slice %arg4[%add3A_61] : memref<320000xi32, #tpu.memory_space<hbm>> -> memref<80xi32, #tpu.memory_space<hbm>>
        tpu.wait_dma2 semaphore(%run_scoped3A_126 : memref<!tpu.dma_semaphore, #tpu.memory_space<semaphore_mem>>) src(%dma_wait3A_142 : memref<80xi32, #tpu.memory_space<hbm>>) dst(%dma_wait3A_141 : memref<80xi32, #tpu.memory_space<vmem>>)
        tpu.yield
      }) : () -> ()
      %dma_start3A_64 = arith.constant 1 : i32
      %dma_start3A_65 = arith.constant 1 : i32
      %dma_start3A_66 = arith.constant 0 : i32
      %dma_start3A_67 = arith.constant 0 : i32
      %dma_start3A_68 = tpu.memref_slice %arg8[%dma_start3A_65, %dma_start3A_66, %dma_start3A_67] : memref<2x80x128xf32, #tpu.memory_space<vmem>> -> memref<1x80x128xf32, #tpu.memory_space<vmem>>
      %dma_start3A_69 = tpu.memref_squeeze %dma_start3A_68 : memref<1x80x128xf32, #tpu.memory_space<vmem>> -> memref<80x128xf32, #tpu.memory_space<vmem>>
      %dma_start3A_70 = arith.constant 0 : i32
      %dma_start3A_71 = tpu.memref_slice %arg6[%dma_start3A_64, %dma_start3A_70] : memref<2x80xi32, #tpu.memory_space<vmem>> -> memref<1x80xi32, #tpu.memory_space<vmem>>
      %dma_start3A_72 = tpu.memref_squeeze %dma_start3A_71 : memref<1x80xi32, #tpu.memory_space<vmem>> -> memref<80xi32, #tpu.memory_space<vmem>>
      %dma_start3A_73 = arith.constant 0 : i32
      %dma_start3A_74 = arith.constant 0 : i32
      %dma_start3A_75 = tpu.memref_slice %arg2[%dma_start3A_73, %dma_start3A_74] : memref<10240x128xf32, #tpu.memory_space<hbm>> -> memref<10240x128xf32, #tpu.memory_space<hbm>>
      tpu.enqueue_indirect_dma source(%dma_start3A_75 : memref<10240x128xf32, #tpu.memory_space<hbm>>) target(%dma_start3A_69 : memref<80x128xf32, #tpu.memory_space<vmem>>) offsets(%dma_start3A_72 : memref<80xi32, #tpu.memory_space<vmem>>) semaphore(%arg11 : memref<!tpu.dma_semaphore, #tpu.memory_space<semaphore_mem>>)
      %dma_wait3A_76 = arith.constant 0 : i32
      %dma_wait3A_77 = arith.constant 0 : i32
      %dma_wait3A_78 = arith.constant 0 : i32
      %dma_wait3A_79 = arith.constant 0 : i32
      %dma_wait3A_80 = tpu.memref_slice %arg8[%dma_wait3A_77, %dma_wait3A_78, %dma_wait3A_79] : memref<2x80x128xf32, #tpu.memory_space<vmem>> -> memref<1x80x128xf32, #tpu.memory_space<vmem>>
      %dma_wait3A_81 = tpu.memref_squeeze %dma_wait3A_80 : memref<1x80x128xf32, #tpu.memory_space<vmem>> -> memref<80x128xf32, #tpu.memory_space<vmem>>
      %dma_wait3A_82 = arith.constant 0 : i32
      %dma_wait3A_83 = tpu.memref_slice %arg6[%dma_wait3A_76, %dma_wait3A_82] : memref<2x80xi32, #tpu.memory_space<vmem>> -> memref<1x80xi32, #tpu.memory_space<vmem>>
      %dma_wait3A_84 = tpu.memref_squeeze %dma_wait3A_83 : memref<1x80xi32, #tpu.memory_space<vmem>> -> memref<80xi32, #tpu.memory_space<vmem>>
      %dma_wait3A_85 = arith.constant 0 : i32
      %dma_wait3A_86 = arith.constant 0 : i32
      %dma_wait3A_87 = tpu.memref_slice %arg2[%dma_wait3A_85, %dma_wait3A_86] : memref<10240x128xf32, #tpu.memory_space<hbm>> -> memref<10240x128xf32, #tpu.memory_space<hbm>>
      tpu.wait_indirect_dma semaphore(%arg10 : memref<!tpu.dma_semaphore, #tpu.memory_space<semaphore_mem>>) src(%dma_wait3A_87 : memref<10240x128xf32, #tpu.memory_space<hbm>>) dst(%dma_wait3A_81 : memref<80x128xf32, #tpu.memory_space<vmem>>)
      %run_scoped3A_88 = arith.constant 0 : i32
      %run_scoped3A_89 = arith.constant 0 : i32
      "tpu.region"() ({
        %run_scoped3A_126 = tpu.sem_alloc : memref<!tpu.dma_semaphore, #tpu.memory_space<semaphore_mem>>
        %dma_start3A_127 = arith.constant 0 : i32
        %dma_start3A_128 = arith.constant 0 : i32
        %dma_start3A_129 = tpu.memref_slice %arg8[%run_scoped3A_88, %dma_start3A_127, %dma_start3A_128] : memref<2x80x128xf32, #tpu.memory_space<vmem>> -> memref<1x80x128xf32, #tpu.memory_space<vmem>>
        %dma_start3A_130 = tpu.memref_squeeze %dma_start3A_129 : memref<1x80x128xf32, #tpu.memory_space<vmem>> -> memref<80x128xf32, #tpu.memory_space<vmem>>
        %dma_start3A_131 = arith.constant 0 : i32
        %dma_start3A_132 = tpu.memref_slice %arg7[%run_scoped3A_89, %dma_start3A_131] : memref<2x80xi32, #tpu.memory_space<vmem>> -> memref<1x80xi32, #tpu.memory_space<vmem>>
        %dma_start3A_133 = tpu.memref_squeeze %dma_start3A_132 : memref<1x80xi32, #tpu.memory_space<vmem>> -> memref<80xi32, #tpu.memory_space<vmem>>
        %dma_start3A_134 = arith.constant 0 : i32
        %dma_start3A_135 = arith.constant 0 : i32
        %dma_start3A_136 = tpu.memref_slice %arg9[%dma_start3A_134, %dma_start3A_135] : memref<10240x128xf32, #tpu.memory_space<vmem_shared>> -> memref<10240x128xf32, #tpu.memory_space<vmem_shared>>
        tpu.enqueue_indirect_dma source(%dma_start3A_130 : memref<80x128xf32, #tpu.memory_space<vmem>>) target(%dma_start3A_136 : memref<10240x128xf32, #tpu.memory_space<vmem_shared>>) offsets(%dma_start3A_133 : memref<80xi32, #tpu.memory_space<vmem>>) semaphore(%run_scoped3A_126 : memref<!tpu.dma_semaphore, #tpu.memory_space<semaphore_mem>>) {add = true}
        %dma_wait3A_137 = arith.constant 0 : i32
        %dma_wait3A_138 = arith.constant 0 : i32
        %dma_wait3A_139 = tpu.memref_slice %arg8[%run_scoped3A_88, %dma_wait3A_137, %dma_wait3A_138] : memref<2x80x128xf32, #tpu.memory_space<vmem>> -> memref<1x80x128xf32, #tpu.memory_space<vmem>>
        %dma_wait3A_140 = tpu.memref_squeeze %dma_wait3A_139 : memref<1x80x128xf32, #tpu.memory_space<vmem>> -> memref<80x128xf32, #tpu.memory_space<vmem>>
        %dma_wait3A_141 = arith.constant 0 : i32
        %dma_wait3A_142 = tpu.memref_slice %arg7[%run_scoped3A_89, %dma_wait3A_141] : memref<2x80xi32, #tpu.memory_space<vmem>> -> memref<1x80xi32, #tpu.memory_space<vmem>>
        %dma_wait3A_143 = tpu.memref_squeeze %dma_wait3A_142 : memref<1x80xi32, #tpu.memory_space<vmem>> -> memref<80xi32, #tpu.memory_space<vmem>>
        %dma_wait3A_144 = arith.constant 0 : i32
        %dma_wait3A_145 = arith.constant 0 : i32
        %dma_wait3A_146 = tpu.memref_slice %arg9[%dma_wait3A_144, %dma_wait3A_145] : memref<10240x128xf32, #tpu.memory_space<vmem_shared>> -> memref<10240x128xf32, #tpu.memory_space<vmem_shared>>
        tpu.wait_indirect_dma semaphore(%run_scoped3A_126 : memref<!tpu.dma_semaphore, #tpu.memory_space<semaphore_mem>>) src(%dma_wait3A_140 : memref<80x128xf32, #tpu.memory_space<vmem>>) dst(%dma_wait3A_146 : memref<10240x128xf32, #tpu.memory_space<vmem_shared>>)
        tpu.yield
      }) : () -> ()
      %mul3A_90 = arith.constant 2 : i32
      %mul3A_91 = arith.muli %mul3A_90, %scan3A_53 : i32
      %add3A_92 = arith.constant 2 : i32
      %add3A_93 = arith.addi %mul3A_91, %add3A_92 : i32
      %mul3A_94 = arith.constant 80 : i32
      %mul3A_95 = arith.muli %add3A_93, %mul3A_94 : i32
      %add3A_96 = arith.addi %mul3A_2, %mul3A_95 : i32
      %run_scoped3A_97 = arith.constant 0 : i32
      "tpu.region"() ({
        %run_scoped3A_126 = tpu.sem_alloc : memref<!tpu.dma_semaphore, #tpu.memory_space<semaphore_mem>>
        %dma_start3A_127 = arith.constant 0 : i32
        %dma_start3A_128 = tpu.memref_slice %arg6[%run_scoped3A_97, %dma_start3A_127] : memref<2x80xi32, #tpu.memory_space<vmem>> -> memref<1x80xi32, #tpu.memory_space<vmem>>
        %dma_start3A_129 = tpu.memref_squeeze %dma_start3A_128 : memref<1x80xi32, #tpu.memory_space<vmem>> -> memref<80xi32, #tpu.memory_space<vmem>>
        %dma_start3A_130 = tpu.memref_slice %arg3[%add3A_96] : memref<320000xi32, #tpu.memory_space<hbm>> -> memref<80xi32, #tpu.memory_space<hbm>>
        %dma_start3A_131 = arith.constant 0 : i32
        %dma_start3A_132 = tpu.memref_slice %arg6[%run_scoped3A_97, %dma_start3A_131] : memref<2x80xi32, #tpu.memory_space<vmem>> -> memref<1x80xi32, #tpu.memory_space<vmem>>
        %dma_start3A_133 = tpu.memref_squeeze %dma_start3A_132 : memref<1x80xi32, #tpu.memory_space<vmem>> -> memref<80xi32, #tpu.memory_space<vmem>>
        %dma_start3A_134 = tpu.memref_slice %arg3[%add3A_96] : memref<320000xi32, #tpu.memory_space<hbm>> -> memref<80xi32, #tpu.memory_space<hbm>>
        tpu.enqueue_dma source(%dma_start3A_134 : memref<80xi32, #tpu.memory_space<hbm>>) target(%dma_start3A_133 : memref<80xi32, #tpu.memory_space<vmem>>) target_semaphore(%run_scoped3A_126 : memref<!tpu.dma_semaphore, #tpu.memory_space<semaphore_mem>>)
        %dma_wait3A_135 = arith.constant 0 : i32
        %dma_wait3A_136 = tpu.memref_slice %arg6[%run_scoped3A_97, %dma_wait3A_135] : memref<2x80xi32, #tpu.memory_space<vmem>> -> memref<1x80xi32, #tpu.memory_space<vmem>>
        %dma_wait3A_137 = tpu.memref_squeeze %dma_wait3A_136 : memref<1x80xi32, #tpu.memory_space<vmem>> -> memref<80xi32, #tpu.memory_space<vmem>>
        %dma_wait3A_138 = tpu.memref_slice %arg3[%add3A_96] : memref<320000xi32, #tpu.memory_space<hbm>> -> memref<80xi32, #tpu.memory_space<hbm>>
        %dma_wait3A_139 = arith.constant 0 : i32
        %dma_wait3A_140 = tpu.memref_slice %arg6[%run_scoped3A_97, %dma_wait3A_139] : memref<2x80xi32, #tpu.memory_space<vmem>> -> memref<1x80xi32, #tpu.memory_space<vmem>>
        %dma_wait3A_141 = tpu.memref_squeeze %dma_wait3A_140 : memref<1x80xi32, #tpu.memory_space<vmem>> -> memref<80xi32, #tpu.memory_space<vmem>>
        %dma_wait3A_142 = tpu.memref_slice %arg3[%add3A_96] : memref<320000xi32, #tpu.memory_space<hbm>> -> memref<80xi32, #tpu.memory_space<hbm>>
        tpu.wait_dma2 semaphore(%run_scoped3A_126 : memref<!tpu.dma_semaphore, #tpu.memory_space<semaphore_mem>>) src(%dma_wait3A_142 : memref<80xi32, #tpu.memory_space<hbm>>) dst(%dma_wait3A_141 : memref<80xi32, #tpu.memory_space<vmem>>)
        tpu.yield
      }) : () -> ()
      %run_scoped3A_98 = arith.constant 0 : i32
      "tpu.region"() ({
        %run_scoped3A_126 = tpu.sem_alloc : memref<!tpu.dma_semaphore, #tpu.memory_space<semaphore_mem>>
        %dma_start3A_127 = arith.constant 0 : i32
        %dma_start3A_128 = tpu.memref_slice %arg7[%run_scoped3A_98, %dma_start3A_127] : memref<2x80xi32, #tpu.memory_space<vmem>> -> memref<1x80xi32, #tpu.memory_space<vmem>>
        %dma_start3A_129 = tpu.memref_squeeze %dma_start3A_128 : memref<1x80xi32, #tpu.memory_space<vmem>> -> memref<80xi32, #tpu.memory_space<vmem>>
        %dma_start3A_130 = tpu.memref_slice %arg4[%add3A_96] : memref<320000xi32, #tpu.memory_space<hbm>> -> memref<80xi32, #tpu.memory_space<hbm>>
        %dma_start3A_131 = arith.constant 0 : i32
        %dma_start3A_132 = tpu.memref_slice %arg7[%run_scoped3A_98, %dma_start3A_131] : memref<2x80xi32, #tpu.memory_space<vmem>> -> memref<1x80xi32, #tpu.memory_space<vmem>>
        %dma_start3A_133 = tpu.memref_squeeze %dma_start3A_132 : memref<1x80xi32, #tpu.memory_space<vmem>> -> memref<80xi32, #tpu.memory_space<vmem>>
        %dma_start3A_134 = tpu.memref_slice %arg4[%add3A_96] : memref<320000xi32, #tpu.memory_space<hbm>> -> memref<80xi32, #tpu.memory_space<hbm>>
        tpu.enqueue_dma source(%dma_start3A_134 : memref<80xi32, #tpu.memory_space<hbm>>) target(%dma_start3A_133 : memref<80xi32, #tpu.memory_space<vmem>>) target_semaphore(%run_scoped3A_126 : memref<!tpu.dma_semaphore, #tpu.memory_space<semaphore_mem>>)
        %dma_wait3A_135 = arith.constant 0 : i32
        %dma_wait3A_136 = tpu.memref_slice %arg7[%run_scoped3A_98, %dma_wait3A_135] : memref<2x80xi32, #tpu.memory_space<vmem>> -> memref<1x80xi32, #tpu.memory_space<vmem>>
        %dma_wait3A_137 = tpu.memref_squeeze %dma_wait3A_136 : memref<1x80xi32, #tpu.memory_space<vmem>> -> memref<80xi32, #tpu.memory_space<vmem>>
        %dma_wait3A_138 = tpu.memref_slice %arg4[%add3A_96] : memref<320000xi32, #tpu.memory_space<hbm>> -> memref<80xi32, #tpu.memory_space<hbm>>
        %dma_wait3A_139 = arith.constant 0 : i32
        %dma_wait3A_140 = tpu.memref_slice %arg7[%run_scoped3A_98, %dma_wait3A_139] : memref<2x80xi32, #tpu.memory_space<vmem>> -> memref<1x80xi32, #tpu.memory_space<vmem>>
        %dma_wait3A_141 = tpu.memref_squeeze %dma_wait3A_140 : memref<1x80xi32, #tpu.memory_space<vmem>> -> memref<80xi32, #tpu.memory_space<vmem>>
        %dma_wait3A_142 = tpu.memref_slice %arg4[%add3A_96] : memref<320000xi32, #tpu.memory_space<hbm>> -> memref<80xi32, #tpu.memory_space<hbm>>
        tpu.wait_dma2 semaphore(%run_scoped3A_126 : memref<!tpu.dma_semaphore, #tpu.memory_space<semaphore_mem>>) src(%dma_wait3A_142 : memref<80xi32, #tpu.memory_space<hbm>>) dst(%dma_wait3A_141 : memref<80xi32, #tpu.memory_space<vmem>>)
        tpu.yield
      }) : () -> ()
      %dma_start3A_99 = arith.constant 0 : i32
      %dma_start3A_100 = arith.constant 0 : i32
      %dma_start3A_101 = arith.constant 0 : i32
      %dma_start3A_102 = arith.constant 0 : i32
      %dma_start3A_103 = tpu.memref_slice %arg8[%dma_start3A_100, %dma_start3A_101, %dma_start3A_102] : memref<2x80x128xf32, #tpu.memory_space<vmem>> -> memref<1x80x128xf32, #tpu.memory_space<vmem>>
      %dma_start3A_104 = tpu.memref_squeeze %dma_start3A_103 : memref<1x80x128xf32, #tpu.memory_space<vmem>> -> memref<80x128xf32, #tpu.memory_space<vmem>>
      %dma_start3A_105 = arith.constant 0 : i32
      %dma_start3A_106 = tpu.memref_slice %arg6[%dma_start3A_99, %dma_start3A_105] : memref<2x80xi32, #tpu.memory_space<vmem>> -> memref<1x80xi32, #tpu.memory_space<vmem>>
      %dma_start3A_107 = tpu.memref_squeeze %dma_start3A_106 : memref<1x80xi32, #tpu.memory_space<vmem>> -> memref<80xi32, #tpu.memory_space<vmem>>
      %dma_start3A_108 = arith.constant 0 : i32
      %dma_start3A_109 = arith.constant 0 : i32
      %dma_start3A_110 = tpu.memref_slice %arg2[%dma_start3A_108, %dma_start3A_109] : memref<10240x128xf32, #tpu.memory_space<hbm>> -> memref<10240x128xf32, #tpu.memory_space<hbm>>
      tpu.enqueue_indirect_dma source(%dma_start3A_110 : memref<10240x128xf32, #tpu.memory_space<hbm>>) target(%dma_start3A_104 : memref<80x128xf32, #tpu.memory_space<vmem>>) offsets(%dma_start3A_107 : memref<80xi32, #tpu.memory_space<vmem>>) semaphore(%arg10 : memref<!tpu.dma_semaphore, #tpu.memory_space<semaphore_mem>>)
      %dma_wait3A_111 = arith.constant 1 : i32
      %dma_wait3A_112 = arith.constant 1 : i32
      %dma_wait3A_113 = arith.constant 0 : i32
      %dma_wait3A_114 = arith.constant 0 : i32
      %dma_wait3A_115 = tpu.memref_slice %arg8[%dma_wait3A_112, %dma_wait3A_113, %dma_wait3A_114] : memref<2x80x128xf32, #tpu.memory_space<vmem>> -> memref<1x80x128xf32, #tpu.memory_space<vmem>>
      %dma_wait3A_116 = tpu.memref_squeeze %dma_wait3A_115 : memref<1x80x128xf32, #tpu.memory_space<vmem>> -> memref<80x128xf32, #tpu.memory_space<vmem>>
      %dma_wait3A_117 = arith.constant 0 : i32
      %dma_wait3A_118 = tpu.memref_slice %arg6[%dma_wait3A_111, %dma_wait3A_117] : memref<2x80xi32, #tpu.memory_space<vmem>> -> memref<1x80xi32, #tpu.memory_space<vmem>>
      %dma_wait3A_119 = tpu.memref_squeeze %dma_wait3A_118 : memref<1x80xi32, #tpu.memory_space<vmem>> -> memref<80xi32, #tpu.memory_space<vmem>>
      %dma_wait3A_120 = arith.constant 0 : i32
      %dma_wait3A_121 = arith.constant 0 : i32
      %dma_wait3A_122 = tpu.memref_slice %arg2[%dma_wait3A_120, %dma_wait3A_121] : memref<10240x128xf32, #tpu.memory_space<hbm>> -> memref<10240x128xf32, #tpu.memory_space<hbm>>
      tpu.wait_indirect_dma semaphore(%arg11 : memref<!tpu.dma_semaphore, #tpu.memory_space<semaphore_mem>>) src(%dma_wait3A_122 : memref<10240x128xf32, #tpu.memory_space<hbm>>) dst(%dma_wait3A_116 : memref<80x128xf32, #tpu.memory_space<vmem>>)
      %run_scoped3A_123 = arith.constant 1 : i32
      %run_scoped3A_124 = arith.constant 1 : i32
      "tpu.region"() ({
        %run_scoped3A_126 = tpu.sem_alloc : memref<!tpu.dma_semaphore, #tpu.memory_space<semaphore_mem>>
        %dma_start3A_127 = arith.constant 0 : i32
        %dma_start3A_128 = arith.constant 0 : i32
        %dma_start3A_129 = tpu.memref_slice %arg8[%run_scoped3A_123, %dma_start3A_127, %dma_start3A_128] : memref<2x80x128xf32, #tpu.memory_space<vmem>> -> memref<1x80x128xf32, #tpu.memory_space<vmem>>
        %dma_start3A_130 = tpu.memref_squeeze %dma_start3A_129 : memref<1x80x128xf32, #tpu.memory_space<vmem>> -> memref<80x128xf32, #tpu.memory_space<vmem>>
        %dma_start3A_131 = arith.constant 0 : i32
        %dma_start3A_132 = tpu.memref_slice %arg7[%run_scoped3A_124, %dma_start3A_131] : memref<2x80xi32, #tpu.memory_space<vmem>> -> memref<1x80xi32, #tpu.memory_space<vmem>>
        %dma_start3A_133 = tpu.memref_squeeze %dma_start3A_132 : memref<1x80xi32, #tpu.memory_space<vmem>> -> memref<80xi32, #tpu.memory_space<vmem>>
        %dma_start3A_134 = arith.constant 0 : i32
        %dma_start3A_135 = arith.constant 0 : i32
        %dma_start3A_136 = tpu.memref_slice %arg9[%dma_start3A_134, %dma_start3A_135] : memref<10240x128xf32, #tpu.memory_space<vmem_shared>> -> memref<10240x128xf32, #tpu.memory_space<vmem_shared>>
        tpu.enqueue_indirect_dma source(%dma_start3A_130 : memref<80x128xf32, #tpu.memory_space<vmem>>) target(%dma_start3A_136 : memref<10240x128xf32, #tpu.memory_space<vmem_shared>>) offsets(%dma_start3A_133 : memref<80xi32, #tpu.memory_space<vmem>>) semaphore(%run_scoped3A_126 : memref<!tpu.dma_semaphore, #tpu.memory_space<semaphore_mem>>) {add = true}
        %dma_wait3A_137 = arith.constant 0 : i32
        %dma_wait3A_138 = arith.constant 0 : i32
        %dma_wait3A_139 = tpu.memref_slice %arg8[%run_scoped3A_123, %dma_wait3A_137, %dma_wait3A_138] : memref<2x80x128xf32, #tpu.memory_space<vmem>> -> memref<1x80x128xf32, #tpu.memory_space<vmem>>
        %dma_wait3A_140 = tpu.memref_squeeze %dma_wait3A_139 : memref<1x80x128xf32, #tpu.memory_space<vmem>> -> memref<80x128xf32, #tpu.memory_space<vmem>>
        %dma_wait3A_141 = arith.constant 0 : i32
        %dma_wait3A_142 = tpu.memref_slice %arg7[%run_scoped3A_124, %dma_wait3A_141] : memref<2x80xi32, #tpu.memory_space<vmem>> -> memref<1x80xi32, #tpu.memory_space<vmem>>
        %dma_wait3A_143 = tpu.memref_squeeze %dma_wait3A_142 : memref<1x80xi32, #tpu.memory_space<vmem>> -> memref<80xi32, #tpu.memory_space<vmem>>
        %dma_wait3A_144 = arith.constant 0 : i32
        %dma_wait3A_145 = arith.constant 0 : i32
        %dma_wait3A_146 = tpu.memref_slice %arg9[%dma_wait3A_144, %dma_wait3A_145] : memref<10240x128xf32, #tpu.memory_space<vmem_shared>> -> memref<10240x128xf32, #tpu.memory_space<vmem_shared>>
        tpu.wait_indirect_dma semaphore(%run_scoped3A_126 : memref<!tpu.dma_semaphore, #tpu.memory_space<semaphore_mem>>) src(%dma_wait3A_140 : memref<80x128xf32, #tpu.memory_space<vmem>>) dst(%dma_wait3A_146 : memref<10240x128xf32, #tpu.memory_space<vmem_shared>>)
        tpu.yield
      }) : () -> ()
      %scan3A_125 = arith.constant 0 : i32
      scf.yield %scan3A_125 : i32
    }
    %scan3A_36 = arith.constant 62 : i32
    %dma_wait3A = arith.constant 0 : i32
    %dma_wait3A_37 = arith.constant 0 : i32
    %dma_wait3A_38 = arith.constant 0 : i32
    %dma_wait3A_39 = arith.constant 0 : i32
    %dma_wait3A_40 = tpu.memref_slice %arg8[%dma_wait3A_37, %dma_wait3A_38, %dma_wait3A_39] : memref<2x80x128xf32, #tpu.memory_space<vmem>> -> memref<1x80x128xf32, #tpu.memory_space<vmem>>
    %dma_wait3A_41 = tpu.memref_squeeze %dma_wait3A_40 : memref<1x80x128xf32, #tpu.memory_space<vmem>> -> memref<80x128xf32, #tpu.memory_space<vmem>>
    %dma_wait3A_42 = arith.constant 0 : i32
    %dma_wait3A_43 = tpu.memref_slice %arg6[%dma_wait3A, %dma_wait3A_42] : memref<2x80xi32, #tpu.memory_space<vmem>> -> memref<1x80xi32, #tpu.memory_space<vmem>>
    %dma_wait3A_44 = tpu.memref_squeeze %dma_wait3A_43 : memref<1x80xi32, #tpu.memory_space<vmem>> -> memref<80xi32, #tpu.memory_space<vmem>>
    %dma_wait3A_45 = arith.constant 0 : i32
    %dma_wait3A_46 = arith.constant 0 : i32
    %dma_wait3A_47 = tpu.memref_slice %arg2[%dma_wait3A_45, %dma_wait3A_46] : memref<10240x128xf32, #tpu.memory_space<hbm>> -> memref<10240x128xf32, #tpu.memory_space<hbm>>
    tpu.wait_indirect_dma semaphore(%arg10 : memref<!tpu.dma_semaphore, #tpu.memory_space<semaphore_mem>>) src(%dma_wait3A_47 : memref<10240x128xf32, #tpu.memory_space<hbm>>) dst(%dma_wait3A_41 : memref<80x128xf32, #tpu.memory_space<vmem>>)
    %run_scoped3A_48 = arith.constant 0 : i32
    %run_scoped3A_49 = arith.constant 0 : i32
    "tpu.region"() ({
      %run_scoped3A_53 = tpu.sem_alloc : memref<!tpu.dma_semaphore, #tpu.memory_space<semaphore_mem>>
      %dma_start3A_54 = arith.constant 0 : i32
      %dma_start3A_55 = arith.constant 0 : i32
      %dma_start3A_56 = tpu.memref_slice %arg8[%run_scoped3A_48, %dma_start3A_54, %dma_start3A_55] : memref<2x80x128xf32, #tpu.memory_space<vmem>> -> memref<1x80x128xf32, #tpu.memory_space<vmem>>
      %dma_start3A_57 = tpu.memref_squeeze %dma_start3A_56 : memref<1x80x128xf32, #tpu.memory_space<vmem>> -> memref<80x128xf32, #tpu.memory_space<vmem>>
      %dma_start3A_58 = arith.constant 0 : i32
      %dma_start3A_59 = tpu.memref_slice %arg7[%run_scoped3A_49, %dma_start3A_58] : memref<2x80xi32, #tpu.memory_space<vmem>> -> memref<1x80xi32, #tpu.memory_space<vmem>>
      %dma_start3A_60 = tpu.memref_squeeze %dma_start3A_59 : memref<1x80xi32, #tpu.memory_space<vmem>> -> memref<80xi32, #tpu.memory_space<vmem>>
      %dma_start3A_61 = arith.constant 0 : i32
      %dma_start3A_62 = arith.constant 0 : i32
      %dma_start3A_63 = tpu.memref_slice %arg9[%dma_start3A_61, %dma_start3A_62] : memref<10240x128xf32, #tpu.memory_space<vmem_shared>> -> memref<10240x128xf32, #tpu.memory_space<vmem_shared>>
      tpu.enqueue_indirect_dma source(%dma_start3A_57 : memref<80x128xf32, #tpu.memory_space<vmem>>) target(%dma_start3A_63 : memref<10240x128xf32, #tpu.memory_space<vmem_shared>>) offsets(%dma_start3A_60 : memref<80xi32, #tpu.memory_space<vmem>>) semaphore(%run_scoped3A_53 : memref<!tpu.dma_semaphore, #tpu.memory_space<semaphore_mem>>) {add = true}
      %dma_wait3A_64 = arith.constant 0 : i32
      %dma_wait3A_65 = arith.constant 0 : i32
      %dma_wait3A_66 = tpu.memref_slice %arg8[%run_scoped3A_48, %dma_wait3A_64, %dma_wait3A_65] : memref<2x80x128xf32, #tpu.memory_space<vmem>> -> memref<1x80x128xf32, #tpu.memory_space<vmem>>
      %dma_wait3A_67 = tpu.memref_squeeze %dma_wait3A_66 : memref<1x80x128xf32, #tpu.memory_space<vmem>> -> memref<80x128xf32, #tpu.memory_space<vmem>>
      %dma_wait3A_68 = arith.constant 0 : i32
      %dma_wait3A_69 = tpu.memref_slice %arg7[%run_scoped3A_49, %dma_wait3A_68] : memref<2x80xi32, #tpu.memory_space<vmem>> -> memref<1x80xi32, #tpu.memory_space<vmem>>
      %dma_wait3A_70 = tpu.memref_squeeze %dma_wait3A_69 : memref<1x80xi32, #tpu.memory_space<vmem>> -> memref<80xi32, #tpu.memory_space<vmem>>
      %dma_wait3A_71 = arith.constant 0 : i32
      %dma_wait3A_72 = arith.constant 0 : i32
      %dma_wait3A_73 = tpu.memref_slice %arg9[%dma_wait3A_71, %dma_wait3A_72] : memref<10240x128xf32, #tpu.memory_space<vmem_shared>> -> memref<10240x128xf32, #tpu.memory_space<vmem_shared>>
      tpu.wait_indirect_dma semaphore(%run_scoped3A_53 : memref<!tpu.dma_semaphore, #tpu.memory_space<semaphore_mem>>) src(%dma_wait3A_67 : memref<80x128xf32, #tpu.memory_space<vmem>>) dst(%dma_wait3A_73 : memref<10240x128xf32, #tpu.memory_space<vmem_shared>>)
      tpu.yield
    }) : () -> ()
    %barrier3A_50 = arith.constant 0 : index
    tpu.barrier barrier_id(%barrier3A_50)
    %mul3A_51 = arith.constant 640 : i32
    %mul3A_52 = arith.muli %arg1, %mul3A_51 : i32
    "tpu.region"() ({
      %run_scoped3A_53 = tpu.sem_alloc : memref<!tpu.dma_semaphore, #tpu.memory_space<semaphore_mem>>
      %dma_start3A_54 = arith.constant 0 : i32
      %dma_start3A_55 = tpu.memref_slice %arg5[%arg0, %mul3A_52, %dma_start3A_54] : memref<2x10240x128xf32, #tpu.memory_space<hbm>> -> memref<1x640x128xf32, #tpu.memory_space<hbm>>
      %dma_start3A_56 = tpu.memref_squeeze %dma_start3A_55 : memref<1x640x128xf32, #tpu.memory_space<hbm>> -> memref<640x128xf32, #tpu.memory_space<hbm>>
      %dma_start3A_57 = arith.constant 0 : i32
      %dma_start3A_58 = tpu.memref_slice %arg9[%mul3A_52, %dma_start3A_57] : memref<10240x128xf32, #tpu.memory_space<vmem_shared>> -> memref<640x128xf32, #tpu.memory_space<vmem_shared>>
      tpu.enqueue_dma source(%dma_start3A_58 : memref<640x128xf32, #tpu.memory_space<vmem_shared>>) target(%dma_start3A_56 : memref<640x128xf32, #tpu.memory_space<hbm>>) target_semaphore(%run_scoped3A_53 : memref<!tpu.dma_semaphore, #tpu.memory_space<semaphore_mem>>)
      %dma_wait3A_59 = arith.constant 0 : i32
      %dma_wait3A_60 = tpu.memref_slice %arg5[%arg0, %mul3A_52, %dma_wait3A_59] : memref<2x10240x128xf32, #tpu.memory_space<hbm>> -> memref<1x640x128xf32, #tpu.memory_space<hbm>>
      %dma_wait3A_61 = tpu.memref_squeeze %dma_wait3A_60 : memref<1x640x128xf32, #tpu.memory_space<hbm>> -> memref<640x128xf32, #tpu.memory_space<hbm>>
      %dma_wait3A_62 = arith.constant 0 : i32
      %dma_wait3A_63 = tpu.memref_slice %arg9[%mul3A_52, %dma_wait3A_62] : memref<10240x128xf32, #tpu.memory_space<vmem_shared>> -> memref<640x128xf32, #tpu.memory_space<vmem_shared>>
      tpu.wait_dma2 semaphore(%run_scoped3A_53 : memref<!tpu.dma_semaphore, #tpu.memory_space<semaphore_mem>>) src(%dma_wait3A_63 : memref<640x128xf32, #tpu.memory_space<vmem_shared>>) dst(%dma_wait3A_61 : memref<640x128xf32, #tpu.memory_space<hbm>>)
      tpu.yield
    }) : () -> ()
    return
  }
}

#map = affine_map<(d0, d1) -> (0, 0)>
#map1 = affine_map<(d0, d1) -> (0)>
#map2 = affine_map<(d0, d1) -> (0, 0, 0)>
module attributes {stable_mosaic.version = 14 : i64} {
  func.func @k(%arg0: i32, %arg1: i32, %arg2: memref<10240x64xf32, #tpu.memory_space<hbm>>, %arg3: memref<320000xi32, #tpu.memory_space<hbm>>, %arg4: memref<320000xi32, #tpu.memory_space<hbm>>, %arg5: memref<2x10240x64xf32, #tpu.memory_space<hbm>>, %arg6: memref<2x80xi32, #tpu.memory_space<vmem>>, %arg7: memref<2x80xi32, #tpu.memory_space<vmem>>, %arg8: memref<2x80x64xf32, #tpu.memory_space<vmem>>, %arg9: memref<10240x64xf32, #tpu.memory_space<vmem_shared>>, %arg10: memref<!tpu.dma_semaphore, #tpu.memory_space<semaphore_mem>>, %arg11: memref<!tpu.dma_semaphore, #tpu.memory_space<semaphore_mem>>) attributes {dimension_semantics = [#tpu.dimension_semantics<core_parallel>, #tpu.dimension_semantics<subcore_parallel>], iteration_bounds = array<i64: 2, 16>, scalar_prefetch = 0 : i64, scratch_operands = 6 : i64, tpu.core_type = #tpu.core_type<sc_vector_subcore>, window_params = [{transform_indices = #map}, {transform_indices = #map1}, {transform_indices = #map1}, {transform_indices = #map2}]} {
    %mul3A = arith.constant 16 : i32
    %mul3A_0 = arith.muli %arg0, %mul3A : i32
    %add3A = arith.addi %mul3A_0, %arg1 : i32
    %mul3A_1 = arith.constant 10000 : i32
    %mul3A_2 = arith.muli %add3A, %mul3A_1 : i32
    %scan3A = arith.constant 0 : i32
    %scan3A_3 = arith.constant 0 : i32
    %scan3A_4 = arith.constant 320 : i32
    %scan3A_5 = arith.addi %scan3A_3, %scan3A_4 : i32
    %scan3A_6 = arith.constant 1 : i32
    %scan3A_7 = scf.for %scan3A_53 = %scan3A_3 to %scan3A_5 step %scan3A_6 iter_args(%scan3A_54 = %scan3A) -> (i32)  : i32 {
      %broadcast_in_dim3A = arith.constant 0.000000e+00 : f32
      %broadcast_in_dim3A_55 = vector.broadcast %broadcast_in_dim3A : f32 to vector<16xf32>
      %jit3A = arith.constant 4 : i32
      %div3A = arith.divsi %scan3A_53, %jit3A : i32
      %sign3A = arith.constant 0 : i32
      %sign3A_56 = arith.cmpi sgt, %scan3A_53, %sign3A : i32
      %sign3A_57 = arith.extui %sign3A_56 : i1 to i32
      %sign3A_58 = arith.constant 0 : i32
      %sign3A_59 = arith.cmpi slt, %scan3A_53, %sign3A_58 : i32
      %sign3A_60 = arith.extui %sign3A_59 : i1 to i32
      %sign3A_61 = arith.subi %sign3A_57, %sign3A_60 : i32
      %sign3A_62 = arith.constant 0 : i32
      %sign3A_63 = arith.cmpi sgt, %jit3A, %sign3A_62 : i32
      %sign3A_64 = arith.extui %sign3A_63 : i1 to i32
      %sign3A_65 = arith.constant 0 : i32
      %sign3A_66 = arith.cmpi slt, %jit3A, %sign3A_65 : i32
      %sign3A_67 = arith.extui %sign3A_66 : i1 to i32
      %sign3A_68 = arith.subi %sign3A_64, %sign3A_67 : i32
      %ne3A = arith.cmpi ne, %sign3A_61, %sign3A_68 : i32
      %rem3A = arith.remsi %scan3A_53, %jit3A : i32
      %ne3A_69 = arith.constant 0 : i32
      %ne3A_70 = arith.cmpi ne, %rem3A, %ne3A_69 : i32
      %and3A = arith.andi %ne3A, %ne3A_70 : i1
      %sub3A = arith.constant 1 : i32
      %sub3A_71 = arith.subi %div3A, %sub3A : i32
      %select_n3A = arith.select %and3A, %sub3A_71, %div3A : i32
      %jit3A_72 = arith.constant 4 : i32
      %eq3A = arith.constant 0 : i32
      %eq3A_73 = arith.cmpi eq, %jit3A_72, %eq3A : i32
      %jit3A_74 = arith.constant 1 : i32
      %select_n3A_75 = arith.select %eq3A_73, %jit3A_74, %jit3A_72 : i32
      %rem3A_76 = arith.remsi %scan3A_53, %select_n3A_75 : i32
      %ne3A_77 = arith.constant 0 : i32
      %ne3A_78 = arith.cmpi ne, %rem3A_76, %ne3A_77 : i32
      %lt3A = arith.constant 0 : i32
      %lt3A_79 = arith.cmpi slt, %rem3A_76, %lt3A : i32
      %lt3A_80 = arith.constant 0 : i32
      %lt3A_81 = arith.cmpi slt, %select_n3A_75, %lt3A_80 : i32
      %ne3A_82 = arith.xori %lt3A_79, %lt3A_81 : i1
      %and3A_83 = arith.andi %ne3A_82, %ne3A_78 : i1
      %add3A_84 = arith.addi %rem3A_76, %select_n3A_75 : i32
      %select_n3A_85 = arith.select %and3A_83, %add3A_84, %rem3A_76 : i32
      %mul3A_86 = arith.constant 16 : i32
      %mul3A_87 = arith.muli %select_n3A_85, %mul3A_86 : i32
      %swap3A = arith.constant 0 : i32
      %swap3A_88 = arith.index_cast %swap3A : i32 to index
      %swap3A_89 = arith.index_cast %select_n3A : i32 to index
      %swap3A_90 = arith.index_cast %mul3A_87 : i32 to index
      %swap3A_91 = tpu.vector_load %arg8[%swap3A_88, %swap3A_89, %swap3A_90] {strides = array<i32>} : memref<2x80x64xf32, #tpu.memory_space<vmem>>, vector<1x1x16xf32>,
      %swap3A_92 = vector.shape_cast %swap3A_91 : vector<1x1x16xf32> to vector<16xf32>
      %swap3A_93 = vector.shape_cast %broadcast_in_dim3A_55 : vector<16xf32> to vector<1x1x16xf32>
      tpu.vector_store %arg8[%swap3A_88, %swap3A_89, %swap3A_90], %swap3A_93 {strides = array<i32>} : memref<2x80x64xf32, #tpu.memory_space<vmem>>, vector<1x1x16xf32>,
      %scan3A_94 = arith.constant 0 : i32
      scf.yield %scan3A_94 : i32
    }
    %scan3A_8 = arith.constant 320 : i32
    %scan3A_9 = arith.constant 0 : i32
    %scan3A_10 = arith.constant 0 : i32
    %scan3A_11 = arith.constant 8 : i32
    %scan3A_12 = arith.addi %scan3A_10, %scan3A_11 : i32
    %scan3A_13 = arith.constant 1 : i32
    %scan3A_14 = scf.for %scan3A_53 = %scan3A_10 to %scan3A_12 step %scan3A_13 iter_args(%scan3A_54 = %scan3A_9) -> (i32)  : i32 {
      %mul3A_55 = arith.constant 640 : i32
      %mul3A_56 = arith.muli %arg1, %mul3A_55 : i32
      %mul3A_57 = arith.constant 80 : i32
      %mul3A_58 = arith.muli %scan3A_53, %mul3A_57 : i32
      %add3A_59 = arith.addi %mul3A_56, %mul3A_58 : i32
      %run_scoped3A_60 = arith.constant 0 : i32
      "tpu.region"() ({
        %run_scoped3A_62 = tpu.sem_alloc : memref<!tpu.dma_semaphore, #tpu.memory_space<semaphore_mem>>
        %dma_start3A_63 = arith.constant 0 : i32
        %dma_start3A_64 = arith.constant 0 : i32
        %dma_start3A_65 = tpu.memref_slice %arg8[%run_scoped3A_60, %dma_start3A_63, %dma_start3A_64] : memref<2x80x64xf32, #tpu.memory_space<vmem>> -> memref<1x80x64xf32, #tpu.memory_space<vmem>>
        %dma_start3A_66 = tpu.memref_squeeze %dma_start3A_65 : memref<1x80x64xf32, #tpu.memory_space<vmem>> -> memref<80x64xf32, #tpu.memory_space<vmem>>
        %dma_start3A_67 = arith.constant 0 : i32
        %dma_start3A_68 = tpu.memref_slice %arg9[%add3A_59, %dma_start3A_67] : memref<10240x64xf32, #tpu.memory_space<vmem_shared>> -> memref<80x64xf32, #tpu.memory_space<vmem_shared>>
        %dma_start3A_69 = arith.constant 0 : i32
        %dma_start3A_70 = tpu.memref_slice %arg9[%add3A_59, %dma_start3A_69] : memref<10240x64xf32, #tpu.memory_space<vmem_shared>> -> memref<80x64xf32, #tpu.memory_space<vmem_shared>>
        %dma_start3A_71 = arith.constant 0 : i32
        %dma_start3A_72 = arith.constant 0 : i32
        %dma_start3A_73 = tpu.memref_slice %arg8[%run_scoped3A_60, %dma_start3A_71, %dma_start3A_72] : memref<2x80x64xf32, #tpu.memory_space<vmem>> -> memref<1x80x64xf32, #tpu.memory_space<vmem>>
        %dma_start3A_74 = tpu.memref_squeeze %dma_start3A_73 : memref<1x80x64xf32, #tpu.memory_space<vmem>> -> memref<80x64xf32, #tpu.memory_space<vmem>>
        tpu.enqueue_dma source(%dma_start3A_74 : memref<80x64xf32, #tpu.memory_space<vmem>>) target(%dma_start3A_70 : memref<80x64xf32, #tpu.memory_space<vmem_shared>>) target_semaphore(%run_scoped3A_62 : memref<!tpu.dma_semaphore, #tpu.memory_space<semaphore_mem>>)
        %dma_wait3A_75 = arith.constant 0 : i32
        %dma_wait3A_76 = arith.constant 0 : i32
        %dma_wait3A_77 = tpu.memref_slice %arg8[%run_scoped3A_60, %dma_wait3A_75, %dma_wait3A_76] : memref<2x80x64xf32, #tpu.memory_space<vmem>> -> memref<1x80x64xf32, #tpu.memory_space<vmem>>
        %dma_wait3A_78 = tpu.memref_squeeze %dma_wait3A_77 : memref<1x80x64xf32, #tpu.memory_space<vmem>> -> memref<80x64xf32, #tpu.memory_space<vmem>>
        %dma_wait3A_79 = arith.constant 0 : i32
        %dma_wait3A_80 = tpu.memref_slice %arg9[%add3A_59, %dma_wait3A_79] : memref<10240x64xf32, #tpu.memory_space<vmem_shared>> -> memref<80x64xf32, #tpu.memory_space<vmem_shared>>
        %dma_wait3A_81 = arith.constant 0 : i32
        %dma_wait3A_82 = tpu.memref_slice %arg9[%add3A_59, %dma_wait3A_81] : memref<10240x64xf32, #tpu.memory_space<vmem_shared>> -> memref<80x64xf32, #tpu.memory_space<vmem_shared>>
        %dma_wait3A_83 = arith.constant 0 : i32
        %dma_wait3A_84 = arith.constant 0 : i32
        %dma_wait3A_85 = tpu.memref_slice %arg8[%run_scoped3A_60, %dma_wait3A_83, %dma_wait3A_84] : memref<2x80x64xf32, #tpu.memory_space<vmem>> -> memref<1x80x64xf32, #tpu.memory_space<vmem>>
        %dma_wait3A_86 = tpu.memref_squeeze %dma_wait3A_85 : memref<1x80x64xf32, #tpu.memory_space<vmem>> -> memref<80x64xf32, #tpu.memory_space<vmem>>
        tpu.wait_dma2 semaphore(%run_scoped3A_62 : memref<!tpu.dma_semaphore, #tpu.memory_space<semaphore_mem>>) src(%dma_wait3A_86 : memref<80x64xf32, #tpu.memory_space<vmem>>) dst(%dma_wait3A_82 : memref<80x64xf32, #tpu.memory_space<vmem_shared>>)
        tpu.yield
      }) : () -> ()
      %scan3A_61 = arith.constant 0 : i32
      scf.yield %scan3A_61 : i32
    }
    %scan3A_15 = arith.constant 8 : i32
    %barrier3A = arith.constant 0 : index
    tpu.barrier barrier_id(%barrier3A)
    %add3A_16 = arith.constant 0 : i32
    %add3A_17 = arith.addi %mul3A_2, %add3A_16 : i32
    %run_scoped3A = arith.constant 0 : i32
    "tpu.region"() ({
      %run_scoped3A_53 = tpu.sem_alloc : memref<!tpu.dma_semaphore, #tpu.memory_space<semaphore_mem>>
      %dma_start3A_54 = arith.constant 0 : i32
      %dma_start3A_55 = tpu.memref_slice %arg6[%run_scoped3A, %dma_start3A_54] : memref<2x80xi32, #tpu.memory_space<vmem>> -> memref<1x80xi32, #tpu.memory_space<vmem>>
      %dma_start3A_56 = tpu.memref_squeeze %dma_start3A_55 : memref<1x80xi32, #tpu.memory_space<vmem>> -> memref<80xi32, #tpu.memory_space<vmem>>
      %dma_start3A_57 = tpu.memref_slice %arg3[%add3A_17] : memref<320000xi32, #tpu.memory_space<hbm>> -> memref<80xi32, #tpu.memory_space<hbm>>
      %dma_start3A_58 = arith.constant 0 : i32
      %dma_start3A_59 = tpu.memref_slice %arg6[%run_scoped3A, %dma_start3A_58] : memref<2x80xi32, #tpu.memory_space<vmem>> -> memref<1x80xi32, #tpu.memory_space<vmem>>
      %dma_start3A_60 = tpu.memref_squeeze %dma_start3A_59 : memref<1x80xi32, #tpu.memory_space<vmem>> -> memref<80xi32, #tpu.memory_space<vmem>>
      %dma_start3A_61 = tpu.memref_slice %arg3[%add3A_17] : memref<320000xi32, #tpu.memory_space<hbm>> -> memref<80xi32, #tpu.memory_space<hbm>>
      tpu.enqueue_dma source(%dma_start3A_61 : memref<80xi32, #tpu.memory_space<hbm>>) target(%dma_start3A_60 : memref<80xi32, #tpu.memory_space<vmem>>) target_semaphore(%run_scoped3A_53 : memref<!tpu.dma_semaphore, #tpu.memory_space<semaphore_mem>>)
      %dma_wait3A_62 = arith.constant 0 : i32
      %dma_wait3A_63 = tpu.memref_slice %arg6[%run_scoped3A, %dma_wait3A_62] : memref<2x80xi32, #tpu.memory_space<vmem>> -> memref<1x80xi32, #tpu.memory_space<vmem>>
      %dma_wait3A_64 = tpu.memref_squeeze %dma_wait3A_63 : memref<1x80xi32, #tpu.memory_space<vmem>> -> memref<80xi32, #tpu.memory_space<vmem>>
      %dma_wait3A_65 = tpu.memref_slice %arg3[%add3A_17] : memref<320000xi32, #tpu.memory_space<hbm>> -> memref<80xi32, #tpu.memory_space<hbm>>
      %dma_wait3A_66 = arith.constant 0 : i32
      %dma_wait3A_67 = tpu.memref_slice %arg6[%run_scoped3A, %dma_wait3A_66] : memref<2x80xi32, #tpu.memory_space<vmem>> -> memref<1x80xi32, #tpu.memory_space<vmem>>
      %dma_wait3A_68 = tpu.memref_squeeze %dma_wait3A_67 : memref<1x80xi32, #tpu.memory_space<vmem>> -> memref<80xi32, #tpu.memory_space<vmem>>
      %dma_wait3A_69 = tpu.memref_slice %arg3[%add3A_17] : memref<320000xi32, #tpu.memory_space<hbm>> -> memref<80xi32, #tpu.memory_space<hbm>>
      tpu.wait_dma2 semaphore(%run_scoped3A_53 : memref<!tpu.dma_semaphore, #tpu.memory_space<semaphore_mem>>) src(%dma_wait3A_69 : memref<80xi32, #tpu.memory_space<hbm>>) dst(%dma_wait3A_68 : memref<80xi32, #tpu.memory_space<vmem>>)
      tpu.yield
    }) : () -> ()
    %run_scoped3A_18 = arith.constant 0 : i32
    "tpu.region"() ({
      %run_scoped3A_53 = tpu.sem_alloc : memref<!tpu.dma_semaphore, #tpu.memory_space<semaphore_mem>>
      %dma_start3A_54 = arith.constant 0 : i32
      %dma_start3A_55 = tpu.memref_slice %arg7[%run_scoped3A_18, %dma_start3A_54] : memref<2x80xi32, #tpu.memory_space<vmem>> -> memref<1x80xi32, #tpu.memory_space<vmem>>
      %dma_start3A_56 = tpu.memref_squeeze %dma_start3A_55 : memref<1x80xi32, #tpu.memory_space<vmem>> -> memref<80xi32, #tpu.memory_space<vmem>>
      %dma_start3A_57 = tpu.memref_slice %arg4[%add3A_17] : memref<320000xi32, #tpu.memory_space<hbm>> -> memref<80xi32, #tpu.memory_space<hbm>>
      %dma_start3A_58 = arith.constant 0 : i32
      %dma_start3A_59 = tpu.memref_slice %arg7[%run_scoped3A_18, %dma_start3A_58] : memref<2x80xi32, #tpu.memory_space<vmem>> -> memref<1x80xi32, #tpu.memory_space<vmem>>
      %dma_start3A_60 = tpu.memref_squeeze %dma_start3A_59 : memref<1x80xi32, #tpu.memory_space<vmem>> -> memref<80xi32, #tpu.memory_space<vmem>>
      %dma_start3A_61 = tpu.memref_slice %arg4[%add3A_17] : memref<320000xi32, #tpu.memory_space<hbm>> -> memref<80xi32, #tpu.memory_space<hbm>>
      tpu.enqueue_dma source(%dma_start3A_61 : memref<80xi32, #tpu.memory_space<hbm>>) target(%dma_start3A_60 : memref<80xi32, #tpu.memory_space<vmem>>) target_semaphore(%run_scoped3A_53 : memref<!tpu.dma_semaphore, #tpu.memory_space<semaphore_mem>>)
      %dma_wait3A_62 = arith.constant 0 : i32
      %dma_wait3A_63 = tpu.memref_slice %arg7[%run_scoped3A_18, %dma_wait3A_62] : memref<2x80xi32, #tpu.memory_space<vmem>> -> memref<1x80xi32, #tpu.memory_space<vmem>>
      %dma_wait3A_64 = tpu.memref_squeeze %dma_wait3A_63 : memref<1x80xi32, #tpu.memory_space<vmem>> -> memref<80xi32, #tpu.memory_space<vmem>>
      %dma_wait3A_65 = tpu.memref_slice %arg4[%add3A_17] : memref<320000xi32, #tpu.memory_space<hbm>> -> memref<80xi32, #tpu.memory_space<hbm>>
      %dma_wait3A_66 = arith.constant 0 : i32
      %dma_wait3A_67 = tpu.memref_slice %arg7[%run_scoped3A_18, %dma_wait3A_66] : memref<2x80xi32, #tpu.memory_space<vmem>> -> memref<1x80xi32, #tpu.memory_space<vmem>>
      %dma_wait3A_68 = tpu.memref_squeeze %dma_wait3A_67 : memref<1x80xi32, #tpu.memory_space<vmem>> -> memref<80xi32, #tpu.memory_space<vmem>>
      %dma_wait3A_69 = tpu.memref_slice %arg4[%add3A_17] : memref<320000xi32, #tpu.memory_space<hbm>> -> memref<80xi32, #tpu.memory_space<hbm>>
      tpu.wait_dma2 semaphore(%run_scoped3A_53 : memref<!tpu.dma_semaphore, #tpu.memory_space<semaphore_mem>>) src(%dma_wait3A_69 : memref<80xi32, #tpu.memory_space<hbm>>) dst(%dma_wait3A_68 : memref<80xi32, #tpu.memory_space<vmem>>)
      tpu.yield
    }) : () -> ()
    %dma_start3A = arith.constant 0 : i32
    %dma_start3A_19 = arith.constant 0 : i32
    %dma_start3A_20 = arith.constant 0 : i32
    %dma_start3A_21 = arith.constant 0 : i32
    %dma_start3A_22 = tpu.memref_slice %arg8[%dma_start3A_19, %dma_start3A_20, %dma_start3A_21] : memref<2x80x64xf32, #tpu.memory_space<vmem>> -> memref<1x80x64xf32, #tpu.memory_space<vmem>>
    %dma_start3A_23 = tpu.memref_squeeze %dma_start3A_22 : memref<1x80x64xf32, #tpu.memory_space<vmem>> -> memref<80x64xf32, #tpu.memory_space<vmem>>
    %dma_start3A_24 = arith.constant 0 : i32
    %dma_start3A_25 = tpu.memref_slice %arg6[%dma_start3A, %dma_start3A_24] : memref<2x80xi32, #tpu.memory_space<vmem>> -> memref<1x80xi32, #tpu.memory_space<vmem>>
    %dma_start3A_26 = tpu.memref_squeeze %dma_start3A_25 : memref<1x80xi32, #tpu.memory_space<vmem>> -> memref<80xi32, #tpu.memory_space<vmem>>
    %dma_start3A_27 = arith.constant 0 : i32
    %dma_start3A_28 = arith.constant 0 : i32
    %dma_start3A_29 = tpu.memref_slice %arg2[%dma_start3A_27, %dma_start3A_28] : memref<10240x64xf32, #tpu.memory_space<hbm>> -> memref<10240x64xf32, #tpu.memory_space<hbm>>
    tpu.enqueue_indirect_dma source(%dma_start3A_29 : memref<10240x64xf32, #tpu.memory_space<hbm>>) target(%dma_start3A_23 : memref<80x64xf32, #tpu.memory_space<vmem>>) offsets(%dma_start3A_26 : memref<80xi32, #tpu.memory_space<vmem>>) semaphore(%arg10 : memref<!tpu.dma_semaphore, #tpu.memory_space<semaphore_mem>>)
    %scan3A_30 = arith.constant 0 : i32
    %scan3A_31 = arith.constant 0 : i32
    %scan3A_32 = arith.constant 62 : i32
    %scan3A_33 = arith.addi %scan3A_31, %scan3A_32 : i32
    %scan3A_34 = arith.constant 1 : i32
    %scan3A_35 = scf.for %scan3A_53 = %scan3A_31 to %scan3A_33 step %scan3A_34 iter_args(%scan3A_54 = %scan3A_30) -> (i32)  : i32 {
      %mul3A_55 = arith.constant 2 : i32
      %mul3A_56 = arith.muli %mul3A_55, %scan3A_53 : i32
      %add3A_57 = arith.constant 1 : i32
      %add3A_58 = arith.addi %mul3A_56, %add3A_57 : i32
      %mul3A_59 = arith.constant 80 : i32
      %mul3A_60 = arith.muli %add3A_58, %mul3A_59 : i32
      %add3A_61 = arith.addi %mul3A_2, %mul3A_60 : i32
      %run_scoped3A_62 = arith.constant 1 : i32
      "tpu.region"() ({
        %run_scoped3A_126 = tpu.sem_alloc : memref<!tpu.dma_semaphore, #tpu.memory_space<semaphore_mem>>
        %dma_start3A_127 = arith.constant 0 : i32
        %dma_start3A_128 = tpu.memref_slice %arg6[%run_scoped3A_62, %dma_start3A_127] : memref<2x80xi32, #tpu.memory_space<vmem>> -> memref<1x80xi32, #tpu.memory_space<vmem>>
        %dma_start3A_129 = tpu.memref_squeeze %dma_start3A_128 : memref<1x80xi32, #tpu.memory_space<vmem>> -> memref<80xi32, #tpu.memory_space<vmem>>
        %dma_start3A_130 = tpu.memref_slice %arg3[%add3A_61] : memref<320000xi32, #tpu.memory_space<hbm>> -> memref<80xi32, #tpu.memory_space<hbm>>
        %dma_start3A_131 = arith.constant 0 : i32
        %dma_start3A_132 = tpu.memref_slice %arg6[%run_scoped3A_62, %dma_start3A_131] : memref<2x80xi32, #tpu.memory_space<vmem>> -> memref<1x80xi32, #tpu.memory_space<vmem>>
        %dma_start3A_133 = tpu.memref_squeeze %dma_start3A_132 : memref<1x80xi32, #tpu.memory_space<vmem>> -> memref<80xi32, #tpu.memory_space<vmem>>
        %dma_start3A_134 = tpu.memref_slice %arg3[%add3A_61] : memref<320000xi32, #tpu.memory_space<hbm>> -> memref<80xi32, #tpu.memory_space<hbm>>
        tpu.enqueue_dma source(%dma_start3A_134 : memref<80xi32, #tpu.memory_space<hbm>>) target(%dma_start3A_133 : memref<80xi32, #tpu.memory_space<vmem>>) target_semaphore(%run_scoped3A_126 : memref<!tpu.dma_semaphore, #tpu.memory_space<semaphore_mem>>)
        %dma_wait3A_135 = arith.constant 0 : i32
        %dma_wait3A_136 = tpu.memref_slice %arg6[%run_scoped3A_62, %dma_wait3A_135] : memref<2x80xi32, #tpu.memory_space<vmem>> -> memref<1x80xi32, #tpu.memory_space<vmem>>
        %dma_wait3A_137 = tpu.memref_squeeze %dma_wait3A_136 : memref<1x80xi32, #tpu.memory_space<vmem>> -> memref<80xi32, #tpu.memory_space<vmem>>
        %dma_wait3A_138 = tpu.memref_slice %arg3[%add3A_61] : memref<320000xi32, #tpu.memory_space<hbm>> -> memref<80xi32, #tpu.memory_space<hbm>>
        %dma_wait3A_139 = arith.constant 0 : i32
        %dma_wait3A_140 = tpu.memref_slice %arg6[%run_scoped3A_62, %dma_wait3A_139] : memref<2x80xi32, #tpu.memory_space<vmem>> -> memref<1x80xi32, #tpu.memory_space<vmem>>
        %dma_wait3A_141 = tpu.memref_squeeze %dma_wait3A_140 : memref<1x80xi32, #tpu.memory_space<vmem>> -> memref<80xi32, #tpu.memory_space<vmem>>
        %dma_wait3A_142 = tpu.memref_slice %arg3[%add3A_61] : memref<320000xi32, #tpu.memory_space<hbm>> -> memref<80xi32, #tpu.memory_space<hbm>>
        tpu.wait_dma2 semaphore(%run_scoped3A_126 : memref<!tpu.dma_semaphore, #tpu.memory_space<semaphore_mem>>) src(%dma_wait3A_142 : memref<80xi32, #tpu.memory_space<hbm>>) dst(%dma_wait3A_141 : memref<80xi32, #tpu.memory_space<vmem>>)
        tpu.yield
      }) : () -> ()
      %run_scoped3A_63 = arith.constant 1 : i32
      "tpu.region"() ({
        %run_scoped3A_126 = tpu.sem_alloc : memref<!tpu.dma_semaphore, #tpu.memory_space<semaphore_mem>>
        %dma_start3A_127 = arith.constant 0 : i32
        %dma_start3A_128 = tpu.memref_slice %arg7[%run_scoped3A_63, %dma_start3A_127] : memref<2x80xi32, #tpu.memory_space<vmem>> -> memref<1x80xi32, #tpu.memory_space<vmem>>
        %dma_start3A_129 = tpu.memref_squeeze %dma_start3A_128 : memref<1x80xi32, #tpu.memory_space<vmem>> -> memref<80xi32, #tpu.memory_space<vmem>>
        %dma_start3A_130 = tpu.memref_slice %arg4[%add3A_61] : memref<320000xi32, #tpu.memory_space<hbm>> -> memref<80xi32, #tpu.memory_space<hbm>>
        %dma_start3A_131 = arith.constant 0 : i32
        %dma_start3A_132 = tpu.memref_slice %arg7[%run_scoped3A_63, %dma_start3A_131] : memref<2x80xi32, #tpu.memory_space<vmem>> -> memref<1x80xi32, #tpu.memory_space<vmem>>
        %dma_start3A_133 = tpu.memref_squeeze %dma_start3A_132 : memref<1x80xi32, #tpu.memory_space<vmem>> -> memref<80xi32, #tpu.memory_space<vmem>>
        %dma_start3A_134 = tpu.memref_slice %arg4[%add3A_61] : memref<320000xi32, #tpu.memory_space<hbm>> -> memref<80xi32, #tpu.memory_space<hbm>>
        tpu.enqueue_dma source(%dma_start3A_134 : memref<80xi32, #tpu.memory_space<hbm>>) target(%dma_start3A_133 : memref<80xi32, #tpu.memory_space<vmem>>) target_semaphore(%run_scoped3A_126 : memref<!tpu.dma_semaphore, #tpu.memory_space<semaphore_mem>>)
        %dma_wait3A_135 = arith.constant 0 : i32
        %dma_wait3A_136 = tpu.memref_slice %arg7[%run_scoped3A_63, %dma_wait3A_135] : memref<2x80xi32, #tpu.memory_space<vmem>> -> memref<1x80xi32, #tpu.memory_space<vmem>>
        %dma_wait3A_137 = tpu.memref_squeeze %dma_wait3A_136 : memref<1x80xi32, #tpu.memory_space<vmem>> -> memref<80xi32, #tpu.memory_space<vmem>>
        %dma_wait3A_138 = tpu.memref_slice %arg4[%add3A_61] : memref<320000xi32, #tpu.memory_space<hbm>> -> memref<80xi32, #tpu.memory_space<hbm>>
        %dma_wait3A_139 = arith.constant 0 : i32
        %dma_wait3A_140 = tpu.memref_slice %arg7[%run_scoped3A_63, %dma_wait3A_139] : memref<2x80xi32, #tpu.memory_space<vmem>> -> memref<1x80xi32, #tpu.memory_space<vmem>>
        %dma_wait3A_141 = tpu.memref_squeeze %dma_wait3A_140 : memref<1x80xi32, #tpu.memory_space<vmem>> -> memref<80xi32, #tpu.memory_space<vmem>>
        %dma_wait3A_142 = tpu.memref_slice %arg4[%add3A_61] : memref<320000xi32, #tpu.memory_space<hbm>> -> memref<80xi32, #tpu.memory_space<hbm>>
        tpu.wait_dma2 semaphore(%run_scoped3A_126 : memref<!tpu.dma_semaphore, #tpu.memory_space<semaphore_mem>>) src(%dma_wait3A_142 : memref<80xi32, #tpu.memory_space<hbm>>) dst(%dma_wait3A_141 : memref<80xi32, #tpu.memory_space<vmem>>)
        tpu.yield
      }) : () -> ()
      %dma_start3A_64 = arith.constant 1 : i32
      %dma_start3A_65 = arith.constant 1 : i32
      %dma_start3A_66 = arith.constant 0 : i32
      %dma_start3A_67 = arith.constant 0 : i32
      %dma_start3A_68 = tpu.memref_slice %arg8[%dma_start3A_65, %dma_start3A_66, %dma_start3A_67] : memref<2x80x64xf32, #tpu.memory_space<vmem>> -> memref<1x80x64xf32, #tpu.memory_space<vmem>>
      %dma_start3A_69 = tpu.memref_squeeze %dma_start3A_68 : memref<1x80x64xf32, #tpu.memory_space<vmem>> -> memref<80x64xf32, #tpu.memory_space<vmem>>
      %dma_start3A_70 = arith.constant 0 : i32
      %dma_start3A_71 = tpu.memref_slice %arg6[%dma_start3A_64, %dma_start3A_70] : memref<2x80xi32, #tpu.memory_space<vmem>> -> memref<1x80xi32, #tpu.memory_space<vmem>>
      %dma_start3A_72 = tpu.memref_squeeze %dma_start3A_71 : memref<1x80xi32, #tpu.memory_space<vmem>> -> memref<80xi32, #tpu.memory_space<vmem>>
      %dma_start3A_73 = arith.constant 0 : i32
      %dma_start3A_74 = arith.constant 0 : i32
      %dma_start3A_75 = tpu.memref_slice %arg2[%dma_start3A_73, %dma_start3A_74] : memref<10240x64xf32, #tpu.memory_space<hbm>> -> memref<10240x64xf32, #tpu.memory_space<hbm>>
      tpu.enqueue_indirect_dma source(%dma_start3A_75 : memref<10240x64xf32, #tpu.memory_space<hbm>>) target(%dma_start3A_69 : memref<80x64xf32, #tpu.memory_space<vmem>>) offsets(%dma_start3A_72 : memref<80xi32, #tpu.memory_space<vmem>>) semaphore(%arg11 : memref<!tpu.dma_semaphore, #tpu.memory_space<semaphore_mem>>)
      %dma_wait3A_76 = arith.constant 0 : i32
      %dma_wait3A_77 = arith.constant 0 : i32
      %dma_wait3A_78 = arith.constant 0 : i32
      %dma_wait3A_79 = arith.constant 0 : i32
      %dma_wait3A_80 = tpu.memref_slice %arg8[%dma_wait3A_77, %dma_wait3A_78, %dma_wait3A_79] : memref<2x80x64xf32, #tpu.memory_space<vmem>> -> memref<1x80x64xf32, #tpu.memory_space<vmem>>
      %dma_wait3A_81 = tpu.memref_squeeze %dma_wait3A_80 : memref<1x80x64xf32, #tpu.memory_space<vmem>> -> memref<80x64xf32, #tpu.memory_space<vmem>>
      %dma_wait3A_82 = arith.constant 0 : i32
      %dma_wait3A_83 = tpu.memref_slice %arg6[%dma_wait3A_76, %dma_wait3A_82] : memref<2x80xi32, #tpu.memory_space<vmem>> -> memref<1x80xi32, #tpu.memory_space<vmem>>
      %dma_wait3A_84 = tpu.memref_squeeze %dma_wait3A_83 : memref<1x80xi32, #tpu.memory_space<vmem>> -> memref<80xi32, #tpu.memory_space<vmem>>
      %dma_wait3A_85 = arith.constant 0 : i32
      %dma_wait3A_86 = arith.constant 0 : i32
      %dma_wait3A_87 = tpu.memref_slice %arg2[%dma_wait3A_85, %dma_wait3A_86] : memref<10240x64xf32, #tpu.memory_space<hbm>> -> memref<10240x64xf32, #tpu.memory_space<hbm>>
      tpu.wait_indirect_dma semaphore(%arg10 : memref<!tpu.dma_semaphore, #tpu.memory_space<semaphore_mem>>) src(%dma_wait3A_87 : memref<10240x64xf32, #tpu.memory_space<hbm>>) dst(%dma_wait3A_81 : memref<80x64xf32, #tpu.memory_space<vmem>>)
      %run_scoped3A_88 = arith.constant 0 : i32
      %run_scoped3A_89 = arith.constant 0 : i32
      "tpu.region"() ({
        %run_scoped3A_126 = tpu.sem_alloc : memref<!tpu.dma_semaphore, #tpu.memory_space<semaphore_mem>>
        %dma_start3A_127 = arith.constant 0 : i32
        %dma_start3A_128 = arith.constant 0 : i32
        %dma_start3A_129 = tpu.memref_slice %arg8[%run_scoped3A_88, %dma_start3A_127, %dma_start3A_128] : memref<2x80x64xf32, #tpu.memory_space<vmem>> -> memref<1x80x64xf32, #tpu.memory_space<vmem>>
        %dma_start3A_130 = tpu.memref_squeeze %dma_start3A_129 : memref<1x80x64xf32, #tpu.memory_space<vmem>> -> memref<80x64xf32, #tpu.memory_space<vmem>>
        %dma_start3A_131 = arith.constant 0 : i32
        %dma_start3A_132 = tpu.memref_slice %arg7[%run_scoped3A_89, %dma_start3A_131] : memref<2x80xi32, #tpu.memory_space<vmem>> -> memref<1x80xi32, #tpu.memory_space<vmem>>
        %dma_start3A_133 = tpu.memref_squeeze %dma_start3A_132 : memref<1x80xi32, #tpu.memory_space<vmem>> -> memref<80xi32, #tpu.memory_space<vmem>>
        %dma_start3A_134 = arith.constant 0 : i32
        %dma_start3A_135 = arith.constant 0 : i32
        %dma_start3A_136 = tpu.memref_slice %arg9[%dma_start3A_134, %dma_start3A_135] : memref<10240x64xf32, #tpu.memory_space<vmem_shared>> -> memref<10240x64xf32, #tpu.memory_space<vmem_shared>>
        tpu.enqueue_indirect_dma source(%dma_start3A_130 : memref<80x64xf32, #tpu.memory_space<vmem>>) target(%dma_start3A_136 : memref<10240x64xf32, #tpu.memory_space<vmem_shared>>) offsets(%dma_start3A_133 : memref<80xi32, #tpu.memory_space<vmem>>) semaphore(%run_scoped3A_126 : memref<!tpu.dma_semaphore, #tpu.memory_space<semaphore_mem>>) {add = true}
        %dma_wait3A_137 = arith.constant 0 : i32
        %dma_wait3A_138 = arith.constant 0 : i32
        %dma_wait3A_139 = tpu.memref_slice %arg8[%run_scoped3A_88, %dma_wait3A_137, %dma_wait3A_138] : memref<2x80x64xf32, #tpu.memory_space<vmem>> -> memref<1x80x64xf32, #tpu.memory_space<vmem>>
        %dma_wait3A_140 = tpu.memref_squeeze %dma_wait3A_139 : memref<1x80x64xf32, #tpu.memory_space<vmem>> -> memref<80x64xf32, #tpu.memory_space<vmem>>
        %dma_wait3A_141 = arith.constant 0 : i32
        %dma_wait3A_142 = tpu.memref_slice %arg7[%run_scoped3A_89, %dma_wait3A_141] : memref<2x80xi32, #tpu.memory_space<vmem>> -> memref<1x80xi32, #tpu.memory_space<vmem>>
        %dma_wait3A_143 = tpu.memref_squeeze %dma_wait3A_142 : memref<1x80xi32, #tpu.memory_space<vmem>> -> memref<80xi32, #tpu.memory_space<vmem>>
        %dma_wait3A_144 = arith.constant 0 : i32
        %dma_wait3A_145 = arith.constant 0 : i32
        %dma_wait3A_146 = tpu.memref_slice %arg9[%dma_wait3A_144, %dma_wait3A_145] : memref<10240x64xf32, #tpu.memory_space<vmem_shared>> -> memref<10240x64xf32, #tpu.memory_space<vmem_shared>>
        tpu.wait_indirect_dma semaphore(%run_scoped3A_126 : memref<!tpu.dma_semaphore, #tpu.memory_space<semaphore_mem>>) src(%dma_wait3A_140 : memref<80x64xf32, #tpu.memory_space<vmem>>) dst(%dma_wait3A_146 : memref<10240x64xf32, #tpu.memory_space<vmem_shared>>)
        tpu.yield
      }) : () -> ()
      %mul3A_90 = arith.constant 2 : i32
      %mul3A_91 = arith.muli %mul3A_90, %scan3A_53 : i32
      %add3A_92 = arith.constant 2 : i32
      %add3A_93 = arith.addi %mul3A_91, %add3A_92 : i32
      %mul3A_94 = arith.constant 80 : i32
      %mul3A_95 = arith.muli %add3A_93, %mul3A_94 : i32
      %add3A_96 = arith.addi %mul3A_2, %mul3A_95 : i32
      %run_scoped3A_97 = arith.constant 0 : i32
      "tpu.region"() ({
        %run_scoped3A_126 = tpu.sem_alloc : memref<!tpu.dma_semaphore, #tpu.memory_space<semaphore_mem>>
        %dma_start3A_127 = arith.constant 0 : i32
        %dma_start3A_128 = tpu.memref_slice %arg6[%run_scoped3A_97, %dma_start3A_127] : memref<2x80xi32, #tpu.memory_space<vmem>> -> memref<1x80xi32, #tpu.memory_space<vmem>>
        %dma_start3A_129 = tpu.memref_squeeze %dma_start3A_128 : memref<1x80xi32, #tpu.memory_space<vmem>> -> memref<80xi32, #tpu.memory_space<vmem>>
        %dma_start3A_130 = tpu.memref_slice %arg3[%add3A_96] : memref<320000xi32, #tpu.memory_space<hbm>> -> memref<80xi32, #tpu.memory_space<hbm>>
        %dma_start3A_131 = arith.constant 0 : i32
        %dma_start3A_132 = tpu.memref_slice %arg6[%run_scoped3A_97, %dma_start3A_131] : memref<2x80xi32, #tpu.memory_space<vmem>> -> memref<1x80xi32, #tpu.memory_space<vmem>>
        %dma_start3A_133 = tpu.memref_squeeze %dma_start3A_132 : memref<1x80xi32, #tpu.memory_space<vmem>> -> memref<80xi32, #tpu.memory_space<vmem>>
        %dma_start3A_134 = tpu.memref_slice %arg3[%add3A_96] : memref<320000xi32, #tpu.memory_space<hbm>> -> memref<80xi32, #tpu.memory_space<hbm>>
        tpu.enqueue_dma source(%dma_start3A_134 : memref<80xi32, #tpu.memory_space<hbm>>) target(%dma_start3A_133 : memref<80xi32, #tpu.memory_space<vmem>>) target_semaphore(%run_scoped3A_126 : memref<!tpu.dma_semaphore, #tpu.memory_space<semaphore_mem>>)
        %dma_wait3A_135 = arith.constant 0 : i32
        %dma_wait3A_136 = tpu.memref_slice %arg6[%run_scoped3A_97, %dma_wait3A_135] : memref<2x80xi32, #tpu.memory_space<vmem>> -> memref<1x80xi32, #tpu.memory_space<vmem>>
        %dma_wait3A_137 = tpu.memref_squeeze %dma_wait3A_136 : memref<1x80xi32, #tpu.memory_space<vmem>> -> memref<80xi32, #tpu.memory_space<vmem>>
        %dma_wait3A_138 = tpu.memref_slice %arg3[%add3A_96] : memref<320000xi32, #tpu.memory_space<hbm>> -> memref<80xi32, #tpu.memory_space<hbm>>
        %dma_wait3A_139 = arith.constant 0 : i32
        %dma_wait3A_140 = tpu.memref_slice %arg6[%run_scoped3A_97, %dma_wait3A_139] : memref<2x80xi32, #tpu.memory_space<vmem>> -> memref<1x80xi32, #tpu.memory_space<vmem>>
        %dma_wait3A_141 = tpu.memref_squeeze %dma_wait3A_140 : memref<1x80xi32, #tpu.memory_space<vmem>> -> memref<80xi32, #tpu.memory_space<vmem>>
        %dma_wait3A_142 = tpu.memref_slice %arg3[%add3A_96] : memref<320000xi32, #tpu.memory_space<hbm>> -> memref<80xi32, #tpu.memory_space<hbm>>
        tpu.wait_dma2 semaphore(%run_scoped3A_126 : memref<!tpu.dma_semaphore, #tpu.memory_space<semaphore_mem>>) src(%dma_wait3A_142 : memref<80xi32, #tpu.memory_space<hbm>>) dst(%dma_wait3A_141 : memref<80xi32, #tpu.memory_space<vmem>>)
        tpu.yield
      }) : () -> ()
      %run_scoped3A_98 = arith.constant 0 : i32
      "tpu.region"() ({
        %run_scoped3A_126 = tpu.sem_alloc : memref<!tpu.dma_semaphore, #tpu.memory_space<semaphore_mem>>
        %dma_start3A_127 = arith.constant 0 : i32
        %dma_start3A_128 = tpu.memref_slice %arg7[%run_scoped3A_98, %dma_start3A_127] : memref<2x80xi32, #tpu.memory_space<vmem>> -> memref<1x80xi32, #tpu.memory_space<vmem>>
        %dma_start3A_129 = tpu.memref_squeeze %dma_start3A_128 : memref<1x80xi32, #tpu.memory_space<vmem>> -> memref<80xi32, #tpu.memory_space<vmem>>
        %dma_start3A_130 = tpu.memref_slice %arg4[%add3A_96] : memref<320000xi32, #tpu.memory_space<hbm>> -> memref<80xi32, #tpu.memory_space<hbm>>
        %dma_start3A_131 = arith.constant 0 : i32
        %dma_start3A_132 = tpu.memref_slice %arg7[%run_scoped3A_98, %dma_start3A_131] : memref<2x80xi32, #tpu.memory_space<vmem>> -> memref<1x80xi32, #tpu.memory_space<vmem>>
        %dma_start3A_133 = tpu.memref_squeeze %dma_start3A_132 : memref<1x80xi32, #tpu.memory_space<vmem>> -> memref<80xi32, #tpu.memory_space<vmem>>
        %dma_start3A_134 = tpu.memref_slice %arg4[%add3A_96] : memref<320000xi32, #tpu.memory_space<hbm>> -> memref<80xi32, #tpu.memory_space<hbm>>
        tpu.enqueue_dma source(%dma_start3A_134 : memref<80xi32, #tpu.memory_space<hbm>>) target(%dma_start3A_133 : memref<80xi32, #tpu.memory_space<vmem>>) target_semaphore(%run_scoped3A_126 : memref<!tpu.dma_semaphore, #tpu.memory_space<semaphore_mem>>)
        %dma_wait3A_135 = arith.constant 0 : i32
        %dma_wait3A_136 = tpu.memref_slice %arg7[%run_scoped3A_98, %dma_wait3A_135] : memref<2x80xi32, #tpu.memory_space<vmem>> -> memref<1x80xi32, #tpu.memory_space<vmem>>
        %dma_wait3A_137 = tpu.memref_squeeze %dma_wait3A_136 : memref<1x80xi32, #tpu.memory_space<vmem>> -> memref<80xi32, #tpu.memory_space<vmem>>
        %dma_wait3A_138 = tpu.memref_slice %arg4[%add3A_96] : memref<320000xi32, #tpu.memory_space<hbm>> -> memref<80xi32, #tpu.memory_space<hbm>>
        %dma_wait3A_139 = arith.constant 0 : i32
        %dma_wait3A_140 = tpu.memref_slice %arg7[%run_scoped3A_98, %dma_wait3A_139] : memref<2x80xi32, #tpu.memory_space<vmem>> -> memref<1x80xi32, #tpu.memory_space<vmem>>
        %dma_wait3A_141 = tpu.memref_squeeze %dma_wait3A_140 : memref<1x80xi32, #tpu.memory_space<vmem>> -> memref<80xi32, #tpu.memory_space<vmem>>
        %dma_wait3A_142 = tpu.memref_slice %arg4[%add3A_96] : memref<320000xi32, #tpu.memory_space<hbm>> -> memref<80xi32, #tpu.memory_space<hbm>>
        tpu.wait_dma2 semaphore(%run_scoped3A_126 : memref<!tpu.dma_semaphore, #tpu.memory_space<semaphore_mem>>) src(%dma_wait3A_142 : memref<80xi32, #tpu.memory_space<hbm>>) dst(%dma_wait3A_141 : memref<80xi32, #tpu.memory_space<vmem>>)
        tpu.yield
      }) : () -> ()
      %dma_start3A_99 = arith.constant 0 : i32
      %dma_start3A_100 = arith.constant 0 : i32
      %dma_start3A_101 = arith.constant 0 : i32
      %dma_start3A_102 = arith.constant 0 : i32
      %dma_start3A_103 = tpu.memref_slice %arg8[%dma_start3A_100, %dma_start3A_101, %dma_start3A_102] : memref<2x80x64xf32, #tpu.memory_space<vmem>> -> memref<1x80x64xf32, #tpu.memory_space<vmem>>
      %dma_start3A_104 = tpu.memref_squeeze %dma_start3A_103 : memref<1x80x64xf32, #tpu.memory_space<vmem>> -> memref<80x64xf32, #tpu.memory_space<vmem>>
      %dma_start3A_105 = arith.constant 0 : i32
      %dma_start3A_106 = tpu.memref_slice %arg6[%dma_start3A_99, %dma_start3A_105] : memref<2x80xi32, #tpu.memory_space<vmem>> -> memref<1x80xi32, #tpu.memory_space<vmem>>
      %dma_start3A_107 = tpu.memref_squeeze %dma_start3A_106 : memref<1x80xi32, #tpu.memory_space<vmem>> -> memref<80xi32, #tpu.memory_space<vmem>>
      %dma_start3A_108 = arith.constant 0 : i32
      %dma_start3A_109 = arith.constant 0 : i32
      %dma_start3A_110 = tpu.memref_slice %arg2[%dma_start3A_108, %dma_start3A_109] : memref<10240x64xf32, #tpu.memory_space<hbm>> -> memref<10240x64xf32, #tpu.memory_space<hbm>>
      tpu.enqueue_indirect_dma source(%dma_start3A_110 : memref<10240x64xf32, #tpu.memory_space<hbm>>) target(%dma_start3A_104 : memref<80x64xf32, #tpu.memory_space<vmem>>) offsets(%dma_start3A_107 : memref<80xi32, #tpu.memory_space<vmem>>) semaphore(%arg10 : memref<!tpu.dma_semaphore, #tpu.memory_space<semaphore_mem>>)
      %dma_wait3A_111 = arith.constant 1 : i32
      %dma_wait3A_112 = arith.constant 1 : i32
      %dma_wait3A_113 = arith.constant 0 : i32
      %dma_wait3A_114 = arith.constant 0 : i32
      %dma_wait3A_115 = tpu.memref_slice %arg8[%dma_wait3A_112, %dma_wait3A_113, %dma_wait3A_114] : memref<2x80x64xf32, #tpu.memory_space<vmem>> -> memref<1x80x64xf32, #tpu.memory_space<vmem>>
      %dma_wait3A_116 = tpu.memref_squeeze %dma_wait3A_115 : memref<1x80x64xf32, #tpu.memory_space<vmem>> -> memref<80x64xf32, #tpu.memory_space<vmem>>
      %dma_wait3A_117 = arith.constant 0 : i32
      %dma_wait3A_118 = tpu.memref_slice %arg6[%dma_wait3A_111, %dma_wait3A_117] : memref<2x80xi32, #tpu.memory_space<vmem>> -> memref<1x80xi32, #tpu.memory_space<vmem>>
      %dma_wait3A_119 = tpu.memref_squeeze %dma_wait3A_118 : memref<1x80xi32, #tpu.memory_space<vmem>> -> memref<80xi32, #tpu.memory_space<vmem>>
      %dma_wait3A_120 = arith.constant 0 : i32
      %dma_wait3A_121 = arith.constant 0 : i32
      %dma_wait3A_122 = tpu.memref_slice %arg2[%dma_wait3A_120, %dma_wait3A_121] : memref<10240x64xf32, #tpu.memory_space<hbm>> -> memref<10240x64xf32, #tpu.memory_space<hbm>>
      tpu.wait_indirect_dma semaphore(%arg11 : memref<!tpu.dma_semaphore, #tpu.memory_space<semaphore_mem>>) src(%dma_wait3A_122 : memref<10240x64xf32, #tpu.memory_space<hbm>>) dst(%dma_wait3A_116 : memref<80x64xf32, #tpu.memory_space<vmem>>)
      %run_scoped3A_123 = arith.constant 1 : i32
      %run_scoped3A_124 = arith.constant 1 : i32
      "tpu.region"() ({
        %run_scoped3A_126 = tpu.sem_alloc : memref<!tpu.dma_semaphore, #tpu.memory_space<semaphore_mem>>
        %dma_start3A_127 = arith.constant 0 : i32
        %dma_start3A_128 = arith.constant 0 : i32
        %dma_start3A_129 = tpu.memref_slice %arg8[%run_scoped3A_123, %dma_start3A_127, %dma_start3A_128] : memref<2x80x64xf32, #tpu.memory_space<vmem>> -> memref<1x80x64xf32, #tpu.memory_space<vmem>>
        %dma_start3A_130 = tpu.memref_squeeze %dma_start3A_129 : memref<1x80x64xf32, #tpu.memory_space<vmem>> -> memref<80x64xf32, #tpu.memory_space<vmem>>
        %dma_start3A_131 = arith.constant 0 : i32
        %dma_start3A_132 = tpu.memref_slice %arg7[%run_scoped3A_124, %dma_start3A_131] : memref<2x80xi32, #tpu.memory_space<vmem>> -> memref<1x80xi32, #tpu.memory_space<vmem>>
        %dma_start3A_133 = tpu.memref_squeeze %dma_start3A_132 : memref<1x80xi32, #tpu.memory_space<vmem>> -> memref<80xi32, #tpu.memory_space<vmem>>
        %dma_start3A_134 = arith.constant 0 : i32
        %dma_start3A_135 = arith.constant 0 : i32
        %dma_start3A_136 = tpu.memref_slice %arg9[%dma_start3A_134, %dma_start3A_135] : memref<10240x64xf32, #tpu.memory_space<vmem_shared>> -> memref<10240x64xf32, #tpu.memory_space<vmem_shared>>
        tpu.enqueue_indirect_dma source(%dma_start3A_130 : memref<80x64xf32, #tpu.memory_space<vmem>>) target(%dma_start3A_136 : memref<10240x64xf32, #tpu.memory_space<vmem_shared>>) offsets(%dma_start3A_133 : memref<80xi32, #tpu.memory_space<vmem>>) semaphore(%run_scoped3A_126 : memref<!tpu.dma_semaphore, #tpu.memory_space<semaphore_mem>>) {add = true}
        %dma_wait3A_137 = arith.constant 0 : i32
        %dma_wait3A_138 = arith.constant 0 : i32
        %dma_wait3A_139 = tpu.memref_slice %arg8[%run_scoped3A_123, %dma_wait3A_137, %dma_wait3A_138] : memref<2x80x64xf32, #tpu.memory_space<vmem>> -> memref<1x80x64xf32, #tpu.memory_space<vmem>>
        %dma_wait3A_140 = tpu.memref_squeeze %dma_wait3A_139 : memref<1x80x64xf32, #tpu.memory_space<vmem>> -> memref<80x64xf32, #tpu.memory_space<vmem>>
        %dma_wait3A_141 = arith.constant 0 : i32
        %dma_wait3A_142 = tpu.memref_slice %arg7[%run_scoped3A_124, %dma_wait3A_141] : memref<2x80xi32, #tpu.memory_space<vmem>> -> memref<1x80xi32, #tpu.memory_space<vmem>>
        %dma_wait3A_143 = tpu.memref_squeeze %dma_wait3A_142 : memref<1x80xi32, #tpu.memory_space<vmem>> -> memref<80xi32, #tpu.memory_space<vmem>>
        %dma_wait3A_144 = arith.constant 0 : i32
        %dma_wait3A_145 = arith.constant 0 : i32
        %dma_wait3A_146 = tpu.memref_slice %arg9[%dma_wait3A_144, %dma_wait3A_145] : memref<10240x64xf32, #tpu.memory_space<vmem_shared>> -> memref<10240x64xf32, #tpu.memory_space<vmem_shared>>
        tpu.wait_indirect_dma semaphore(%run_scoped3A_126 : memref<!tpu.dma_semaphore, #tpu.memory_space<semaphore_mem>>) src(%dma_wait3A_140 : memref<80x64xf32, #tpu.memory_space<vmem>>) dst(%dma_wait3A_146 : memref<10240x64xf32, #tpu.memory_space<vmem_shared>>)
        tpu.yield
      }) : () -> ()
      %scan3A_125 = arith.constant 0 : i32
      scf.yield %scan3A_125 : i32
    }
    %scan3A_36 = arith.constant 62 : i32
    %dma_wait3A = arith.constant 0 : i32
    %dma_wait3A_37 = arith.constant 0 : i32
    %dma_wait3A_38 = arith.constant 0 : i32
    %dma_wait3A_39 = arith.constant 0 : i32
    %dma_wait3A_40 = tpu.memref_slice %arg8[%dma_wait3A_37, %dma_wait3A_38, %dma_wait3A_39] : memref<2x80x64xf32, #tpu.memory_space<vmem>> -> memref<1x80x64xf32, #tpu.memory_space<vmem>>
    %dma_wait3A_41 = tpu.memref_squeeze %dma_wait3A_40 : memref<1x80x64xf32, #tpu.memory_space<vmem>> -> memref<80x64xf32, #tpu.memory_space<vmem>>
    %dma_wait3A_42 = arith.constant 0 : i32
    %dma_wait3A_43 = tpu.memref_slice %arg6[%dma_wait3A, %dma_wait3A_42] : memref<2x80xi32, #tpu.memory_space<vmem>> -> memref<1x80xi32, #tpu.memory_space<vmem>>
    %dma_wait3A_44 = tpu.memref_squeeze %dma_wait3A_43 : memref<1x80xi32, #tpu.memory_space<vmem>> -> memref<80xi32, #tpu.memory_space<vmem>>
    %dma_wait3A_45 = arith.constant 0 : i32
    %dma_wait3A_46 = arith.constant 0 : i32
    %dma_wait3A_47 = tpu.memref_slice %arg2[%dma_wait3A_45, %dma_wait3A_46] : memref<10240x64xf32, #tpu.memory_space<hbm>> -> memref<10240x64xf32, #tpu.memory_space<hbm>>
    tpu.wait_indirect_dma semaphore(%arg10 : memref<!tpu.dma_semaphore, #tpu.memory_space<semaphore_mem>>) src(%dma_wait3A_47 : memref<10240x64xf32, #tpu.memory_space<hbm>>) dst(%dma_wait3A_41 : memref<80x64xf32, #tpu.memory_space<vmem>>)
    %run_scoped3A_48 = arith.constant 0 : i32
    %run_scoped3A_49 = arith.constant 0 : i32
    "tpu.region"() ({
      %run_scoped3A_53 = tpu.sem_alloc : memref<!tpu.dma_semaphore, #tpu.memory_space<semaphore_mem>>
      %dma_start3A_54 = arith.constant 0 : i32
      %dma_start3A_55 = arith.constant 0 : i32
      %dma_start3A_56 = tpu.memref_slice %arg8[%run_scoped3A_48, %dma_start3A_54, %dma_start3A_55] : memref<2x80x64xf32, #tpu.memory_space<vmem>> -> memref<1x80x64xf32, #tpu.memory_space<vmem>>
      %dma_start3A_57 = tpu.memref_squeeze %dma_start3A_56 : memref<1x80x64xf32, #tpu.memory_space<vmem>> -> memref<80x64xf32, #tpu.memory_space<vmem>>
      %dma_start3A_58 = arith.constant 0 : i32
      %dma_start3A_59 = tpu.memref_slice %arg7[%run_scoped3A_49, %dma_start3A_58] : memref<2x80xi32, #tpu.memory_space<vmem>> -> memref<1x80xi32, #tpu.memory_space<vmem>>
      %dma_start3A_60 = tpu.memref_squeeze %dma_start3A_59 : memref<1x80xi32, #tpu.memory_space<vmem>> -> memref<80xi32, #tpu.memory_space<vmem>>
      %dma_start3A_61 = arith.constant 0 : i32
      %dma_start3A_62 = arith.constant 0 : i32
      %dma_start3A_63 = tpu.memref_slice %arg9[%dma_start3A_61, %dma_start3A_62] : memref<10240x64xf32, #tpu.memory_space<vmem_shared>> -> memref<10240x64xf32, #tpu.memory_space<vmem_shared>>
      tpu.enqueue_indirect_dma source(%dma_start3A_57 : memref<80x64xf32, #tpu.memory_space<vmem>>) target(%dma_start3A_63 : memref<10240x64xf32, #tpu.memory_space<vmem_shared>>) offsets(%dma_start3A_60 : memref<80xi32, #tpu.memory_space<vmem>>) semaphore(%run_scoped3A_53 : memref<!tpu.dma_semaphore, #tpu.memory_space<semaphore_mem>>) {add = true}
      %dma_wait3A_64 = arith.constant 0 : i32
      %dma_wait3A_65 = arith.constant 0 : i32
      %dma_wait3A_66 = tpu.memref_slice %arg8[%run_scoped3A_48, %dma_wait3A_64, %dma_wait3A_65] : memref<2x80x64xf32, #tpu.memory_space<vmem>> -> memref<1x80x64xf32, #tpu.memory_space<vmem>>
      %dma_wait3A_67 = tpu.memref_squeeze %dma_wait3A_66 : memref<1x80x64xf32, #tpu.memory_space<vmem>> -> memref<80x64xf32, #tpu.memory_space<vmem>>
      %dma_wait3A_68 = arith.constant 0 : i32
      %dma_wait3A_69 = tpu.memref_slice %arg7[%run_scoped3A_49, %dma_wait3A_68] : memref<2x80xi32, #tpu.memory_space<vmem>> -> memref<1x80xi32, #tpu.memory_space<vmem>>
      %dma_wait3A_70 = tpu.memref_squeeze %dma_wait3A_69 : memref<1x80xi32, #tpu.memory_space<vmem>> -> memref<80xi32, #tpu.memory_space<vmem>>
      %dma_wait3A_71 = arith.constant 0 : i32
      %dma_wait3A_72 = arith.constant 0 : i32
      %dma_wait3A_73 = tpu.memref_slice %arg9[%dma_wait3A_71, %dma_wait3A_72] : memref<10240x64xf32, #tpu.memory_space<vmem_shared>> -> memref<10240x64xf32, #tpu.memory_space<vmem_shared>>
      tpu.wait_indirect_dma semaphore(%run_scoped3A_53 : memref<!tpu.dma_semaphore, #tpu.memory_space<semaphore_mem>>) src(%dma_wait3A_67 : memref<80x64xf32, #tpu.memory_space<vmem>>) dst(%dma_wait3A_73 : memref<10240x64xf32, #tpu.memory_space<vmem_shared>>)
      tpu.yield
    }) : () -> ()
    %barrier3A_50 = arith.constant 0 : index
    tpu.barrier barrier_id(%barrier3A_50)
    %mul3A_51 = arith.constant 640 : i32
    %mul3A_52 = arith.muli %arg1, %mul3A_51 : i32
    "tpu.region"() ({
      %run_scoped3A_53 = tpu.sem_alloc : memref<!tpu.dma_semaphore, #tpu.memory_space<semaphore_mem>>
      %dma_start3A_54 = arith.constant 0 : i32
      %dma_start3A_55 = tpu.memref_slice %arg5[%arg0, %mul3A_52, %dma_start3A_54] : memref<2x10240x64xf32, #tpu.memory_space<hbm>> -> memref<1x640x64xf32, #tpu.memory_space<hbm>>
      %dma_start3A_56 = tpu.memref_squeeze %dma_start3A_55 : memref<1x640x64xf32, #tpu.memory_space<hbm>> -> memref<640x64xf32, #tpu.memory_space<hbm>>
      %dma_start3A_57 = arith.constant 0 : i32
      %dma_start3A_58 = tpu.memref_slice %arg9[%mul3A_52, %dma_start3A_57] : memref<10240x64xf32, #tpu.memory_space<vmem_shared>> -> memref<640x64xf32, #tpu.memory_space<vmem_shared>>
      tpu.enqueue_dma source(%dma_start3A_58 : memref<640x64xf32, #tpu.memory_space<vmem_shared>>) target(%dma_start3A_56 : memref<640x64xf32, #tpu.memory_space<hbm>>) target_semaphore(%run_scoped3A_53 : memref<!tpu.dma_semaphore, #tpu.memory_space<semaphore_mem>>)
      %dma_wait3A_59 = arith.constant 0 : i32
      %dma_wait3A_60 = tpu.memref_slice %arg5[%arg0, %mul3A_52, %dma_wait3A_59] : memref<2x10240x64xf32, #tpu.memory_space<hbm>> -> memref<1x640x64xf32, #tpu.memory_space<hbm>>
      %dma_wait3A_61 = tpu.memref_squeeze %dma_wait3A_60 : memref<1x640x64xf32, #tpu.memory_space<hbm>> -> memref<640x64xf32, #tpu.memory_space<hbm>>
      %dma_wait3A_62 = arith.constant 0 : i32
      %dma_wait3A_63 = tpu.memref_slice %arg9[%mul3A_52, %dma_wait3A_62] : memref<10240x64xf32, #tpu.memory_space<vmem_shared>> -> memref<640x64xf32, #tpu.memory_space<vmem_shared>>
      tpu.wait_dma2 semaphore(%run_scoped3A_53 : memref<!tpu.dma_semaphore, #tpu.memory_space<semaphore_mem>>) src(%dma_wait3A_63 : memref<640x64xf32, #tpu.memory_space<vmem_shared>>) dst(%dma_wait3A_61 : memref<640x64xf32, #tpu.memory_space<hbm>>)
      tpu.yield
    }) : () -> ()
    return
  }
}

module attributes {stable_mosaic.version = 14 : i64} {
  func.func @body(%arg0: i32, %arg1: memref<1024x128xf32, #tpu.memory_space<vmem>>, %arg2: memref<128x128xf32, #tpu.memory_space<vmem>>, %arg3: memref<1x1024x16xf32, #tpu.memory_space<vmem>>, %arg4: memref<1x1024x16xf32, #tpu.memory_space<vmem>>, %arg5: memref<1024x128xf32, #tpu.memory_space<vmem>>, %arg6: memref<1024x1xf32, #tpu.memory_space<vmem>>) attributes {dimension_semantics = [#tpu.dimension_semantics<arbitrary>], iteration_bounds = array<i64: 10>, scalar_prefetch = 0 : i64, scratch_operands = 0 : i64, tpu.core_type = #tpu.core_type<tc>, window_params = [{transform_indices = @transform_0, window_bounds = array<i64: 1024, 128>}, {pipeline_mode = #tpu.pipeline_mode<synchronous>, transform_indices = @transform_1, window_bounds = array<i64: 128, 128>}, {transform_indices = @transform_2, window_bounds = array<i64: 1, 1024, 16>}, {transform_indices = @transform_3, window_bounds = array<i64: 1, 1024, 16>}, {transform_indices = @transform_4, window_bounds = array<i64: 1024, 128>}, {transform_indices = @transform_5, window_bounds = array<i64: 1024, 1>}]} {
    %get3A = arith.constant 0 : index
    %get3A_0 = arith.constant 0 : index
    %get3A_1 = arith.constant 0 : index
    %get3A_2 = vector.load %arg3[%get3A, %get3A_0, %get3A_1] : memref<1x1024x16xf32, #tpu.memory_space<vmem>>, vector<1x1024x1xf32>
    %get3A_3 = vector.shape_cast %get3A_2 : vector<1x1024x1xf32> to vector<1024x1xf32>
    %get3A_4 = arith.constant 0 : index
    %get3A_5 = arith.constant 0 : index
    %get3A_6 = arith.constant 0 : index
    %get3A_7 = vector.load %arg4[%get3A_4, %get3A_5, %get3A_6] : memref<1x1024x16xf32, #tpu.memory_space<vmem>>, vector<1x1024x1xf32>
    %get3A_8 = vector.shape_cast %get3A_7 : vector<1x1024x1xf32> to vector<1024x1xf32>
    %add3A = arith.addf %get3A_3, %get3A_8 : vector<1024x1xf32>
    %add3A_9 = arith.constant 1.000000e+00 : f32
    %add3A_10 = vector.broadcast %add3A_9 : f32 to vector<1024x1xf32>
    %add3A_11 = arith.addf %add3A, %add3A_10 : vector<1024x1xf32>
    %rsqrt3A = math.rsqrt %add3A_11 : vector<1024x1xf32>
    %get3A_12 = arith.constant 0 : index
    %get3A_13 = arith.constant 0 : index
    %get3A_14 = vector.load %arg1[%get3A_12, %get3A_13] : memref<1024x128xf32, #tpu.memory_space<vmem>>, vector<1024x128xf32>
    %get3A_15 = arith.constant 0 : index
    %get3A_16 = arith.constant 0 : index
    %get3A_17 = vector.load %arg2[%get3A_15, %get3A_16] : memref<128x128xf32, #tpu.memory_space<vmem>>, vector<128x128xf32>
    %dot_general3A = arith.constant dense<0.000000e+00> : vector<1024x128xf32>
    %dot_general3A_18 = tpu.matmul %get3A_14, %get3A_17, %dot_general3A {dimension_numbers = #tpu.dot_dimension_numbers<[1], [0], [0], [1], [0, 0, 1, 1], [], []>, transpose_lhs_hint = false} : vector<1024x128xf32>, vector<128x128xf32>, vector<1024x128xf32> -> vector<1024x128xf32>
    %mul3A = vector.broadcast %rsqrt3A : vector<1024x1xf32> to vector<1024x128xf32>
    %mul3A_19 = arith.mulf %dot_general3A_18, %mul3A : vector<1024x128xf32>
    %swap3A = arith.constant 0 : index
    %swap3A_20 = arith.constant 0 : index
    %swap3A_21 = vector.load %arg5[%swap3A, %swap3A_20] : memref<1024x128xf32, #tpu.memory_space<vmem>>, vector<1024x128xf32>
    tpu.vector_store %arg5[%swap3A, %swap3A_20], %mul3A_19 {strides = array<i32>} : memref<1024x128xf32, #tpu.memory_space<vmem>>, vector<1024x128xf32>,
    %swap3A_22 = arith.constant 0 : index
    %swap3A_23 = arith.constant 0 : index
    %swap3A_24 = vector.load %arg6[%swap3A_22, %swap3A_23] : memref<1024x1xf32, #tpu.memory_space<vmem>>, vector<1024x1xf32>
    tpu.vector_store %arg6[%swap3A_22, %swap3A_23], %rsqrt3A {strides = array<i32>} : memref<1024x1xf32, #tpu.memory_space<vmem>>, vector<1024x1xf32>,
    return
  }
  func.func @transform_0(%arg0: i32) -> (i32, i32) {
    %c0_i32 = arith.constant 0 : i32
    %c0_i32_0 = arith.constant 0 : i32
    return %arg0, %c0_i32 : i32, i32
  }
  func.func @transform_1(%arg0: i32) -> (i32, i32) {
    %c0_i32 = arith.constant 0 : i32
    %c0_i32_0 = arith.constant 0 : i32
    %c0_i32_1 = arith.constant 0 : i32
    return %c0_i32, %c0_i32_0 : i32, i32
  }
  func.func @transform_2(%arg0: i32) -> (i32, i32, i32) {
    %c0_i32 = arith.constant 0 : i32
    %c0_i32_0 = arith.constant 0 : i32
    %c0_i32_1 = arith.constant 0 : i32
    return %c0_i32, %arg0, %c0_i32_0 : i32, i32, i32
  }
  func.func @transform_3(%arg0: i32) -> (i32, i32, i32) {
    %c1_i32 = arith.constant 1 : i32
    %c0_i32 = arith.constant 0 : i32
    %c0_i32_0 = arith.constant 0 : i32
    return %c1_i32, %arg0, %c0_i32 : i32, i32, i32
  }
  func.func @transform_4(%arg0: i32) -> (i32, i32) {
    %c0_i32 = arith.constant 0 : i32
    %c0_i32_0 = arith.constant 0 : i32
    return %arg0, %c0_i32 : i32, i32
  }
  func.func @transform_5(%arg0: i32) -> (i32, i32) {
    %c0_i32 = arith.constant 0 : i32
    %c0_i32_0 = arith.constant 0 : i32
    return %arg0, %c0_i32 : i32, i32
  }
}

module attributes {stable_mosaic.version = 14 : i64} {
  func.func @body(%arg0: i32, %arg1: memref<2x1024x128xf32, #tpu.memory_space<vmem>>, %arg2: memref<1024x128xf32, #tpu.memory_space<vmem>>, %arg3: memref<1024x1xf32, #tpu.memory_space<vmem>>, %arg4: memref<1x128xf32, #tpu.memory_space<vmem>>, %arg5: memref<1x128xf32, #tpu.memory_space<vmem>>, %arg6: memref<1x128xf32, #tpu.memory_space<vmem>>, %arg7: memref<1x128xf32, #tpu.memory_space<vmem>>, %arg8: memref<1x128xf32, #tpu.memory_space<vmem>>, %arg9: memref<128x128xf32, #tpu.memory_space<vmem>>, %arg10: memref<1024x128xf32, #tpu.memory_space<vmem>>) attributes {dimension_semantics = [#tpu.dimension_semantics<arbitrary>], iteration_bounds = array<i64: 10>, scalar_prefetch = 0 : i64, scratch_operands = 0 : i64, tpu.core_type = #tpu.core_type<tc>, window_params = [{transform_indices = @transform_0, window_bounds = array<i64: 2, 1024, 128>}, {transform_indices = @transform_1, window_bounds = array<i64: 1024, 128>}, {transform_indices = @transform_2, window_bounds = array<i64: 1024, 1>}, {pipeline_mode = #tpu.pipeline_mode<synchronous>, transform_indices = @transform_3, window_bounds = array<i64: 1, 128>}, {pipeline_mode = #tpu.pipeline_mode<synchronous>, transform_indices = @transform_4, window_bounds = array<i64: 1, 128>}, {pipeline_mode = #tpu.pipeline_mode<synchronous>, transform_indices = @transform_5, window_bounds = array<i64: 1, 128>}, {pipeline_mode = #tpu.pipeline_mode<synchronous>, transform_indices = @transform_6, window_bounds = array<i64: 1, 128>}, {pipeline_mode = #tpu.pipeline_mode<synchronous>, transform_indices = @transform_7, window_bounds = array<i64: 1, 128>}, {pipeline_mode = #tpu.pipeline_mode<synchronous>, transform_indices = @transform_8, window_bounds = array<i64: 128, 128>}, {transform_indices = @transform_9, window_bounds = array<i64: 1024, 128>}]} {
    %get3A = arith.constant 0 : index
    %get3A_0 = arith.constant 0 : index
    %get3A_1 = arith.constant 0 : index
    %get3A_2 = vector.load %arg1[%get3A, %get3A_0, %get3A_1] : memref<2x1024x128xf32, #tpu.memory_space<vmem>>, vector<1x1024x128xf32>
    %get3A_3 = vector.shape_cast %get3A_2 : vector<1x1024x128xf32> to vector<1024x128xf32>
    %get3A_4 = arith.constant 1 : index
    %get3A_5 = arith.constant 0 : index
    %get3A_6 = arith.constant 0 : index
    %get3A_7 = vector.load %arg1[%get3A_4, %get3A_5, %get3A_6] : memref<2x1024x128xf32, #tpu.memory_space<vmem>>, vector<1x1024x128xf32>
    %get3A_8 = vector.shape_cast %get3A_7 : vector<1x1024x128xf32> to vector<1024x128xf32>
    %add3A = arith.addf %get3A_3, %get3A_8 : vector<1024x128xf32>
    %get3A_9 = arith.constant 0 : index
    %get3A_10 = arith.constant 0 : index
    %get3A_11 = vector.load %arg2[%get3A_9, %get3A_10] : memref<1024x128xf32, #tpu.memory_space<vmem>>, vector<1024x128xf32>
    %add3A_12 = arith.addf %add3A, %get3A_11 : vector<1024x128xf32>
    %get3A_13 = arith.constant 0 : index
    %get3A_14 = arith.constant 0 : index
    %get3A_15 = vector.load %arg3[%get3A_13, %get3A_14] : memref<1024x1xf32, #tpu.memory_space<vmem>>, vector<1024x1xf32>
    %mul3A = vector.broadcast %get3A_15 : vector<1024x1xf32> to vector<1024x128xf32>
    %mul3A_16 = arith.mulf %add3A_12, %mul3A : vector<1024x128xf32>
    %get3A_17 = arith.constant 0 : index
    %get3A_18 = arith.constant 0 : index
    %get3A_19 = vector.load %arg4[%get3A_17, %get3A_18] : memref<1x128xf32, #tpu.memory_space<vmem>>, vector<1x128xf32>
    %add3A_20 = vector.broadcast %get3A_19 : vector<1x128xf32> to vector<1024x128xf32>
    %add3A_21 = arith.addf %mul3A_16, %add3A_20 : vector<1024x128xf32>
    %get3A_22 = arith.constant 0 : index
    %get3A_23 = arith.constant 0 : index
    %get3A_24 = vector.load %arg5[%get3A_22, %get3A_23] : memref<1x128xf32, #tpu.memory_space<vmem>>, vector<1x128xf32>
    %get3A_25 = arith.constant 0 : index
    %get3A_26 = arith.constant 0 : index
    %get3A_27 = vector.load %arg7[%get3A_25, %get3A_26] : memref<1x128xf32, #tpu.memory_space<vmem>>, vector<1x128xf32>
    %sub3A = vector.broadcast %get3A_27 : vector<1x128xf32> to vector<1024x128xf32>
    %sub3A_28 = arith.subf %add3A_21, %sub3A : vector<1024x128xf32>
    %mul3A_29 = vector.broadcast %get3A_24 : vector<1x128xf32> to vector<1024x128xf32>
    %mul3A_30 = arith.mulf %mul3A_29, %sub3A_28 : vector<1024x128xf32>
    %get3A_31 = arith.constant 0 : index
    %get3A_32 = arith.constant 0 : index
    %get3A_33 = vector.load %arg8[%get3A_31, %get3A_32] : memref<1x128xf32, #tpu.memory_space<vmem>>, vector<1x128xf32>
    %add3A_34 = arith.constant 9.99999974E-6 : f32
    %add3A_35 = vector.broadcast %add3A_34 : f32 to vector<1x128xf32>
    %add3A_36 = arith.addf %get3A_33, %add3A_35 : vector<1x128xf32>
    %rsqrt3A = math.rsqrt %add3A_36 : vector<1x128xf32>
    %mul3A_37 = vector.broadcast %rsqrt3A : vector<1x128xf32> to vector<1024x128xf32>
    %mul3A_38 = arith.mulf %mul3A_30, %mul3A_37 : vector<1024x128xf32>
    %get3A_39 = arith.constant 0 : index
    %get3A_40 = arith.constant 0 : index
    %get3A_41 = vector.load %arg6[%get3A_39, %get3A_40] : memref<1x128xf32, #tpu.memory_space<vmem>>, vector<1x128xf32>
    %add3A_42 = vector.broadcast %get3A_41 : vector<1x128xf32> to vector<1024x128xf32>
    %add3A_43 = arith.addf %mul3A_38, %add3A_42 : vector<1024x128xf32>
    %max3A = arith.constant 0.000000e+00 : f32
    %max3A_44 = vector.broadcast %max3A : f32 to vector<1024x128xf32>
    %max3A_45 = arith.maximumf %add3A_43, %max3A_44 : vector<1024x128xf32>
    %get3A_46 = arith.constant 0 : index
    %get3A_47 = arith.constant 0 : index
    %get3A_48 = vector.load %arg9[%get3A_46, %get3A_47] : memref<128x128xf32, #tpu.memory_space<vmem>>, vector<128x128xf32>
    %dot_general3A = arith.constant dense<0.000000e+00> : vector<1024x128xf32>
    %dot_general3A_49 = tpu.matmul %max3A_45, %get3A_48, %dot_general3A {dimension_numbers = #tpu.dot_dimension_numbers<[1], [0], [0], [1], [0, 0, 1, 1], [], []>, transpose_lhs_hint = false} : vector<1024x128xf32>, vector<128x128xf32>, vector<1024x128xf32> -> vector<1024x128xf32>
    %get3A_50 = arith.constant 0 : index
    %get3A_51 = arith.constant 0 : index
    %get3A_52 = vector.load %arg3[%get3A_50, %get3A_51] : memref<1024x1xf32, #tpu.memory_space<vmem>>, vector<1024x1xf32>
    %mul3A_53 = vector.broadcast %get3A_52 : vector<1024x1xf32> to vector<1024x128xf32>
    %mul3A_54 = arith.mulf %dot_general3A_49, %mul3A_53 : vector<1024x128xf32>
    %swap3A = arith.constant 0 : index
    %swap3A_55 = arith.constant 0 : index
    %swap3A_56 = vector.load %arg10[%swap3A, %swap3A_55] : memref<1024x128xf32, #tpu.memory_space<vmem>>, vector<1024x128xf32>
    tpu.vector_store %arg10[%swap3A, %swap3A_55], %mul3A_54 {strides = array<i32>} : memref<1024x128xf32, #tpu.memory_space<vmem>>, vector<1024x128xf32>,
    return
  }
  func.func @transform_0(%arg0: i32) -> (i32, i32, i32) {
    %c0_i32 = arith.constant 0 : i32
    %c0_i32_0 = arith.constant 0 : i32
    %c0_i32_1 = arith.constant 0 : i32
    return %c0_i32, %arg0, %c0_i32_0 : i32, i32, i32
  }
  func.func @transform_1(%arg0: i32) -> (i32, i32) {
    %c0_i32 = arith.constant 0 : i32
    %c0_i32_0 = arith.constant 0 : i32
    return %arg0, %c0_i32 : i32, i32
  }
  func.func @transform_2(%arg0: i32) -> (i32, i32) {
    %c0_i32 = arith.constant 0 : i32
    %c0_i32_0 = arith.constant 0 : i32
    return %arg0, %c0_i32 : i32, i32
  }
  func.func @transform_3(%arg0: i32) -> (i32, i32) {
    %c0_i32 = arith.constant 0 : i32
    %c0_i32_0 = arith.constant 0 : i32
    %c0_i32_1 = arith.constant 0 : i32
    return %c0_i32, %c0_i32_0 : i32, i32
  }
  func.func @transform_4(%arg0: i32) -> (i32, i32) {
    %c0_i32 = arith.constant 0 : i32
    %c0_i32_0 = arith.constant 0 : i32
    %c0_i32_1 = arith.constant 0 : i32
    return %c0_i32, %c0_i32_0 : i32, i32
  }
  func.func @transform_5(%arg0: i32) -> (i32, i32) {
    %c0_i32 = arith.constant 0 : i32
    %c0_i32_0 = arith.constant 0 : i32
    %c0_i32_1 = arith.constant 0 : i32
    return %c0_i32, %c0_i32_0 : i32, i32
  }
  func.func @transform_6(%arg0: i32) -> (i32, i32) {
    %c0_i32 = arith.constant 0 : i32
    %c0_i32_0 = arith.constant 0 : i32
    %c0_i32_1 = arith.constant 0 : i32
    return %c0_i32, %c0_i32_0 : i32, i32
  }
  func.func @transform_7(%arg0: i32) -> (i32, i32) {
    %c0_i32 = arith.constant 0 : i32
    %c0_i32_0 = arith.constant 0 : i32
    %c0_i32_1 = arith.constant 0 : i32
    return %c0_i32, %c0_i32_0 : i32, i32
  }
  func.func @transform_8(%arg0: i32) -> (i32, i32) {
    %c0_i32 = arith.constant 0 : i32
    %c0_i32_0 = arith.constant 0 : i32
    %c0_i32_1 = arith.constant 0 : i32
    return %c0_i32, %c0_i32_0 : i32, i32
  }
  func.func @transform_9(%arg0: i32) -> (i32, i32) {
    %c0_i32 = arith.constant 0 : i32
    %c0_i32_0 = arith.constant 0 : i32
    return %arg0, %c0_i32 : i32, i32
  }
}

module attributes {stable_mosaic.version = 14 : i64} {
  func.func @body(%arg0: i32, %arg1: memref<2x1024x128xf32, #tpu.memory_space<vmem>>, %arg2: memref<1024x128xf32, #tpu.memory_space<vmem>>, %arg3: memref<1024x1xf32, #tpu.memory_space<vmem>>, %arg4: memref<1x128xf32, #tpu.memory_space<vmem>>, %arg5: memref<1x128xf32, #tpu.memory_space<vmem>>, %arg6: memref<1x128xf32, #tpu.memory_space<vmem>>, %arg7: memref<1x128xf32, #tpu.memory_space<vmem>>, %arg8: memref<1x128xf32, #tpu.memory_space<vmem>>, %arg9: memref<128x64xf32, #tpu.memory_space<vmem>>, %arg10: memref<1024x64xf32, #tpu.memory_space<vmem>>) attributes {dimension_semantics = [#tpu.dimension_semantics<arbitrary>], iteration_bounds = array<i64: 10>, scalar_prefetch = 0 : i64, scratch_operands = 0 : i64, tpu.core_type = #tpu.core_type<tc>, window_params = [{transform_indices = @transform_0, window_bounds = array<i64: 2, 1024, 128>}, {transform_indices = @transform_1, window_bounds = array<i64: 1024, 128>}, {transform_indices = @transform_2, window_bounds = array<i64: 1024, 1>}, {pipeline_mode = #tpu.pipeline_mode<synchronous>, transform_indices = @transform_3, window_bounds = array<i64: 1, 128>}, {pipeline_mode = #tpu.pipeline_mode<synchronous>, transform_indices = @transform_4, window_bounds = array<i64: 1, 128>}, {pipeline_mode = #tpu.pipeline_mode<synchronous>, transform_indices = @transform_5, window_bounds = array<i64: 1, 128>}, {pipeline_mode = #tpu.pipeline_mode<synchronous>, transform_indices = @transform_6, window_bounds = array<i64: 1, 128>}, {pipeline_mode = #tpu.pipeline_mode<synchronous>, transform_indices = @transform_7, window_bounds = array<i64: 1, 128>}, {pipeline_mode = #tpu.pipeline_mode<synchronous>, transform_indices = @transform_8, window_bounds = array<i64: 128, 64>}, {transform_indices = @transform_9, window_bounds = array<i64: 1024, 64>}]} {
    %get3A = arith.constant 0 : index
    %get3A_0 = arith.constant 0 : index
    %get3A_1 = arith.constant 0 : index
    %get3A_2 = vector.load %arg1[%get3A, %get3A_0, %get3A_1] : memref<2x1024x128xf32, #tpu.memory_space<vmem>>, vector<1x1024x128xf32>
    %get3A_3 = vector.shape_cast %get3A_2 : vector<1x1024x128xf32> to vector<1024x128xf32>
    %get3A_4 = arith.constant 1 : index
    %get3A_5 = arith.constant 0 : index
    %get3A_6 = arith.constant 0 : index
    %get3A_7 = vector.load %arg1[%get3A_4, %get3A_5, %get3A_6] : memref<2x1024x128xf32, #tpu.memory_space<vmem>>, vector<1x1024x128xf32>
    %get3A_8 = vector.shape_cast %get3A_7 : vector<1x1024x128xf32> to vector<1024x128xf32>
    %add3A = arith.addf %get3A_3, %get3A_8 : vector<1024x128xf32>
    %get3A_9 = arith.constant 0 : index
    %get3A_10 = arith.constant 0 : index
    %get3A_11 = vector.load %arg2[%get3A_9, %get3A_10] : memref<1024x128xf32, #tpu.memory_space<vmem>>, vector<1024x128xf32>
    %add3A_12 = arith.addf %add3A, %get3A_11 : vector<1024x128xf32>
    %get3A_13 = arith.constant 0 : index
    %get3A_14 = arith.constant 0 : index
    %get3A_15 = vector.load %arg3[%get3A_13, %get3A_14] : memref<1024x1xf32, #tpu.memory_space<vmem>>, vector<1024x1xf32>
    %mul3A = vector.broadcast %get3A_15 : vector<1024x1xf32> to vector<1024x128xf32>
    %mul3A_16 = arith.mulf %add3A_12, %mul3A : vector<1024x128xf32>
    %get3A_17 = arith.constant 0 : index
    %get3A_18 = arith.constant 0 : index
    %get3A_19 = vector.load %arg4[%get3A_17, %get3A_18] : memref<1x128xf32, #tpu.memory_space<vmem>>, vector<1x128xf32>
    %add3A_20 = vector.broadcast %get3A_19 : vector<1x128xf32> to vector<1024x128xf32>
    %add3A_21 = arith.addf %mul3A_16, %add3A_20 : vector<1024x128xf32>
    %get3A_22 = arith.constant 0 : index
    %get3A_23 = arith.constant 0 : index
    %get3A_24 = vector.load %arg5[%get3A_22, %get3A_23] : memref<1x128xf32, #tpu.memory_space<vmem>>, vector<1x128xf32>
    %get3A_25 = arith.constant 0 : index
    %get3A_26 = arith.constant 0 : index
    %get3A_27 = vector.load %arg7[%get3A_25, %get3A_26] : memref<1x128xf32, #tpu.memory_space<vmem>>, vector<1x128xf32>
    %sub3A = vector.broadcast %get3A_27 : vector<1x128xf32> to vector<1024x128xf32>
    %sub3A_28 = arith.subf %add3A_21, %sub3A : vector<1024x128xf32>
    %mul3A_29 = vector.broadcast %get3A_24 : vector<1x128xf32> to vector<1024x128xf32>
    %mul3A_30 = arith.mulf %mul3A_29, %sub3A_28 : vector<1024x128xf32>
    %get3A_31 = arith.constant 0 : index
    %get3A_32 = arith.constant 0 : index
    %get3A_33 = vector.load %arg8[%get3A_31, %get3A_32] : memref<1x128xf32, #tpu.memory_space<vmem>>, vector<1x128xf32>
    %add3A_34 = arith.constant 9.99999974E-6 : f32
    %add3A_35 = vector.broadcast %add3A_34 : f32 to vector<1x128xf32>
    %add3A_36 = arith.addf %get3A_33, %add3A_35 : vector<1x128xf32>
    %rsqrt3A = math.rsqrt %add3A_36 : vector<1x128xf32>
    %mul3A_37 = vector.broadcast %rsqrt3A : vector<1x128xf32> to vector<1024x128xf32>
    %mul3A_38 = arith.mulf %mul3A_30, %mul3A_37 : vector<1024x128xf32>
    %get3A_39 = arith.constant 0 : index
    %get3A_40 = arith.constant 0 : index
    %get3A_41 = vector.load %arg6[%get3A_39, %get3A_40] : memref<1x128xf32, #tpu.memory_space<vmem>>, vector<1x128xf32>
    %add3A_42 = vector.broadcast %get3A_41 : vector<1x128xf32> to vector<1024x128xf32>
    %add3A_43 = arith.addf %mul3A_38, %add3A_42 : vector<1024x128xf32>
    %max3A = arith.constant 0.000000e+00 : f32
    %max3A_44 = vector.broadcast %max3A : f32 to vector<1024x128xf32>
    %max3A_45 = arith.maximumf %add3A_43, %max3A_44 : vector<1024x128xf32>
    %get3A_46 = arith.constant 0 : index
    %get3A_47 = arith.constant 0 : index
    %get3A_48 = vector.load %arg9[%get3A_46, %get3A_47] : memref<128x64xf32, #tpu.memory_space<vmem>>, vector<128x64xf32>
    %dot_general3A = arith.constant dense<0.000000e+00> : vector<1024x64xf32>
    %dot_general3A_49 = tpu.matmul %max3A_45, %get3A_48, %dot_general3A {dimension_numbers = #tpu.dot_dimension_numbers<[1], [0], [0], [1], [0, 0, 1, 1], [], []>, transpose_lhs_hint = false} : vector<1024x128xf32>, vector<128x64xf32>, vector<1024x64xf32> -> vector<1024x64xf32>
    %get3A_50 = arith.constant 0 : index
    %get3A_51 = arith.constant 0 : index
    %get3A_52 = vector.load %arg3[%get3A_50, %get3A_51] : memref<1024x1xf32, #tpu.memory_space<vmem>>, vector<1024x1xf32>
    %mul3A_53 = vector.broadcast %get3A_52 : vector<1024x1xf32> to vector<1024x64xf32>
    %mul3A_54 = arith.mulf %dot_general3A_49, %mul3A_53 : vector<1024x64xf32>
    %swap3A = arith.constant 0 : index
    %swap3A_55 = arith.constant 0 : index
    %swap3A_56 = vector.load %arg10[%swap3A, %swap3A_55] : memref<1024x64xf32, #tpu.memory_space<vmem>>, vector<1024x64xf32>
    tpu.vector_store %arg10[%swap3A, %swap3A_55], %mul3A_54 {strides = array<i32>} : memref<1024x64xf32, #tpu.memory_space<vmem>>, vector<1024x64xf32>,
    return
  }
  func.func @transform_0(%arg0: i32) -> (i32, i32, i32) {
    %c0_i32 = arith.constant 0 : i32
    %c0_i32_0 = arith.constant 0 : i32
    %c0_i32_1 = arith.constant 0 : i32
    return %c0_i32, %arg0, %c0_i32_0 : i32, i32, i32
  }
  func.func @transform_1(%arg0: i32) -> (i32, i32) {
    %c0_i32 = arith.constant 0 : i32
    %c0_i32_0 = arith.constant 0 : i32
    return %arg0, %c0_i32 : i32, i32
  }
  func.func @transform_2(%arg0: i32) -> (i32, i32) {
    %c0_i32 = arith.constant 0 : i32
    %c0_i32_0 = arith.constant 0 : i32
    return %arg0, %c0_i32 : i32, i32
  }
  func.func @transform_3(%arg0: i32) -> (i32, i32) {
    %c0_i32 = arith.constant 0 : i32
    %c0_i32_0 = arith.constant 0 : i32
    %c0_i32_1 = arith.constant 0 : i32
    return %c0_i32, %c0_i32_0 : i32, i32
  }
  func.func @transform_4(%arg0: i32) -> (i32, i32) {
    %c0_i32 = arith.constant 0 : i32
    %c0_i32_0 = arith.constant 0 : i32
    %c0_i32_1 = arith.constant 0 : i32
    return %c0_i32, %c0_i32_0 : i32, i32
  }
  func.func @transform_5(%arg0: i32) -> (i32, i32) {
    %c0_i32 = arith.constant 0 : i32
    %c0_i32_0 = arith.constant 0 : i32
    %c0_i32_1 = arith.constant 0 : i32
    return %c0_i32, %c0_i32_0 : i32, i32
  }
  func.func @transform_6(%arg0: i32) -> (i32, i32) {
    %c0_i32 = arith.constant 0 : i32
    %c0_i32_0 = arith.constant 0 : i32
    %c0_i32_1 = arith.constant 0 : i32
    return %c0_i32, %c0_i32_0 : i32, i32
  }
  func.func @transform_7(%arg0: i32) -> (i32, i32) {
    %c0_i32 = arith.constant 0 : i32
    %c0_i32_0 = arith.constant 0 : i32
    %c0_i32_1 = arith.constant 0 : i32
    return %c0_i32, %c0_i32_0 : i32, i32
  }
  func.func @transform_8(%arg0: i32) -> (i32, i32) {
    %c0_i32 = arith.constant 0 : i32
    %c0_i32_0 = arith.constant 0 : i32
    %c0_i32_1 = arith.constant 0 : i32
    return %c0_i32, %c0_i32_0 : i32, i32
  }
  func.func @transform_9(%arg0: i32) -> (i32, i32) {
    %c0_i32 = arith.constant 0 : i32
    %c0_i32_0 = arith.constant 0 : i32
    return %arg0, %c0_i32 : i32, i32
  }
}

module attributes {stable_mosaic.version = 14 : i64} {
  func.func @body(%arg0: i32, %arg1: memref<2x1024x64xf32, #tpu.memory_space<vmem>>, %arg2: memref<1024x64xf32, #tpu.memory_space<vmem>>, %arg3: memref<1024x1xf32, #tpu.memory_space<vmem>>, %arg4: memref<1x64xf32, #tpu.memory_space<vmem>>, %arg5: memref<1024x64xf32, #tpu.memory_space<vmem>>) attributes {dimension_semantics = [#tpu.dimension_semantics<arbitrary>], iteration_bounds = array<i64: 10>, scalar_prefetch = 0 : i64, scratch_operands = 0 : i64, tpu.core_type = #tpu.core_type<tc>, window_params = [{transform_indices = @transform_0, window_bounds = array<i64: 2, 1024, 64>}, {transform_indices = @transform_1, window_bounds = array<i64: 1024, 64>}, {transform_indices = @transform_2, window_bounds = array<i64: 1024, 1>}, {pipeline_mode = #tpu.pipeline_mode<synchronous>, transform_indices = @transform_3, window_bounds = array<i64: 1, 64>}, {transform_indices = @transform_4, window_bounds = array<i64: 1024, 64>}]} {
    %get3A = arith.constant 0 : index
    %get3A_0 = arith.constant 0 : index
    %get3A_1 = arith.constant 0 : index
    %get3A_2 = vector.load %arg1[%get3A, %get3A_0, %get3A_1] : memref<2x1024x64xf32, #tpu.memory_space<vmem>>, vector<1x1024x64xf32>
    %get3A_3 = vector.shape_cast %get3A_2 : vector<1x1024x64xf32> to vector<1024x64xf32>
    %get3A_4 = arith.constant 1 : index
    %get3A_5 = arith.constant 0 : index
    %get3A_6 = arith.constant 0 : index
    %get3A_7 = vector.load %arg1[%get3A_4, %get3A_5, %get3A_6] : memref<2x1024x64xf32, #tpu.memory_space<vmem>>, vector<1x1024x64xf32>
    %get3A_8 = vector.shape_cast %get3A_7 : vector<1x1024x64xf32> to vector<1024x64xf32>
    %add3A = arith.addf %get3A_3, %get3A_8 : vector<1024x64xf32>
    %get3A_9 = arith.constant 0 : index
    %get3A_10 = arith.constant 0 : index
    %get3A_11 = vector.load %arg2[%get3A_9, %get3A_10] : memref<1024x64xf32, #tpu.memory_space<vmem>>, vector<1024x64xf32>
    %add3A_12 = arith.addf %add3A, %get3A_11 : vector<1024x64xf32>
    %get3A_13 = arith.constant 0 : index
    %get3A_14 = arith.constant 0 : index
    %get3A_15 = vector.load %arg3[%get3A_13, %get3A_14] : memref<1024x1xf32, #tpu.memory_space<vmem>>, vector<1024x1xf32>
    %mul3A = vector.broadcast %get3A_15 : vector<1024x1xf32> to vector<1024x64xf32>
    %mul3A_16 = arith.mulf %add3A_12, %mul3A : vector<1024x64xf32>
    %get3A_17 = arith.constant 0 : index
    %get3A_18 = arith.constant 0 : index
    %get3A_19 = vector.load %arg4[%get3A_17, %get3A_18] : memref<1x64xf32, #tpu.memory_space<vmem>>, vector<1x64xf32>
    %add3A_20 = vector.broadcast %get3A_19 : vector<1x64xf32> to vector<1024x64xf32>
    %add3A_21 = arith.addf %mul3A_16, %add3A_20 : vector<1024x64xf32>
    %swap3A = arith.constant 0 : index
    %swap3A_22 = arith.constant 0 : index
    %swap3A_23 = vector.load %arg5[%swap3A, %swap3A_22] : memref<1024x64xf32, #tpu.memory_space<vmem>>, vector<1024x64xf32>
    tpu.vector_store %arg5[%swap3A, %swap3A_22], %add3A_21 {strides = array<i32>} : memref<1024x64xf32, #tpu.memory_space<vmem>>, vector<1024x64xf32>,
    return
  }
  func.func @transform_0(%arg0: i32) -> (i32, i32, i32) {
    %c0_i32 = arith.constant 0 : i32
    %c0_i32_0 = arith.constant 0 : i32
    %c0_i32_1 = arith.constant 0 : i32
    return %c0_i32, %arg0, %c0_i32_0 : i32, i32, i32
  }
  func.func @transform_1(%arg0: i32) -> (i32, i32) {
    %c0_i32 = arith.constant 0 : i32
    %c0_i32_0 = arith.constant 0 : i32
    return %arg0, %c0_i32 : i32, i32
  }
  func.func @transform_2(%arg0: i32) -> (i32, i32) {
    %c0_i32 = arith.constant 0 : i32
    %c0_i32_0 = arith.constant 0 : i32
    return %arg0, %c0_i32 : i32, i32
  }
  func.func @transform_3(%arg0: i32) -> (i32, i32) {
    %c0_i32 = arith.constant 0 : i32
    %c0_i32_0 = arith.constant 0 : i32
    %c0_i32_1 = arith.constant 0 : i32
    return %c0_i32, %c0_i32_0 : i32, i32
  }
  func.func @transform_4(%arg0: i32) -> (i32, i32) {
    %c0_i32 = arith.constant 0 : i32
    %c0_i32_0 = arith.constant 0 : i32
    return %arg0, %c0_i32 : i32, i32
  }
}

</mosaic_0001>

<sc_bundles>
// kernel: kernel.10.cloned.1.call-start
scs
__scs_entry_jumppad:
0x0: {  	(pc) =	sbr.rel $0x88, $3  }
0x1: {  	(tag) =	ssettag $0x0;
	lr =	simm.s32 $0x1  }
0x2: {  	[smem:$0x3F91] =	sst lr;
	_ =	strace $0xD0000000  }
0x3: {  	_ = 	snop  }
0x4: {  	_ = 	snop  }
0x5: {  	_ = 	snop  }
0x6: {  	_ = 	snop  }
0x7: {  	_ = 	snop  }
__scs_overlays_trampoline_lowered:
0x8: {  	[smem:$0x3FA0] =	sst s0  }
0x9: {  	[smem:$0x3FA1] =	sst s1  }
0xa: {  	[smem:$0x3FA2] =	sst s2  }
0xb: {  	[smem:$0x3FA3] =	sst s3  }
0xc: {  	[smem:$0x3FA4] =	sst s4  }
0xd: {  	[smem:$0x3FA5] =	sst s5  }
0xe: {  	[smem:$0x3FA6] =	sst s6  }
0xf: {  	[smem:$0x3FA7] =	sst s7  }
0x10: {  	[smem:$0x3FA8] =	sst s8  }
0x11: {  	[smem:$0x3FA9] =	sst s9;
	s0 =	simm.s32 @!p0 $0x0  }
0x12: {  	s1 =	sld [smem:$0x3F8F];
	s0 =	simm.s32 @p0 $0x1  }
0x13: {  	[smem:$0x3FAA] =	sst s0;
	s0 =	simm.s32 @!p1 $0x0  }
0x14: {  	s2 =	sld [smem:$0x3F8E];
	s0 =	simm.s32 @p1 $0x1  }
0x15: {  	[smem:$0x3FAB] =	sst s0;
	s0 =	simm.s32 @!p2 $0x0  }
0x16: {  	s3 =	sld [smem:$0x3FDB];
	s0 =	simm.s32 @p2 $0x1  }
0x17: {  	s4 =	simm.s32 $0x1BF5;
	[smem:$0x3FAD] =	sst s0  }
0x18: {  	s0 =	sld [smem:$0x3F90];
	_ =	swait.ge [sflag:s4], $0x0  }
0x19: {  	s7 =	sld [smem:$0x3F91]  }
0x1a: {  	s8 =	sadd.s32 $0xFFFFE003, lr  }
0x1b: {  	s9 =	sadd.s32 $0xFFFFFEF7, lr;
	s5 =	simm.s32 $0xFFFFFFFF;
	p2 =	slt.u32 s8, $0xFFFFF086  }
0x1c: {  	p1 =	slt.u32 s9, $0xF7A;
	s5 =	simm.s32 @!p2 $0x0  }
0x1d: {  	s5 =	simm.s32 @p1 $0x1;
	p0 =	seq.s32 s7, s2  }
0x1e: {  	s7 =	smul.u32 @!p0 $0xF7A, s2;
	p2 =	seq.s32 @!p0 s5, $0x0  }
0x1f: {  	s9 =	smul.u32 $0xF7A, s1;
	s8 =	simm.s32 @!p0 $0x1BF5;
	p2 =	por !p2, p0  }
0x20: {  	[sflag:s8] =	ssyncset.s32 @!p0 $0xFFFFF086;
	s6 =	sadd.s32 @!p0 s3, s7;
	s7 =	simm.s32 @!p0 $0x108  }
0x21: {  	s3 =	sadd.s32 s3, s9;
	s6 =	sadd.s32 @!p0 $0x88, s6;
	s7 =	simm.s32 @p2 $0x1082  }
0x22: {  	[simem:s7], [sflag:s8] =	dma.local @!p0 [hbm:s6], $0xF7A  }
0x23: {  	s9 =	sor.u32 $0xD0000000, s2;
	s6 =	simm.s32 $0x108;
	_ =	swait.ge @!p0 [sflag:s8], $0x0  }
0x24: {  	s3 =	sadd.s32 $0x88, s3;
	s6 =	simm.s32 @!p1 $0x1082;
	[sflag:s4] =	ssyncset.s32 $0xFFFFF086  }
0x25: {  	[simem:s6], [sflag:s4] =	dma.local [hbm:s3], $0xF7A  }
0x26: {  	[smem:$0x3F91] =	sst s1;
	(tag) =	ssettag s2;
	_ =	strace s9  }
0x27: {  	s1 =	sld [smem:$0x3FA1]  }
0x28: {  	s2 =	sld [smem:$0x3FA2]  }
0x29: {  	s4 =	sld [smem:$0x3FA4]  }
0x2a: {  	p0 =	seq.s32 s5, $0x0;
	s5 =	sld [smem:$0x3FA5]  }
0x2b: {  	s6 =	sld [smem:$0x3FA6]  }
0x2c: {  	s7 =	sld [smem:$0x3FA7]  }
0x2d: {  	s3 =	simm.s32 $0x108;
	s8 =	sld [smem:$0x3FA8]  }
0x2e: {  	s3 =	simm.s32 @!p0 $0x1082;
	s9 =	sld [smem:$0x3FA9]  }
0x2f: {  	lr =	sadd.s32 s0, s3;
	s0 =	sld [smem:$0x3FA0]  }
0x30: {  	s3 =	sld [smem:$0x3FA3]  }
0x31: {  	[smem:$0x3FAC] =	sst s10  }
0x32: {  	s10 =	sld [smem:$0x3FAA];
	_ =	sdelay $0x3  }
0x33: {  	p0 =	seq.s32 s10, $0x1;
	s10 =	sld [smem:$0x3FAC];
	_ =	sdelay $0x3  }
0x34: {  	[smem:$0x3FAC] =	sst s10  }
0x35: {  	s10 =	sld [smem:$0x3FAB];
	_ =	sdelay $0x3  }
0x36: {  	p1 =	seq.s32 s10, $0x1;
	s10 =	sld [smem:$0x3FAC];
	_ =	sdelay $0x3  }
0x37: {  	[smem:$0x3FAC] =	sst s10  }
0x38: {  	s10 =	sld [smem:$0x3FAD]  }
0x39: {  	_ = 	snop;
	(pc) =	sbr.ind lr, $3  }
0x3a: {  	_ = 	snop  }
0x3b: {  	_ = 	snop  }
0x3c: {  	p2 =	seq.s32 s10, $0x1;
	s10 =	sld [smem:$0x3FAC]  }
0x3d: {  	_ =	shalt  }
0x3e: {  	_ =	shalt  }
0x3f: {  	_ =	shalt  }
0x40: {  	_ =	shalt  }
0x41: {  	_ =	shalt  }
0x42: {  	_ =	shalt  }
0x43: {  	_ =	shalt  }
0x44: {  	_ =	shalt  }
0x45: {  	_ =	shalt  }
0x46: {  	_ =	shalt  }
0x47: {  	_ =	shalt  }
0x48: {  	_ =	shalt  }
0x49: {  	_ =	shalt  }
0x4a: {  	_ =	shalt  }
0x4b: {  	_ =	shalt  }
0x4c: {  	_ =	shalt  }
0x4d: {  	_ =	shalt  }
0x4e: {  	_ =	shalt  }
0x4f: {  	_ =	shalt  }
0x50: {  	_ =	shalt  }
0x51: {  	_ =	shalt  }
0x52: {  	_ =	shalt  }
0x53: {  	_ =	shalt  }
0x54: {  	_ =	shalt  }
0x55: {  	_ =	shalt  }
0x56: {  	_ =	shalt  }
0x57: {  	_ =	shalt  }
0x58: {  	_ =	shalt  }
0x59: {  	_ =	shalt  }
0x5a: {  	_ =	shalt  }
0x5b: {  	_ =	shalt  }
0x5c: {  	_ =	shalt  }
0x5d: {  	_ =	shalt  }
0x5e: {  	_ =	shalt  }
0x5f: {  	_ =	shalt  }
0x60: {  	_ =	shalt  }
0x61: {  	_ =	shalt  }
0x62: {  	_ =	shalt  }
0x63: {  	_ =	shalt  }
0x64: {  	_ =	shalt  }
0x65: {  	_ =	shalt  }
0x66: {  	_ =	shalt  }
0x67: {  	_ =	shalt  }
0x68: {  	_ =	shalt  }
0x69: {  	_ =	shalt  }
0x6a: {  	_ =	shalt  }
0x6b: {  	_ =	shalt  }
0x6c: {  	_ =	shalt  }
0x6d: {  	_ =	shalt  }
0x6e: {  	_ =	shalt  }
0x6f: {  	_ =	shalt  }
0x70: {  	_ =	shalt  }
0x71: {  	_ =	shalt  }
0x72: {  	_ =	shalt  }
0x73: {  	_ =	shalt  }
0x74: {  	_ =	shalt  }
0x75: {  	_ =	shalt  }
0x76: {  	_ =	shalt  }
0x77: {  	_ =	shalt  }
0x78: {  	_ =	shalt  }
0x79: {  	_ =	shalt  }
0x7a: {  	_ =	shalt  }
0x7b: {  	_ =	shalt  }
0x7c: {  	_ =	shalt  }
0x7d: {  	_ =	shalt  }
0x7e: {  	_ =	shalt  }
0x7f: {  	_ =	shalt  }
0x80: {  	_ =	shalt  }
0x81: {  	_ =	shalt  }
0x82: {  	_ =	shalt  }
0x83: {  	_ =	shalt  }
0x84: {  	_ =	shalt  }
0x85: {  	_ =	shalt  }
0x86: {  	_ =	shalt  }
0x87: {  	_ =	shalt  }
.Lfunc_end0:
.L_simem_size_0:
called_computation_lowered:
.L_overlay_start_0:
0x88: {  	s2 =	sld [smem:$0x3FD9]  }
0x89: {  	s3 =	sld [smem:$0x3FFE];
	_ =	sdelay $0x1  }
0x8a: {  	s1 =	srdreg.scid  }
0x8b: {  	s0 =	sand.u32 $0x1, s1  }
0x8c: {  	s17 =	sshll.u32 s0, $0xA;
	s2 =	sadd.s32 s3, s2  }
0x8d: {  	s2 =	sadd.s32 s2, s17  }
0x8e: {  	[smem:$0x3FB8] =	sst s2  }
0x8f: {  	_ = 	snop  }
0x90: {  	s2 =	sld [smem:$0x3FD0];
	(tm) =	ssettm $0x1  }
0x91: {  	s18 =	sld [smem:$0x3FFB];
	_ =	sdelay $0x3  }
0x92: {  	_ =	strace s18  }
0x93: {  	s3 =	sld [smem:$0x3FFC];
	_ =	sdelay $0x3  }
0x94: {  	_ =	strace s3  }
0x95: {  	s3 =	sld [smem:$0x3FFD];
	_ =	sdelay $0x3  }
0x96: {  	_ =	strace s3  }
0x97: {  	_ =	strace $0x8FFFFFFF  }
0x98: {  	s19 =	sld [smem:$0x3FDB];
	_ =	sdelay $0x1  }
0x99: {  	s4 =	simm.s32 $_scs_section_size  }
0x9a: {  	s5 =	simm.s32 $_size__tile_overlayer_lowered;
	s6 =	simm.s32 $_tile_overlayer_lowered  }
0x9b: {  	s22 =	simm.s32 $0x1BFF;
	s21 =	sshll.u32 s6, $0x1;
	s3 =	sadd.s32 s4, s19  }
0x9c: {  	s7 =	simm.s32 $0x0;
	s20 =	sshll.u32 s5, $0x1;
	s5 =	sadd.s32 s21, s3  }
0x9d: {  	[timem:s7], [sflag:s22] =	dma.local [hbm:s5], s20  }
0x9e: {  	_ =	swait.ge [sflag:s22], s20  }
0x9f: {  	s4 =	ssub.s32 $0x0, s20;
	[sflag:s22] =	ssyncset.done $0x0  }
0xa0: {  	[sflag:s22] =	ssyncadd.s32 s4;
	_ =	sdelay $0x1  }
0xa1: {  	s23 =	simm.s32 $0x1B8B  }
0xa2: {  	_ =	swait.ge [sflag:s23], $0x1  }
0xa3: {  	[sflag:s23] =	ssyncset.done $0x0  }
0xa4: {  	s25 =	simm.s32 $0x1B8E;
	s24 =	sld [smem:$0x3FFE];
	[sflag:s23] =	ssyncadd.s32 $0xFFFFFFFF  }
0xa5: {  	s26 =	simm.s32 $execute0_lowered;
	[smem:$0x3FD2] =	sst s25  }
0xa6: {  	s5 =	sshll.u32 s26, $0x1;
	_ =	strace $0x80000046;
	[dreg:$0x1] =	wrdreg $0xFFFFFFFF  }
0xa7: {  	s28 =	simm.s32 $_size_execute0_lowered;
	s3 =	sadd.s32 s3, s5;
	[dreg:$0x0] =	wrdreg $0x0  }
0xa8: {  	s5 =	sshll.u32 s28, $0x1;
	[dreg:$0x2] =	wrdreg s3  }
0xa9: {  	[dreg:$0x3] =	wrdreg s5  }
0xaa: {  	[dreg:$0x4] =	wrdreg $0xC0  }
0xab: {  	_ =	task [dreg:s7], $0x5FFFF  }
0xac: {  	[dreg:$0x1] =	wrdreg $0xFFFFFFFF  }
0xad: {  	[dreg:$0x0] =	wrdreg $0x60  }
0xae: {  	[dreg:$0x2] =	wrdreg s24  }
0xaf: {  	[dreg:$0x3] =	wrdreg s2  }
0xb0: {  	[dreg:$0x4] =	wrdreg $0xA500  }
0xb1: {  	[dreg:$0x5] =	wrdreg $0x9  }
0xb2: {  	_ =	task.clear_ibuf [dreg:s7], $0x6FFFF;
	_ =	strace $0x90000046  }
0xb3: {  	s29 =	simm.s32 $0x9;
	_ =	strace $0x80000048  }
0xb4: {  	_ =	swait.ge [sflag:s29], $0x1  }
0xb5: {  	[sflag:s29] =	ssyncadd.s32 $0xFFFFFFFF  }
0xb6: {  	_ =	strace $0x90000048  }
0xb7: {  	_ =	sfence  }
0xb8: {  	s30 =	sld [smem:$0x0];
	_ =	sdelay $0x2  }
0xb9: {  	s31 =	sshll.u32 s1, $0xD;
	s1 =	sshrl.u32 s1, $0x2  }
0xba: {  	s3 =	sand.u32 $0x4000, s31;
	s1 =	sadd.s32 s1, s30  }
0xbb: {  	s0 =	sor.u32 s3, s0;
	s1 =	sshll.u32 s1, $0x11  }
0xbc: {  	s0 =	sor.u32 s1, s0  }
0xbd: {  	s0 =	sadd.s32 $0x8F2B, s0  }
0xbe: {  	[sflag:s0] =	ssyncadd.remote.s32 $0x1  }
0xbf: {  	_ =	sfence.sel $0xFFFF  }
0xc0: {  	[dreg:$0x0] =	wrdreg $0xFFFFFFFF;
	(pc) =	sbr.abs _section_cstart, $3  }
0xc1: {  	[dreg:$0x1] =	wrdreg $0xFFFFFFFF  }
0xc2: {  	_ =	task.clear_ibuf [dreg:s7], $0x2FFFF;
	_ =	strace $0x9FFFFFFF  }
0xc3: {  	(tm) =	ssettm $0x7FFFFFFF  }
tec
execute0_lowered:
.L_overlay_start_1:
0x0: {  	(tag) =	ssettag $0x1  }
0x1: {  	s4 =	rddreg [dreg:$0x0]  }
0x2: {  	s0 =	srdreg.scid;
	s20 =	rddreg [dreg:$0x1]  }
0x3: {  	s2 =	rddreg [dreg:$0x2];
	s5 =	sand.u32 $0x1, s0  }
0x4: {  	s0 =	stileid.u32;
	s6 =	smul.u32 $0x27100, s5  }
0x5: {  	s1 =	rddreg [dreg:$0x3];
	s7 =	smul.u32 $0x2710, s0  }
0x6: {  	s3 =	simm.s32 $0x0;
	s26 =	simm.s32 $0x0;
	s18 =	smul.u32 $0x28000, s5  }
0x7: {  	[smem:$0x7FF] =	sst s3;
	s14 =	smul.u32 $0x2800, s0;
	s5 =	ssub.s32 $0x2, s5  }
0x8: {  	_ =	strace $0x80000047;
	s9 =	smul.u32 $0xA000, s0;
	s8 =	sshrl.u32 s5, $0x1  }
0x9: {  	s6 =	sadd.s32 s7, s6;
	s30 =	sadd.s32 s18, s14;
	s5 =	ssub.s32 s5, s8  }
0xa: {  	s31 =	sshrl.u32 s9, $0x2;
	s12 =	sor.u32 $0x500, s14;
	s15 =	sadd.s32 $0xA00, s14  }
0xb: {  	s16 =	sadd.s32 $0xF00, s14;
	s17 =	sadd.s32 $0x1400, s14;
	s19 =	sadd.s32 $0x1900, s14  }
0xc: {  	s22 =	sadd.s32 $0x1E00, s14;
	s23 =	sadd.s32 $0x2300, s14;
	s25 =	sadd.s32 s14, s2  }
0xd: {  	s6 =	sshrl.u32 s6, $0x3;
	s7 =	sshrl.u32 s30, $0x3;
	s5 =	smax.u32 s5, $0x1  }
0xe: {  	s8 =	sadd.s32 s15, s2;
	s9 =	sadd.s32 s16, s2;
	s10 =	sadd.s32 s17, s2  }
0xf: {  	s11 =	sadd.s32 s19, s2;
	s13 =	sadd.s32 s18, s12;
	s15 =	sadd.s32 s18, s15  }
0x10: {  	s16 =	sadd.s32 s18, s16;
	s17 =	sadd.s32 s18, s17;
	s19 =	sadd.s32 s18, s19  }
0x11: {  	s25 =	sshrl.u32 s25, $0x3;
	s21 =	sadd.s32 s6, s4;
	s4 =	sadd.s32 s20, s7  }
0x12: {  	s6 =	sadd.s32 s31, s2;
	s7 =	sadd.s32 s12, s2;
	s12 =	sadd.s32 s22, s2  }
0x13: {  	s24 =	sshrl.u32 s13, $0x3;
	s13 =	sadd.s32 s23, s2;
	s15 =	sshrl.u32 s15, $0x3  }
0x14: {  	s16 =	sshrl.u32 s16, $0x3;
	s17 =	sshrl.u32 s17, $0x3;
	s22 =	sadd.s32 s18, s22  }
0x15: {  	s18 =	sadd.s32 s18, s23;
	s19 =	sshrl.u32 s19, $0x3;
	s14 =	sadd.s32 s20, s24  }
0x16: {  	s15 =	sadd.s32 s20, s15;
	s16 =	sadd.s32 s20, s16;
	s17 =	sadd.s32 s20, s17  }
0x17: {  	s22 =	sshrl.u32 s22, $0x3;
	s23 =	sshrl.u32 s18, $0x3;
	s18 =	sadd.s32 s20, s19  }
0x18: {  	s21 =	sadd.s32 $0xD400, s21;
	s24 =	simm.s32 $0x550;
	s19 =	sadd.s32 s20, s22  }
0x19: {  	v0 =	vimm.f32 $0.0e+00;
	v1 =	vimm.f32 $1.000000000e+00;
	s20 =	sadd.s32 s20, s23;
	s22 =	simm.s32 $0x50;
	s23 =	simm.s32 $0x1  }
.LBB2_1:
0x1a: {  	s28 =	simm.s32 $0x0  }
.LBB2_2:
0x1b: {  	p0 =	sne.s32 s28, $0x13C0  }
.Ltmp0:
0x1c: {  	_ = 	snop;
	(pc) =	sbr.rel @p0 .LBB2_2-.Ltmp0, $3  }
0x1d: {  	_ =	sdelay $0x1  }
0x1e: {  	s29 =	sshra.s32 s28, $0x2  }
0x1f: {  	s28 =	sadd.s32 $0x40, s28;
	[tilespmem:s29+$0x50] =	vst v0  }
0x20: {  	s28 =	simm.s32 $0x40;
	s29 =	simm.s32 $0x0  }
.LBB2_4:
0x21: {  	p0 =	sne.s32 s28, $0x13C0;
	[tilespmem:s29+$0x550] =	vst v1;
	s29 =	smov.u32 s28;
	s28 =	sadd.s32 $0x40, s28  }
.Ltmp1:
0x22: {  	(pc) =	sbr.rel @p0 .LBB2_4-.Ltmp1, $2  }
0x23: {  	_ =	sdelay $0x2  }
0x24: {  	s29 =	sshra.s32 s29, $0x2  }
0x25: {  	[tilespmem:s29+$0x550] =	vst v1  }
0x26: {  	[spmem:s6] =	stream.linear.scatter [tilespmem:s22], [sflag:$0x1], $0x500, $0x38;
	[tilespmem:$0x3250] =	vst v63  }
0x27: {  	_ =	swait.ge [sflag:s23], $0x500  }
0x28: {  	[sflag:s23] =	ssyncset.done $0x0  }
0x29: {  	[sflag:s23] =	ssyncadd.s32 $0xFFFFFB00  }
0x2a: {  	[spmem:s7] =	stream.linear.scatter [tilespmem:s22], [sflag:$0x1], $0x500, $0x38;
	[tilespmem:$0x3250] =	vst v63  }
0x2b: {  	_ =	swait.ge [sflag:s23], $0x500  }
0x2c: {  	[sflag:s23] =	ssyncset.done $0x0  }
0x2d: {  	[sflag:s23] =	ssyncadd.s32 $0xFFFFFB00  }
0x2e: {  	[spmem:s8] =	stream.linear.scatter [tilespmem:s22], [sflag:$0x1], $0x500, $0x38;
	[tilespmem:$0x3250] =	vst v63  }
0x2f: {  	_ =	swait.ge [sflag:s23], $0x500  }
0x30: {  	[sflag:s23] =	ssyncset.done $0x0  }
0x31: {  	[sflag:s23] =	ssyncadd.s32 $0xFFFFFB00  }
0x32: {  	[spmem:s9] =	stream.linear.scatter [tilespmem:s22], [sflag:$0x1], $0x500, $0x38;
	[tilespmem:$0x3250] =	vst v63  }
0x33: {  	_ =	swait.ge [sflag:s23], $0x500  }
0x34: {  	[sflag:s23] =	ssyncset.done $0x0  }
0x35: {  	[sflag:s23] =	ssyncadd.s32 $0xFFFFFB00  }
0x36: {  	[spmem:s10] =	stream.linear.scatter [tilespmem:s22], [sflag:$0x1], $0x500, $0x38;
	[tilespmem:$0x3250] =	vst v63  }
0x37: {  	_ =	swait.ge [sflag:s23], $0x500  }
0x38: {  	[sflag:s23] =	ssyncset.done $0x0  }
0x39: {  	[sflag:s23] =	ssyncadd.s32 $0xFFFFFB00  }
0x3a: {  	[spmem:s11] =	stream.linear.scatter [tilespmem:s22], [sflag:$0x1], $0x500, $0x38;
	[tilespmem:$0x3250] =	vst v63  }
0x3b: {  	_ =	swait.ge [sflag:s23], $0x500  }
0x3c: {  	[sflag:s23] =	ssyncset.done $0x0  }
0x3d: {  	[sflag:s23] =	ssyncadd.s32 $0xFFFFFB00  }
0x3e: {  	[spmem:s12] =	stream.linear.scatter [tilespmem:s22], [sflag:$0x1], $0x500, $0x38;
	[tilespmem:$0x3250] =	vst v63  }
0x3f: {  	_ =	swait.ge [sflag:s23], $0x500  }
0x40: {  	[sflag:s23] =	ssyncset.done $0x0  }
0x41: {  	[sflag:s23] =	ssyncadd.s32 $0xFFFFFB00  }
0x42: {  	[spmem:s13] =	stream.linear.scatter [tilespmem:s22], [sflag:$0x1], $0x500, $0x38;
	[tilespmem:$0x3250] =	vst v63  }
0x43: {  	_ =	swait.ge [sflag:s23], $0x500  }
0x44: {  	[sflag:s23] =	ssyncset.done $0x0  }
0x45: {  	[sflag:s23] =	ssyncadd.s32 $0xFFFFFB00  }
0x46: {  	s28 =	sadd.s32 $0x0, s21;
	[bflag:$0x0] =	sbarrier.arrive $0xFFFF  }
0x47: {  	[tilespmem:s3], [sflag:$0x1] =	stream.linear.gather [hbm4b:s28+s3], $0x50, $0x38;
	[tilespmem:$0x3250] =	vst v63  }
0x48: {  	_ =	swait.ge [sflag:s23], $0x50  }
0x49: {  	[sflag:s23] =	ssyncset.done $0x0  }
0x4a: {  	[sflag:s23] =	ssyncadd.s32 $0xFFFFFFB0  }
0x4b: {  	[spmem:s2] =	stream.indirect.scatter.add.f32 [tilespmem:s24], [sflag:$0x1], $0x10, s3, s22, $0xb8;
	[tilespmem:$0x3250] =	vst v63  }
0x4c: {  	_ =	swait.ge [sflag:s23], $0x500  }
0x4d: {  	s29 =	simm.s32 $0x14;
	s28 =	simm.s32 $0xA;
	[sflag:s23] =	ssyncset.done $0x0  }
.LBB2_6:
0x4e: {  	s30 =	sadd.s32 s28, s21  }
0x4f: {  	[sflag:s23] =	ssyncadd.s32 $0xFFFFFB00;
	s28 =	smov.u32 s29;
	s31 =	sadd.s32 $0xA, s29  }
0x50: {  	[tilespmem:s3], [sflag:$0x1] =	stream.linear.gather [hbm4b:s30+s3], $0x50, $0x38;
	[tilespmem:$0x3250] =	vst v63  }
0x51: {  	p0 =	sne.s32 s29, $0x4D8;
	_ =	swait.ge [sflag:s23], $0x50  }
.Ltmp2:
0x52: {  	[sflag:s23] =	ssyncset.done $0x0;
	(pc) =	sbr.rel @p0 .LBB2_6-.Ltmp2, $4  }
0x53: {  	[sflag:s23] =	ssyncadd.s32 $0xFFFFFFB0  }
0x54: {  	[spmem:s2] =	stream.indirect.scatter.add.f32 [tilespmem:s24], [sflag:$0x1], $0x10, s3, s22, $0xb8;
	[tilespmem:$0x3250] =	vst v63  }
0x55: {  	_ =	swait.ge [sflag:s23], $0x500  }
0x56: {  	s29 =	smov.u32 s31;
	[sflag:s23] =	ssyncset.done $0x0  }
0x57: {  	s28 =	sadd.s32 s28, s21;
	[sflag:s23] =	ssyncadd.s32 $0xFFFFFB00  }
0x58: {  	[tilespmem:s3], [sflag:$0x1] =	stream.linear.gather [hbm4b:s28+s3], $0x50, $0x38;
	[tilespmem:$0x3250] =	vst v63  }
0x59: {  	_ =	swait.ge [sflag:s23], $0x50  }
0x5a: {  	[sflag:s23] =	ssyncset.done $0x0  }
0x5b: {  	[sflag:s23] =	ssyncadd.s32 $0xFFFFFFB0  }
0x5c: {  	[spmem:s2] =	stream.indirect.scatter.add.f32 [tilespmem:s24], [sflag:$0x1], $0x10, s3, s22, $0xb8;
	[tilespmem:$0x3250] =	vst v63  }
0x5d: {  	_ =	swait.ge [sflag:s23], $0x500  }
0x5e: {  	[sflag:s23] =	ssyncset.done $0x0  }
0x5f: {  	s29 =	sshll.u32 s0, $0x6;
	[sflag:s23] =	ssyncadd.s32 $0xFFFFFB00  }
0x60: {  	s28 =	sor.u32 $0x1C01, s29;
	[bflag:$0x0] =	sbarrier.arrive $0xFFFF  }
0x61: {  	[hbm:s4], [sflag:s28] =	dma.local [spmem:s25], $0xA0  }
0x62: {  	_ =	swait.ge [sflag:s23], $0xA0  }
0x63: {  	[sflag:s23] =	ssyncset.done $0x0  }
0x64: {  	s29 =	sshrl.u32 s7, $0x3;
	[sflag:s23] =	ssyncadd.s32 $0xFFFFFF60  }
0x65: {  	[hbm:s14], [sflag:s28] =	dma.local [spmem:s29], $0xA0  }
0x66: {  	_ =	swait.ge [sflag:s23], $0xA0  }
0x67: {  	[sflag:s23] =	ssyncset.done $0x0  }
0x68: {  	s30 =	sshrl.u32 s8, $0x3;
	[sflag:s23] =	ssyncadd.s32 $0xFFFFFF60  }
0x69: {  	[hbm:s15], [sflag:s28] =	dma.local [spmem:s30], $0xA0  }
0x6a: {  	_ =	swait.ge [sflag:s23], $0xA0  }
0x6b: {  	[sflag:s23] =	ssyncset.done $0x0  }
0x6c: {  	s31 =	sshrl.u32 s9, $0x3;
	[sflag:s23] =	ssyncadd.s32 $0xFFFFFF60  }
0x6d: {  	[hbm:s16], [sflag:s28] =	dma.local [spmem:s31], $0xA0  }
0x6e: {  	_ =	swait.ge [sflag:s23], $0xA0  }
0x6f: {  	[sflag:s23] =	ssyncset.done $0x0  }
0x70: {  	s30 =	sshrl.u32 s10, $0x3;
	[sflag:s23] =	ssyncadd.s32 $0xFFFFFF60  }
0x71: {  	[hbm:s17], [sflag:s28] =	dma.local [spmem:s30], $0xA0  }
0x72: {  	_ =	swait.ge [sflag:s23], $0xA0  }
0x73: {  	[sflag:s23] =	ssyncset.done $0x0  }
0x74: {  	s31 =	sshrl.u32 s11, $0x3;
	[sflag:s23] =	ssyncadd.s32 $0xFFFFFF60  }
0x75: {  	[hbm:s18], [sflag:s28] =	dma.local [spmem:s31], $0xA0  }
0x76: {  	_ =	swait.ge [sflag:s23], $0xA0  }
0x77: {  	[sflag:s23] =	ssyncset.done $0x0  }
0x78: {  	s30 =	sshrl.u32 s12, $0x3;
	[sflag:s23] =	ssyncadd.s32 $0xFFFFFF60  }
0x79: {  	[hbm:s19], [sflag:s28] =	dma.local [spmem:s30], $0xA0  }
0x7a: {  	s26 =	sadd.s32 $0x1, s26;
	_ =	swait.ge [sflag:s23], $0xA0  }
0x7b: {  	p0 =	sne.s32 s26, s5;
	[sflag:s23] =	ssyncset.done $0x0  }
.Ltmp3:
0x7c: {  	s31 =	sshrl.u32 s13, $0x3;
	[sflag:s23] =	ssyncadd.s32 $0xFFFFFF60;
	(pc) =	sbr.rel @p0 .LBB2_1-.Ltmp3, $4  }
0x7d: {  	[hbm:s20], [sflag:s28] =	dma.local [spmem:s31], $0xA0  }
0x7e: {  	_ =	swait.ge [sflag:s23], $0xA0  }
0x7f: {  	[sflag:s23] =	ssyncset.done $0x0  }
0x80: {  	[sflag:s23] =	ssyncadd.s32 $0xFFFFFF60  }
0x81: {  	_ =	sfence.sel $0x180000  }
0x82: {  	[bflag:$0x0] =	sbarrier.arrive $0xFFFF  }
0x83: {  	p0 =	sne.s32 s0, $0x0;
	_ =	strace $0x90000047  }
0x84: {  	s0 =	sadd.s32 @!p0 $0x100000, s1;
	[bflag:$0x2] =	sbarrier.arrive $0xFFFF  }
0x85: {  	[sflag:s0] =	ssyncadd.tile.s32 @!p0 $0x1;
	_ =	shalt  }
.Lfunc_end2:
_tile_overlayer_lowered:
.L_overlay_start_2:
0x86: {  	(tag) =	ssettag $0x2  }
0x87: {  	s0 =	rddreg [dreg:$0x0];
	s2 =	stileid.u32  }
0x88: {  	s1 =	rddreg [dreg:$0x1];
	p0 =	sne.s32 s2, $0x0  }
0x89: {  	s3 =	rddreg [dreg:$0x2];
	[bflag:$0x3] =	sbarrier.arrive $0xFFFF;
	s2 =	simm.s32 @!p0 $0x1C01  }
0x8a: {  	[timem:s3], [sflag:s2] =	dma.local @!p0 [hbm:s0], s1  }
0x8b: {  	s0 =	simm.s32 @!p0 $0x1  }
0x8c: {  	_ =	swait.ge @!p0 [sflag:s0], s1  }
0x8d: {  	s1 =	ssub.s32 @!p0 $0x0, s1;
	[sflag:s0] =	ssyncset.done @!p0 $0x0  }
0x8e: {  	[sflag:s0] =	ssyncadd.s32 @!p0 s1  }
0x8f: {  	[bflag:$0x3] =	sbarrier.arrive $0xFFFF  }
0x90: {  	_ =	shalt  }

// kernel: kernel.13.cloned.1.call-start
scs
__scs_entry_jumppad:
0x0: {  	(pc) =	sbr.rel $0x88, $3  }
0x1: {  	(tag) =	ssettag $0x0;
	lr =	simm.s32 $0x1  }
0x2: {  	[smem:$0x3F91] =	sst lr;
	_ =	strace $0xD0000000  }
0x3: {  	_ = 	snop  }
0x4: {  	_ = 	snop  }
0x5: {  	_ = 	snop  }
0x6: {  	_ = 	snop  }
0x7: {  	_ = 	snop  }
__scs_overlays_trampoline_lowered:
0x8: {  	[smem:$0x3FA0] =	sst s0  }
0x9: {  	[smem:$0x3FA1] =	sst s1  }
0xa: {  	[smem:$0x3FA2] =	sst s2  }
0xb: {  	[smem:$0x3FA3] =	sst s3  }
0xc: {  	[smem:$0x3FA4] =	sst s4  }
0xd: {  	[smem:$0x3FA5] =	sst s5  }
0xe: {  	[smem:$0x3FA6] =	sst s6  }
0xf: {  	[smem:$0x3FA7] =	sst s7  }
0x10: {  	[smem:$0x3FA8] =	sst s8  }
0x11: {  	[smem:$0x3FA9] =	sst s9;
	s0 =	simm.s32 @!p0 $0x0  }
0x12: {  	s1 =	sld [smem:$0x3F8F];
	s0 =	simm.s32 @p0 $0x1  }
0x13: {  	[smem:$0x3FAA] =	sst s0;
	s0 =	simm.s32 @!p1 $0x0  }
0x14: {  	s2 =	sld [smem:$0x3F8E];
	s0 =	simm.s32 @p1 $0x1  }
0x15: {  	[smem:$0x3FAB] =	sst s0;
	s0 =	simm.s32 @!p2 $0x0  }
0x16: {  	s3 =	sld [smem:$0x3FDB];
	s0 =	simm.s32 @p2 $0x1  }
0x17: {  	s4 =	simm.s32 $0x1BF5;
	[smem:$0x3FAD] =	sst s0  }
0x18: {  	s0 =	sld [smem:$0x3F90];
	_ =	swait.ge [sflag:s4], $0x0  }
0x19: {  	s7 =	sld [smem:$0x3F91]  }
0x1a: {  	s8 =	sadd.s32 $0xFFFFE003, lr  }
0x1b: {  	s9 =	sadd.s32 $0xFFFFFEF7, lr;
	s5 =	simm.s32 $0xFFFFFFFF;
	p2 =	slt.u32 s8, $0xFFFFF086  }
0x1c: {  	p1 =	slt.u32 s9, $0xF7A;
	s5 =	simm.s32 @!p2 $0x0  }
0x1d: {  	s5 =	simm.s32 @p1 $0x1;
	p0 =	seq.s32 s7, s2  }
0x1e: {  	s7 =	smul.u32 @!p0 $0xF7A, s2;
	p2 =	seq.s32 @!p0 s5, $0x0  }
0x1f: {  	s9 =	smul.u32 $0xF7A, s1;
	s8 =	simm.s32 @!p0 $0x1BF5;
	p2 =	por !p2, p0  }
0x20: {  	[sflag:s8] =	ssyncset.s32 @!p0 $0xFFFFF086;
	s6 =	sadd.s32 @!p0 s3, s7;
	s7 =	simm.s32 @!p0 $0x108  }
0x21: {  	s3 =	sadd.s32 s3, s9;
	s6 =	sadd.s32 @!p0 $0x88, s6;
	s7 =	simm.s32 @p2 $0x1082  }
0x22: {  	[simem:s7], [sflag:s8] =	dma.local @!p0 [hbm:s6], $0xF7A  }
0x23: {  	s9 =	sor.u32 $0xD0000000, s2;
	s6 =	simm.s32 $0x108;
	_ =	swait.ge @!p0 [sflag:s8], $0x0  }
0x24: {  	s3 =	sadd.s32 $0x88, s3;
	s6 =	simm.s32 @!p1 $0x1082;
	[sflag:s4] =	ssyncset.s32 $0xFFFFF086  }
0x25: {  	[simem:s6], [sflag:s4] =	dma.local [hbm:s3], $0xF7A  }
0x26: {  	[smem:$0x3F91] =	sst s1;
	(tag) =	ssettag s2;
	_ =	strace s9  }
0x27: {  	s1 =	sld [smem:$0x3FA1]  }
0x28: {  	s2 =	sld [smem:$0x3FA2]  }
0x29: {  	s4 =	sld [smem:$0x3FA4]  }
0x2a: {  	p0 =	seq.s32 s5, $0x0;
	s5 =	sld [smem:$0x3FA5]  }
0x2b: {  	s6 =	sld [smem:$0x3FA6]  }
0x2c: {  	s7 =	sld [smem:$0x3FA7]  }
0x2d: {  	s3 =	simm.s32 $0x108;
	s8 =	sld [smem:$0x3FA8]  }
0x2e: {  	s3 =	simm.s32 @!p0 $0x1082;
	s9 =	sld [smem:$0x3FA9]  }
0x2f: {  	lr =	sadd.s32 s0, s3;
	s0 =	sld [smem:$0x3FA0]  }
0x30: {  	s3 =	sld [smem:$0x3FA3]  }
0x31: {  	[smem:$0x3FAC] =	sst s10  }
0x32: {  	s10 =	sld [smem:$0x3FAA];
	_ =	sdelay $0x3  }
0x33: {  	p0 =	seq.s32 s10, $0x1;
	s10 =	sld [smem:$0x3FAC];
	_ =	sdelay $0x3  }
0x34: {  	[smem:$0x3FAC] =	sst s10  }
0x35: {  	s10 =	sld [smem:$0x3FAB];
	_ =	sdelay $0x3  }
0x36: {  	p1 =	seq.s32 s10, $0x1;
	s10 =	sld [smem:$0x3FAC];
	_ =	sdelay $0x3  }
0x37: {  	[smem:$0x3FAC] =	sst s10  }
0x38: {  	s10 =	sld [smem:$0x3FAD]  }
0x39: {  	_ = 	snop;
	(pc) =	sbr.ind lr, $3  }
0x3a: {  	_ = 	snop  }
0x3b: {  	_ = 	snop  }
0x3c: {  	p2 =	seq.s32 s10, $0x1;
	s10 =	sld [smem:$0x3FAC]  }
0x3d: {  	_ =	shalt  }
0x3e: {  	_ =	shalt  }
0x3f: {  	_ =	shalt  }
0x40: {  	_ =	shalt  }
0x41: {  	_ =	shalt  }
0x42: {  	_ =	shalt  }
0x43: {  	_ =	shalt  }
0x44: {  	_ =	shalt  }
0x45: {  	_ =	shalt  }
0x46: {  	_ =	shalt  }
0x47: {  	_ =	shalt  }
0x48: {  	_ =	shalt  }
0x49: {  	_ =	shalt  }
0x4a: {  	_ =	shalt  }
0x4b: {  	_ =	shalt  }
0x4c: {  	_ =	shalt  }
0x4d: {  	_ =	shalt  }
0x4e: {  	_ =	shalt  }
0x4f: {  	_ =	shalt  }
0x50: {  	_ =	shalt  }
0x51: {  	_ =	shalt  }
0x52: {  	_ =	shalt  }
0x53: {  	_ =	shalt  }
0x54: {  	_ =	shalt  }
0x55: {  	_ =	shalt  }
0x56: {  	_ =	shalt  }
0x57: {  	_ =	shalt  }
0x58: {  	_ =	shalt  }
0x59: {  	_ =	shalt  }
0x5a: {  	_ =	shalt  }
0x5b: {  	_ =	shalt  }
0x5c: {  	_ =	shalt  }
0x5d: {  	_ =	shalt  }
0x5e: {  	_ =	shalt  }
0x5f: {  	_ =	shalt  }
0x60: {  	_ =	shalt  }
0x61: {  	_ =	shalt  }
0x62: {  	_ =	shalt  }
0x63: {  	_ =	shalt  }
0x64: {  	_ =	shalt  }
0x65: {  	_ =	shalt  }
0x66: {  	_ =	shalt  }
0x67: {  	_ =	shalt  }
0x68: {  	_ =	shalt  }
0x69: {  	_ =	shalt  }
0x6a: {  	_ =	shalt  }
0x6b: {  	_ =	shalt  }
0x6c: {  	_ =	shalt  }
0x6d: {  	_ =	shalt  }
0x6e: {  	_ =	shalt  }
0x6f: {  	_ =	shalt  }
0x70: {  	_ =	shalt  }
0x71: {  	_ =	shalt  }
0x72: {  	_ =	shalt  }
0x73: {  	_ =	shalt  }
0x74: {  	_ =	shalt  }
0x75: {  	_ =	shalt  }
0x76: {  	_ =	shalt  }
0x77: {  	_ =	shalt  }
0x78: {  	_ =	shalt  }
0x79: {  	_ =	shalt  }
0x7a: {  	_ =	shalt  }
0x7b: {  	_ =	shalt  }
0x7c: {  	_ =	shalt  }
0x7d: {  	_ =	shalt  }
0x7e: {  	_ =	shalt  }
0x7f: {  	_ =	shalt  }
0x80: {  	_ =	shalt  }
0x81: {  	_ =	shalt  }
0x82: {  	_ =	shalt  }
0x83: {  	_ =	shalt  }
0x84: {  	_ =	shalt  }
0x85: {  	_ =	shalt  }
0x86: {  	_ =	shalt  }
0x87: {  	_ =	shalt  }
.Lfunc_end0:
.L_simem_size_0:
called_computation.1_lowered:
.L_overlay_start_0:
0x88: {  	s2 =	sld [smem:$0x3FD9]  }
0x89: {  	s3 =	sld [smem:$0x3FFE];
	_ =	sdelay $0x1  }
0x8a: {  	s1 =	srdreg.scid  }
0x8b: {  	s0 =	sand.u32 $0x1, s1  }
0x8c: {  	s16 =	sshll.u32 s0, $0xA;
	s2 =	sadd.s32 s3, s2  }
0x8d: {  	s2 =	sadd.s32 s2, s16  }
0x8e: {  	[smem:$0x3FB8] =	sst s2  }
0x8f: {  	_ = 	snop  }
0x90: {  	(tm) =	ssettm $0x1  }
0x91: {  	s17 =	sld [smem:$0x3FFB];
	_ =	sdelay $0x3  }
0x92: {  	_ =	strace s17  }
0x93: {  	s2 =	sld [smem:$0x3FFC];
	_ =	sdelay $0x3  }
0x94: {  	_ =	strace s2  }
0x95: {  	s2 =	sld [smem:$0x3FFD];
	_ =	sdelay $0x3  }
0x96: {  	_ =	strace s2  }
0x97: {  	_ =	strace $0x8FFFFFFF  }
0x98: {  	s18 =	sld [smem:$0x3FDB];
	_ =	sdelay $0x1  }
0x99: {  	s19 =	simm.s32 $_scs_section_size  }
0x9a: {  	s4 =	simm.s32 $_size__tile_overlayer_lowered;
	s5 =	simm.s32 $_tile_overlayer_lowered  }
0x9b: {  	s22 =	simm.s32 $0x1BFF;
	s21 =	sshll.u32 s5, $0x1;
	s2 =	sadd.s32 s19, s18  }
0x9c: {  	s6 =	simm.s32 $0x0;
	s20 =	sshll.u32 s4, $0x1;
	s4 =	sadd.s32 s21, s2  }
0x9d: {  	[timem:s6], [sflag:s22] =	dma.local [hbm:s4], s20  }
0x9e: {  	_ =	swait.ge [sflag:s22], s20  }
0x9f: {  	s3 =	ssub.s32 $0x0, s20;
	[sflag:s22] =	ssyncset.done $0x0  }
0xa0: {  	[sflag:s22] =	ssyncadd.s32 s3;
	_ =	sdelay $0x1  }
0xa1: {  	s23 =	simm.s32 $0x1B8B  }
0xa2: {  	_ =	swait.ge [sflag:s23], $0x1  }
0xa3: {  	[sflag:s23] =	ssyncset.done $0x0  }
0xa4: {  	s25 =	simm.s32 $0x1B8E;
	s24 =	sld [smem:$0x3FFE];
	[sflag:s23] =	ssyncadd.s32 $0xFFFFFFFF  }
0xa5: {  	s26 =	simm.s32 $execute0_lowered;
	[smem:$0x3FD2] =	sst s25  }
0xa6: {  	s4 =	sshll.u32 s26, $0x1;
	_ =	strace $0x80000049;
	[dreg:$0x1] =	wrdreg $0xFFFFFFFF  }
0xa7: {  	s28 =	simm.s32 $_size_execute0_lowered;
	s2 =	sadd.s32 s2, s4;
	[dreg:$0x0] =	wrdreg $0x0  }
0xa8: {  	s4 =	sshll.u32 s28, $0x1;
	[dreg:$0x2] =	wrdreg s2  }
0xa9: {  	[dreg:$0x3] =	wrdreg s4  }
0xaa: {  	[dreg:$0x4] =	wrdreg $0xC0  }
0xab: {  	_ =	task [dreg:s6], $0x5FFFF  }
0xac: {  	[dreg:$0x1] =	wrdreg $0xFFFFFFFF  }
0xad: {  	[dreg:$0x0] =	wrdreg $0x60  }
0xae: {  	[dreg:$0x2] =	wrdreg s24  }
0xaf: {  	[dreg:$0x3] =	wrdreg $0x51400  }
0xb0: {  	[dreg:$0x4] =	wrdreg $0x9  }
0xb1: {  	_ =	task.clear_ibuf [dreg:s6], $0x5FFFF;
	_ =	strace $0x90000049  }
0xb2: {  	s29 =	simm.s32 $0x9;
	_ =	strace $0x8000004B  }
0xb3: {  	_ =	swait.ge [sflag:s29], $0x1  }
0xb4: {  	[sflag:s29] =	ssyncadd.s32 $0xFFFFFFFF  }
0xb5: {  	_ =	strace $0x9000004B  }
0xb6: {  	_ =	sfence  }
0xb7: {  	s30 =	sld [smem:$0x0];
	_ =	sdelay $0x2  }
0xb8: {  	s31 =	sshll.u32 s1, $0xD;
	s1 =	sshrl.u32 s1, $0x2  }
0xb9: {  	s3 =	sand.u32 $0x4000, s31;
	s1 =	sadd.s32 s1, s30  }
0xba: {  	s0 =	sor.u32 s3, s0;
	s1 =	sshll.u32 s1, $0x11  }
0xbb: {  	s0 =	sor.u32 s1, s0  }
0xbc: {  	s0 =	sadd.s32 $0x8F2B, s0  }
0xbd: {  	[sflag:s0] =	ssyncadd.remote.s32 $0x1  }
0xbe: {  	_ =	sfence.sel $0xFFFF  }
0xbf: {  	[dreg:$0x0] =	wrdreg $0xFFFFFFFF;
	(pc) =	sbr.abs _section_cstart, $3  }
0xc0: {  	[dreg:$0x1] =	wrdreg $0xFFFFFFFF  }
0xc1: {  	_ =	task.clear_ibuf [dreg:s6], $0x2FFFF;
	_ =	strace $0x9FFFFFFF  }
0xc2: {  	(tm) =	ssettm $0x7FFFFFFF  }
0xc3: {  	_ =	shalt  }
tec
execute0_lowered:
.L_overlay_start_1:
0x0: {  	(tag) =	ssettag $0x1  }
0x1: {  	s0 =	rddreg [dreg:$0x0]  }
0x2: {  	s1 =	rddreg [dreg:$0x1]  }
0x3: {  	s2 =	srdreg.scid;
	s12 =	stileid.u32  }
0x4: {  	s3 =	simm.s32 $0x0;
	s28 =	simm.s32 $0xF0;
	s7 =	smul.u32 $0x14000, s12  }
0x5: {  	s29 =	simm.s32 $0x2940;
	s30 =	simm.s32 $0x1;
	s11 =	smul.u32 $0x50000, s12  }
0x6: {  	s31 =	simm.s32 $0x2;
	s2 =	sand.u32 $0x1, s2;
	s24 =	smul.u32 $0x2710, s12  }
0x7: {  	[smem:$0x7FF] =	sst s3;
	s4 =	sadd.s32 $0x17200, s0;
	s5 =	smul.u32 $0x140000, s2  }
0x8: {  	_ =	strace $0x8000004A;
	s6 =	sshll.u32 s2, $0x4;
	s21 =	ssub.s32 $0x2, s2  }
0x9: {  	s2 =	smul.u32 $0x27100, s2;
	s6 =	sor.u32 s12, s6;
	s10 =	sshrl.u32 s21, $0x1  }
0xa: {  	s23 =	sshrl.u32 s11, $0x2;
	s8 =	sadd.s32 s7, s5;
	s9 =	smul.u32 $0x2710, s6  }
0xb: {  	s5 =	sadd.s32 $0x3600, s0;
	s6 =	sadd.s32 $0xD400, s0;
	s8 =	sshrl.u32 s8, $0x3  }
0xc: {  	s7 =	sadd.s32 s7, s1;
	s0 =	sadd.s32 s8, s0;
	s9 =	sshrl.u32 s9, $0x3  }
0xd: {  	s8 =	ssub.s32 s21, s10;
	s10 =	sadd.s32 s23, s1;
	s23 =	simm.s32 $0x3  }
0xe: {  	s22 =	sadd.s32 s5, s9;
	s9 =	sadd.s32 s6, s9;
	s0 =	sadd.s32 $0x3F200, s0  }
0xf: {  	s8 =	smax.u32 s8, $0x1;
	s25 =	sadd.s32 $0x2800, s10;
	[dreg:$0x3] =	wrdreg s22  }
0x10: {  	s13 =	sadd.s32 $0x5000, s10;
	s14 =	sadd.s32 $0x7800, s10;
	[dreg:$0x4] =	wrdreg s9  }
0x11: {  	s15 =	sadd.s32 $0xA000, s10;
	s16 =	sadd.s32 $0xC800, s10;
	[dreg:$0x5] =	wrdreg s0  }
0x12: {  	s17 =	sadd.s32 $0xF000, s10;
	s18 =	sadd.s32 $0x11800, s10;
	[dreg:$0x6] =	wrdreg s8  }
0x13: {  	[dreg:$0x7] =	wrdreg s25;
	s0 =	sadd.s32 s24, s2;
	s22 =	simm.s32 $0x140  }
0x14: {  	s24 =	simm.s32 $0xA0;
	s25 =	sshrl.u32 s7, $0x3;
	s2 =	sadd.s32 $0x50, s0  }
0x15: {  	s19 =	sadd.s32 $0xA0, s0;
	s0 =	simm.s32 $0x0;
	s26 =	sshrl.u32 s2, $0x3  }
0x16: {  	v0 =	vimm.f32 $0.0e+00;
	s20 =	sadd.s32 s26, s6;
	s21 =	sadd.s32 s26, s5;
	s26 =	simm.s32 $0x50  }
.LBB2_1:
0x17: {  	s2 =	sand.u32 $0xFE00, s3  }
0x18: {  	s7 =	sand.u32 $0x70, s3;
	s8 =	sshrl.u32 s2, $0x2  }
0x19: {  	s2 =	simm.s32 $0x40;
	s8 =	sor.u32 s7, s8;
	s7 =	simm.s32 $0x0  }
.LBB2_2:
0x1a: {  	p0 =	sne.s32 s2, $0x9FC0  }
0x1b: {  	[tilespmem:s8+$0x140] =	vst v0;
	s7 =	sadd.s32 $0x10, s7;
	s8 =	smov.u32 s2;
	s2 =	sadd.s32 $0x40, s2  }
.Ltmp0:
0x1c: {  	(pc) =	sbr.rel @p0 .LBB2_2-.Ltmp0, $4  }
0x1d: {  	_ = 	snop  }
0x1e: {  	s8 =	sand.u32 $0xFE00, s8  }
0x1f: {  	s9 =	sand.u32 $0x70, s7;
	s8 =	sshrl.u32 s8, $0x2  }
0x20: {  	s8 =	sor.u32 s9, s8  }
0x21: {  	[tilespmem:s8+$0x140] =	vst v0  }
0x22: {  	[spmem:s10] =	stream.linear.scatter [tilespmem:s22], [sflag:$0x3], $0x2800, $0x38;
	[tilespmem:$0x19140] =	vst v63  }
0x23: {  	_ =	swait.ge [sflag:s23], $0x2800  }
0x24: {  	[sflag:s23] =	ssyncset.done $0x0  }
0x25: {  	s2 =	rddreg [dreg:$0x7];
	[sflag:s23] =	ssyncadd.s32 $0xFFFFD800  }
0x26: {  	[spmem:s2] =	stream.linear.scatter [tilespmem:s22], [sflag:$0x3], $0x2800, $0x38;
	[tilespmem:$0x19140] =	vst v63  }
0x27: {  	_ =	swait.ge [sflag:s23], $0x2800  }
0x28: {  	[sflag:s23] =	ssyncset.done $0x0  }
0x29: {  	[sflag:s23] =	ssyncadd.s32 $0xFFFFD800  }
0x2a: {  	[spmem:s13] =	stream.linear.scatter [tilespmem:s22], [sflag:$0x3], $0x2800, $0x38;
	[tilespmem:$0x19140] =	vst v63  }
0x2b: {  	_ =	swait.ge [sflag:s23], $0x2800  }
0x2c: {  	[sflag:s23] =	ssyncset.done $0x0  }
0x2d: {  	[sflag:s23] =	ssyncadd.s32 $0xFFFFD800  }
0x2e: {  	[spmem:s14] =	stream.linear.scatter [tilespmem:s22], [sflag:$0x3], $0x2800, $0x38;
	[tilespmem:$0x19140] =	vst v63  }
0x2f: {  	_ =	swait.ge [sflag:s23], $0x2800  }
0x30: {  	[sflag:s23] =	ssyncset.done $0x0  }
0x31: {  	[sflag:s23] =	ssyncadd.s32 $0xFFFFD800  }
0x32: {  	[spmem:s15] =	stream.linear.scatter [tilespmem:s22], [sflag:$0x3], $0x2800, $0x38;
	[tilespmem:$0x19140] =	vst v63  }
0x33: {  	_ =	swait.ge [sflag:s23], $0x2800  }
0x34: {  	[sflag:s23] =	ssyncset.done $0x0  }
0x35: {  	[sflag:s23] =	ssyncadd.s32 $0xFFFFD800  }
0x36: {  	[spmem:s16] =	stream.linear.scatter [tilespmem:s22], [sflag:$0x3], $0x2800, $0x38;
	[tilespmem:$0x19140] =	vst v63  }
0x37: {  	_ =	swait.ge [sflag:s23], $0x2800  }
0x38: {  	[sflag:s23] =	ssyncset.done $0x0  }
0x39: {  	[sflag:s23] =	ssyncadd.s32 $0xFFFFD800  }
0x3a: {  	[spmem:s17] =	stream.linear.scatter [tilespmem:s22], [sflag:$0x3], $0x2800, $0x38;
	[tilespmem:$0x19140] =	vst v63  }
0x3b: {  	_ =	swait.ge [sflag:s23], $0x2800  }
0x3c: {  	[sflag:s23] =	ssyncset.done $0x0  }
0x3d: {  	[sflag:s23] =	ssyncadd.s32 $0xFFFFD800  }
0x3e: {  	[spmem:s18] =	stream.linear.scatter [tilespmem:s22], [sflag:$0x3], $0x2800, $0x38;
	[tilespmem:$0x19140] =	vst v63  }
0x3f: {  	_ =	swait.ge [sflag:s23], $0x2800  }
0x40: {  	[sflag:s23] =	ssyncset.done $0x0  }
0x41: {  	[sflag:s23] =	ssyncadd.s32 $0xFFFFD800  }
0x42: {  	[bflag:$0x0] =	sbarrier.arrive $0xFFFF  }
0x43: {  	s11 =	simm.s32 $0x0;
	s7 =	rddreg [dreg:$0x3]  }
0x44: {  	[tilespmem:s11], [sflag:$0x3] =	stream.linear.gather [hbm4b:s7+s11], $0x50, $0x38;
	[tilespmem:$0x19140] =	vst v63  }
0x45: {  	_ =	swait.ge [sflag:s23], $0x50  }
0x46: {  	[sflag:s23] =	ssyncset.done $0x0  }
0x47: {  	s12 =	rddreg [dreg:$0x4];
	[sflag:s23] =	ssyncadd.s32 $0xFFFFFFB0  }
0x48: {  	[tilespmem:s24], [sflag:$0x3] =	stream.linear.gather [hbm4b:s12+s11], $0x50, $0x38;
	[tilespmem:$0x19140] =	vst v63  }
0x49: {  	_ =	swait.ge [sflag:s23], $0x50  }
0x4a: {  	[sflag:s23] =	ssyncset.done $0x0  }
0x4b: {  	[sflag:s23] =	ssyncadd.s32 $0xFFFFFFB0  }
0x4c: {  	[tilespmem:s22], [sflag:$0x1] =	stream.indirect.gather [hbm4b:s4+s26], $0x80, s11, s26, $0xb8;
	[tilespmem:$0x19140] =	vst v63  }
0x4d: {  	s8 =	sadd.s32 $0x0, s21  }
0x4e: {  	[tilespmem:s26], [sflag:$0x3] =	stream.linear.gather [hbm4b:s8+s3], $0x50, $0x38;
	[tilespmem:$0x19140] =	vst v63  }
0x4f: {  	_ =	swait.ge [sflag:s23], $0x50  }
0x50: {  	[sflag:s23] =	ssyncset.done $0x0  }
0x51: {  	s9 =	sadd.s32 $0x0, s20;
	[sflag:s23] =	ssyncadd.s32 $0xFFFFFFB0  }
0x52: {  	[tilespmem:s28], [sflag:$0x3] =	stream.linear.gather [hbm4b:s9+s3], $0x50, $0x38;
	[tilespmem:$0x19140] =	vst v63  }
0x53: {  	_ =	swait.ge [sflag:s23], $0x50  }
0x54: {  	[sflag:s23] =	ssyncset.done $0x0  }
0x55: {  	[sflag:s23] =	ssyncadd.s32 $0xFFFFFFB0  }
0x56: {  	[tilespmem:s29], [sflag:$0x2] =	stream.indirect.gather [hbm4b:s4+s26], $0x80, s26, s26, $0xb8;
	[tilespmem:$0x19140] =	vst v63  }
0x57: {  	_ =	swait.ge [sflag:s30], $0x2800  }
0x58: {  	[sflag:s30] =	ssyncset.done $0x0  }
0x59: {  	[sflag:s30] =	ssyncadd.s32 $0xFFFFD800  }
0x5a: {  	[spmem:s1] =	stream.indirect.scatter.add.f32 [tilespmem:s22], [sflag:$0x3], $0x80, s24, s26, $0xb8;
	[tilespmem:$0x19140] =	vst v63  }
0x5b: {  	_ =	swait.ge [sflag:s23], $0x2800  }
0x5c: {  	s11 =	sshrl.u32 s19, $0x3;
	[sflag:s23] =	ssyncset.done $0x0  }
0x5d: {  	s12 =	sadd.s32 s5, s11;
	[sflag:s23] =	ssyncadd.s32 $0xFFFFD800  }
0x5e: {  	[tilespmem:s3], [sflag:$0x3] =	stream.linear.gather [hbm4b:s12+s3], $0x50, $0x38;
	[tilespmem:$0x19140] =	vst v63  }
0x5f: {  	_ =	swait.ge [sflag:s23], $0x50  }
0x60: {  	[sflag:s23] =	ssyncset.done $0x0  }
0x61: {  	s2 =	sadd.s32 s6, s11;
	[sflag:s23] =	ssyncadd.s32 $0xFFFFFFB0  }
0x62: {  	[tilespmem:s24], [sflag:$0x3] =	stream.linear.gather [hbm4b:s2+s3], $0x50, $0x38;
	[tilespmem:$0x19140] =	vst v63  }
0x63: {  	_ =	swait.ge [sflag:s23], $0x50  }
0x64: {  	[sflag:s23] =	ssyncset.done $0x0  }
0x65: {  	[sflag:s23] =	ssyncadd.s32 $0xFFFFFFB0  }
0x66: {  	[tilespmem:s22], [sflag:$0x1] =	stream.indirect.gather [hbm4b:s4+s26], $0x80, s3, s26, $0xb8;
	[tilespmem:$0x19140] =	vst v63  }
0x67: {  	_ =	swait.ge [sflag:s31], $0x2800  }
0x68: {  	[sflag:s31] =	ssyncset.done $0x0  }
0x69: {  	[sflag:s31] =	ssyncadd.s32 $0xFFFFD800  }
0x6a: {  	[spmem:s1] =	stream.indirect.scatter.add.f32 [tilespmem:s29], [sflag:$0x3], $0x80, s28, s26, $0xb8;
	[tilespmem:$0x19140] =	vst v63  }
0x6b: {  	s7 =	simm.s32 $0x14;
	_ =	swait.ge [sflag:s23], $0x2800  }
0x6c: {  	s8 =	simm.s32 $0x28;
	s2 =	sadd.s32 $0xA0, s19;
	[sflag:s23] =	ssyncset.done $0x0  }
.LBB2_4:
0x6d: {  	s11 =	sadd.s32 s7, s21  }
0x6e: {  	[sflag:s23] =	ssyncadd.s32 $0xFFFFD800;
	s12 =	smov.u32 s8;
	s9 =	sadd.s32 $0x14, s8  }
0x6f: {  	[tilespmem:s26], [sflag:$0x3] =	stream.linear.gather [hbm4b:s11+s3], $0x50, $0x38;
	[tilespmem:$0x19140] =	vst v63  }
0x70: {  	p0 =	sne.s32 s8, $0x4C4;
	_ =	swait.ge [sflag:s23], $0x50  }
0x71: {  	[sflag:s23] =	ssyncset.done $0x0  }
0x72: {  	s8 =	sadd.s32 s7, s20;
	s7 =	smov.u32 s12;
	[sflag:s23] =	ssyncadd.s32 $0xFFFFFFB0  }
0x73: {  	[tilespmem:s28], [sflag:$0x3] =	stream.linear.gather [hbm4b:s8+s3], $0x50, $0x38;
	[tilespmem:$0x19140] =	vst v63  }
0x74: {  	_ =	swait.ge [sflag:s23], $0x50  }
0x75: {  	[sflag:s23] =	ssyncset.done $0x0  }
0x76: {  	[sflag:s23] =	ssyncadd.s32 $0xFFFFFFB0  }
0x77: {  	[tilespmem:s29], [sflag:$0x2] =	stream.indirect.gather [hbm4b:s4+s26], $0x80, s26, s26, $0xb8;
	[tilespmem:$0x19140] =	vst v63  }
0x78: {  	_ =	swait.ge [sflag:s30], $0x2800  }
0x79: {  	[sflag:s30] =	ssyncset.done $0x0  }
0x7a: {  	[sflag:s30] =	ssyncadd.s32 $0xFFFFD800  }
0x7b: {  	[spmem:s1] =	stream.indirect.scatter.add.f32 [tilespmem:s22], [sflag:$0x3], $0x80, s24, s26, $0xb8;
	[tilespmem:$0x19140] =	vst v63  }
0x7c: {  	_ =	swait.ge [sflag:s23], $0x2800  }
0x7d: {  	s8 =	sshrl.u32 s2, $0x3;
	[sflag:s23] =	ssyncset.done $0x0  }
0x7e: {  	s11 =	sadd.s32 s5, s8;
	[sflag:s23] =	ssyncadd.s32 $0xFFFFD800  }
0x7f: {  	[tilespmem:s3], [sflag:$0x3] =	stream.linear.gather [hbm4b:s11+s3], $0x50, $0x38;
	[tilespmem:$0x19140] =	vst v63  }
0x80: {  	_ =	swait.ge [sflag:s23], $0x50  }
0x81: {  	[sflag:s23] =	ssyncset.done $0x0  }
0x82: {  	s8 =	sadd.s32 s6, s8;
	[sflag:s23] =	ssyncadd.s32 $0xFFFFFFB0  }
0x83: {  	[tilespmem:s24], [sflag:$0x3] =	stream.linear.gather [hbm4b:s8+s3], $0x50, $0x38;
	[tilespmem:$0x19140] =	vst v63  }
0x84: {  	_ =	swait.ge [sflag:s23], $0x50  }
0x85: {  	[sflag:s23] =	ssyncset.done $0x0  }
0x86: {  	[sflag:s23] =	ssyncadd.s32 $0xFFFFFFB0  }
0x87: {  	[tilespmem:s22], [sflag:$0x1] =	stream.indirect.gather [hbm4b:s4+s26], $0x80, s3, s26, $0xb8;
	[tilespmem:$0x19140] =	vst v63  }
0x88: {  	_ =	swait.ge [sflag:s31], $0x2800  }
.Ltmp1:
0x89: {  	[sflag:s31] =	ssyncset.done $0x0;
	(pc) =	sbr.rel @p0 .LBB2_4-.Ltmp1, $4  }
0x8a: {  	[sflag:s31] =	ssyncadd.s32 $0xFFFFD800  }
0x8b: {  	[spmem:s1] =	stream.indirect.scatter.add.f32 [tilespmem:s29], [sflag:$0x3], $0x80, s28, s26, $0xb8;
	[tilespmem:$0x19140] =	vst v63  }
0x8c: {  	_ =	swait.ge [sflag:s23], $0x2800  }
0x8d: {  	s2 =	sadd.s32 $0xA0, s2;
	s8 =	smov.u32 s9;
	[sflag:s23] =	ssyncset.done $0x0  }
0x8e: {  	s8 =	sadd.s32 s7, s21;
	[sflag:s23] =	ssyncadd.s32 $0xFFFFD800  }
0x8f: {  	[tilespmem:s26], [sflag:$0x3] =	stream.linear.gather [hbm4b:s8+s3], $0x50, $0x38;
	[tilespmem:$0x19140] =	vst v63  }
0x90: {  	_ =	swait.ge [sflag:s23], $0x50  }
0x91: {  	[sflag:s23] =	ssyncset.done $0x0  }
0x92: {  	s12 =	sadd.s32 s7, s20;
	[sflag:s23] =	ssyncadd.s32 $0xFFFFFFB0  }
0x93: {  	[tilespmem:s28], [sflag:$0x3] =	stream.linear.gather [hbm4b:s12+s3], $0x50, $0x38;
	[tilespmem:$0x19140] =	vst v63  }
0x94: {  	_ =	swait.ge [sflag:s23], $0x50  }
0x95: {  	[sflag:s23] =	ssyncset.done $0x0  }
0x96: {  	[sflag:s23] =	ssyncadd.s32 $0xFFFFFFB0  }
0x97: {  	[tilespmem:s29], [sflag:$0x2] =	stream.indirect.gather [hbm4b:s4+s26], $0x80, s26, s26, $0xb8;
	[tilespmem:$0x19140] =	vst v63  }
0x98: {  	_ =	swait.ge [sflag:s30], $0x2800  }
0x99: {  	[sflag:s30] =	ssyncset.done $0x0  }
0x9a: {  	[sflag:s30] =	ssyncadd.s32 $0xFFFFD800  }
0x9b: {  	[spmem:s1] =	stream.indirect.scatter.add.f32 [tilespmem:s22], [sflag:$0x3], $0x80, s24, s26, $0xb8;
	[tilespmem:$0x19140] =	vst v63  }
0x9c: {  	_ =	swait.ge [sflag:s23], $0x2800  }
0x9d: {  	s2 =	sshrl.u32 s2, $0x3;
	[sflag:s23] =	ssyncset.done $0x0  }
0x9e: {  	s8 =	sadd.s32 s5, s2;
	[sflag:s23] =	ssyncadd.s32 $0xFFFFD800  }
0x9f: {  	[tilespmem:s3], [sflag:$0x3] =	stream.linear.gather [hbm4b:s8+s3], $0x50, $0x38;
	[tilespmem:$0x19140] =	vst v63  }
0xa0: {  	_ =	swait.ge [sflag:s23], $0x50  }
0xa1: {  	[sflag:s23] =	ssyncset.done $0x0  }
0xa2: {  	s2 =	sadd.s32 s6, s2;
	[sflag:s23] =	ssyncadd.s32 $0xFFFFFFB0  }
0xa3: {  	[tilespmem:s24], [sflag:$0x3] =	stream.linear.gather [hbm4b:s2+s3], $0x50, $0x38;
	[tilespmem:$0x19140] =	vst v63  }
0xa4: {  	_ =	swait.ge [sflag:s23], $0x50  }
0xa5: {  	[sflag:s23] =	ssyncset.done $0x0  }
0xa6: {  	[sflag:s23] =	ssyncadd.s32 $0xFFFFFFB0  }
0xa7: {  	[tilespmem:s22], [sflag:$0x1] =	stream.indirect.gather [hbm4b:s4+s26], $0x80, s3, s26, $0xb8;
	[tilespmem:$0x19140] =	vst v63  }
0xa8: {  	_ =	swait.ge [sflag:s31], $0x2800  }
0xa9: {  	[sflag:s31] =	ssyncset.done $0x0  }
0xaa: {  	[sflag:s31] =	ssyncadd.s32 $0xFFFFD800  }
0xab: {  	[spmem:s1] =	stream.indirect.scatter.add.f32 [tilespmem:s29], [sflag:$0x3], $0x80, s28, s26, $0xb8;
	[tilespmem:$0x19140] =	vst v63  }
0xac: {  	_ =	swait.ge [sflag:s23], $0x2800  }
0xad: {  	[sflag:s23] =	ssyncset.done $0x0  }
0xae: {  	[sflag:s23] =	ssyncadd.s32 $0xFFFFD800  }
0xaf: {  	_ =	swait.ge [sflag:s30], $0x2800  }
0xb0: {  	[sflag:s30] =	ssyncset.done $0x0  }
0xb1: {  	[sflag:s30] =	ssyncadd.s32 $0xFFFFD800  }
0xb2: {  	[spmem:s1] =	stream.indirect.scatter.add.f32 [tilespmem:s22], [sflag:$0x3], $0x80, s24, s26, $0xb8;
	[tilespmem:$0x19140] =	vst v63  }
0xb3: {  	_ =	swait.ge [sflag:s23], $0x2800  }
0xb4: {  	[sflag:s23] =	ssyncset.done $0x0  }
0xb5: {  	s9 =	stileid.u32;
	[sflag:s23] =	ssyncadd.s32 $0xFFFFD800  }
0xb6: {  	s2 =	sshll.u32 s9, $0x6;
	[bflag:$0x0] =	sbarrier.arrive $0xFFFF  }
0xb7: {  	s2 =	sor.u32 $0x1C03, s2;
	s11 =	rddreg [dreg:$0x5]  }
0xb8: {  	[hbm:s11], [sflag:s2] =	dma.local [spmem:s25], $0x2800  }
0xb9: {  	_ =	swait.ge [sflag:s23], $0x2800  }
0xba: {  	s0 =	sadd.s32 $0x1, s0;
	s12 =	rddreg [dreg:$0x6]  }
0xbb: {  	p0 =	sne.s32 s0, s12  }
.Ltmp2:
0xbc: {  	_ = 	snop;
	(pc) =	sbr.rel @p0 .LBB2_1-.Ltmp2, $3  }
0xbd: {  	_ =	sdelay $0x1  }
0xbe: {  	[sflag:s23] =	ssyncset.done $0x0  }
0xbf: {  	[sflag:s23] =	ssyncadd.s32 $0xFFFFD800  }
0xc0: {  	_ =	sfence.sel $0x180000  }
0xc1: {  	[bflag:$0x0] =	sbarrier.arrive $0xFFFF  }
0xc2: {  	_ =	strace $0x9000004A  }
0xc3: {  	s0 =	stileid.u32;
	[bflag:$0x2] =	sbarrier.arrive $0xFFFF  }
0xc4: {  	p0 =	sne.s32 s0, $0x0;
	s0 =	rddreg [dreg:$0x2]  }
0xc5: {  	s0 =	sadd.s32 @!p0 $0x100000, s0  }
0xc6: {  	[sflag:s0] =	ssyncadd.tile.s32 @!p0 $0x1;
	_ =	shalt  }
.Lfunc_end2:
_tile_overlayer_lowered:
.L_overlay_start_2:
0xc7: {  	(tag) =	ssettag $0x2  }
0xc8: {  	s0 =	rddreg [dreg:$0x0];
	s2 =	stileid.u32  }
0xc9: {  	s1 =	rddreg [dreg:$0x1];
	p0 =	sne.s32 s2, $0x0  }
0xca: {  	s3 =	rddreg [dreg:$0x2];
	[bflag:$0x3] =	sbarrier.arrive $0xFFFF;
	s2 =	simm.s32 @!p0 $0x1C03  }
0xcb: {  	[timem:s3], [sflag:s2] =	dma.local @!p0 [hbm:s0], s1  }
0xcc: {  	s0 =	simm.s32 @!p0 $0x3  }
0xcd: {  	_ =	swait.ge @!p0 [sflag:s0], s1  }
0xce: {  	s1 =	ssub.s32 @!p0 $0x0, s1;
	[sflag:s0] =	ssyncset.done @!p0 $0x0  }
0xcf: {  	[sflag:s0] =	ssyncadd.s32 @!p0 s1  }
0xd0: {  	[bflag:$0x3] =	sbarrier.arrive $0xFFFF  }
0xd1: {  	_ =	shalt  }

// kernel: kernel.16.cloned.1.call-start
scs
__scs_entry_jumppad:
0x0: {  	(pc) =	sbr.rel $0x88, $3  }
0x1: {  	(tag) =	ssettag $0x0;
	lr =	simm.s32 $0x1  }
0x2: {  	[smem:$0x3F91] =	sst lr;
	_ =	strace $0xD0000000  }
0x3: {  	_ = 	snop  }
0x4: {  	_ = 	snop  }
0x5: {  	_ = 	snop  }
0x6: {  	_ = 	snop  }
0x7: {  	_ = 	snop  }
__scs_overlays_trampoline_lowered:
0x8: {  	[smem:$0x3FA0] =	sst s0  }
0x9: {  	[smem:$0x3FA1] =	sst s1  }
0xa: {  	[smem:$0x3FA2] =	sst s2  }
0xb: {  	[smem:$0x3FA3] =	sst s3  }
0xc: {  	[smem:$0x3FA4] =	sst s4  }
0xd: {  	[smem:$0x3FA5] =	sst s5  }
0xe: {  	[smem:$0x3FA6] =	sst s6  }
0xf: {  	[smem:$0x3FA7] =	sst s7  }
0x10: {  	[smem:$0x3FA8] =	sst s8  }
0x11: {  	[smem:$0x3FA9] =	sst s9;
	s0 =	simm.s32 @!p0 $0x0  }
0x12: {  	s1 =	sld [smem:$0x3F8F];
	s0 =	simm.s32 @p0 $0x1  }
0x13: {  	[smem:$0x3FAA] =	sst s0;
	s0 =	simm.s32 @!p1 $0x0  }
0x14: {  	s2 =	sld [smem:$0x3F8E];
	s0 =	simm.s32 @p1 $0x1  }
0x15: {  	[smem:$0x3FAB] =	sst s0;
	s0 =	simm.s32 @!p2 $0x0  }
0x16: {  	s3 =	sld [smem:$0x3FDB];
	s0 =	simm.s32 @p2 $0x1  }
0x17: {  	s4 =	simm.s32 $0x1BF5;
	[smem:$0x3FAD] =	sst s0  }
0x18: {  	s0 =	sld [smem:$0x3F90];
	_ =	swait.ge [sflag:s4], $0x0  }
0x19: {  	s7 =	sld [smem:$0x3F91]  }
0x1a: {  	s8 =	sadd.s32 $0xFFFFE003, lr  }
0x1b: {  	s9 =	sadd.s32 $0xFFFFFEF7, lr;
	s5 =	simm.s32 $0xFFFFFFFF;
	p2 =	slt.u32 s8, $0xFFFFF086  }
0x1c: {  	p1 =	slt.u32 s9, $0xF7A;
	s5 =	simm.s32 @!p2 $0x0  }
0x1d: {  	s5 =	simm.s32 @p1 $0x1;
	p0 =	seq.s32 s7, s2  }
0x1e: {  	s7 =	smul.u32 @!p0 $0xF7A, s2;
	p2 =	seq.s32 @!p0 s5, $0x0  }
0x1f: {  	s9 =	smul.u32 $0xF7A, s1;
	s8 =	simm.s32 @!p0 $0x1BF5;
	p2 =	por !p2, p0  }
0x20: {  	[sflag:s8] =	ssyncset.s32 @!p0 $0xFFFFF086;
	s6 =	sadd.s32 @!p0 s3, s7;
	s7 =	simm.s32 @!p0 $0x108  }
0x21: {  	s3 =	sadd.s32 s3, s9;
	s6 =	sadd.s32 @!p0 $0x88, s6;
	s7 =	simm.s32 @p2 $0x1082  }
0x22: {  	[simem:s7], [sflag:s8] =	dma.local @!p0 [hbm:s6], $0xF7A  }
0x23: {  	s9 =	sor.u32 $0xD0000000, s2;
	s6 =	simm.s32 $0x108;
	_ =	swait.ge @!p0 [sflag:s8], $0x0  }
0x24: {  	s3 =	sadd.s32 $0x88, s3;
	s6 =	simm.s32 @!p1 $0x1082;
	[sflag:s4] =	ssyncset.s32 $0xFFFFF086  }
0x25: {  	[simem:s6], [sflag:s4] =	dma.local [hbm:s3], $0xF7A  }
0x26: {  	[smem:$0x3F91] =	sst s1;
	(tag) =	ssettag s2;
	_ =	strace s9  }
0x27: {  	s1 =	sld [smem:$0x3FA1]  }
0x28: {  	s2 =	sld [smem:$0x3FA2]  }
0x29: {  	s4 =	sld [smem:$0x3FA4]  }
0x2a: {  	p0 =	seq.s32 s5, $0x0;
	s5 =	sld [smem:$0x3FA5]  }
0x2b: {  	s6 =	sld [smem:$0x3FA6]  }
0x2c: {  	s7 =	sld [smem:$0x3FA7]  }
0x2d: {  	s3 =	simm.s32 $0x108;
	s8 =	sld [smem:$0x3FA8]  }
0x2e: {  	s3 =	simm.s32 @!p0 $0x1082;
	s9 =	sld [smem:$0x3FA9]  }
0x2f: {  	lr =	sadd.s32 s0, s3;
	s0 =	sld [smem:$0x3FA0]  }
0x30: {  	s3 =	sld [smem:$0x3FA3]  }
0x31: {  	[smem:$0x3FAC] =	sst s10  }
0x32: {  	s10 =	sld [smem:$0x3FAA];
	_ =	sdelay $0x3  }
0x33: {  	p0 =	seq.s32 s10, $0x1;
	s10 =	sld [smem:$0x3FAC];
	_ =	sdelay $0x3  }
0x34: {  	[smem:$0x3FAC] =	sst s10  }
0x35: {  	s10 =	sld [smem:$0x3FAB];
	_ =	sdelay $0x3  }
0x36: {  	p1 =	seq.s32 s10, $0x1;
	s10 =	sld [smem:$0x3FAC];
	_ =	sdelay $0x3  }
0x37: {  	[smem:$0x3FAC] =	sst s10  }
0x38: {  	s10 =	sld [smem:$0x3FAD]  }
0x39: {  	_ = 	snop;
	(pc) =	sbr.ind lr, $3  }
0x3a: {  	_ = 	snop  }
0x3b: {  	_ = 	snop  }
0x3c: {  	p2 =	seq.s32 s10, $0x1;
	s10 =	sld [smem:$0x3FAC]  }
0x3d: {  	_ =	shalt  }
0x3e: {  	_ =	shalt  }
0x3f: {  	_ =	shalt  }
0x40: {  	_ =	shalt  }
0x41: {  	_ =	shalt  }
0x42: {  	_ =	shalt  }
0x43: {  	_ =	shalt  }
0x44: {  	_ =	shalt  }
0x45: {  	_ =	shalt  }
0x46: {  	_ =	shalt  }
0x47: {  	_ =	shalt  }
0x48: {  	_ =	shalt  }
0x49: {  	_ =	shalt  }
0x4a: {  	_ =	shalt  }
0x4b: {  	_ =	shalt  }
0x4c: {  	_ =	shalt  }
0x4d: {  	_ =	shalt  }
0x4e: {  	_ =	shalt  }
0x4f: {  	_ =	shalt  }
0x50: {  	_ =	shalt  }
0x51: {  	_ =	shalt  }
0x52: {  	_ =	shalt  }
0x53: {  	_ =	shalt  }
0x54: {  	_ =	shalt  }
0x55: {  	_ =	shalt  }
0x56: {  	_ =	shalt  }
0x57: {  	_ =	shalt  }
0x58: {  	_ =	shalt  }
0x59: {  	_ =	shalt  }
0x5a: {  	_ =	shalt  }
0x5b: {  	_ =	shalt  }
0x5c: {  	_ =	shalt  }
0x5d: {  	_ =	shalt  }
0x5e: {  	_ =	shalt  }
0x5f: {  	_ =	shalt  }
0x60: {  	_ =	shalt  }
0x61: {  	_ =	shalt  }
0x62: {  	_ =	shalt  }
0x63: {  	_ =	shalt  }
0x64: {  	_ =	shalt  }
0x65: {  	_ =	shalt  }
0x66: {  	_ =	shalt  }
0x67: {  	_ =	shalt  }
0x68: {  	_ =	shalt  }
0x69: {  	_ =	shalt  }
0x6a: {  	_ =	shalt  }
0x6b: {  	_ =	shalt  }
0x6c: {  	_ =	shalt  }
0x6d: {  	_ =	shalt  }
0x6e: {  	_ =	shalt  }
0x6f: {  	_ =	shalt  }
0x70: {  	_ =	shalt  }
0x71: {  	_ =	shalt  }
0x72: {  	_ =	shalt  }
0x73: {  	_ =	shalt  }
0x74: {  	_ =	shalt  }
0x75: {  	_ =	shalt  }
0x76: {  	_ =	shalt  }
0x77: {  	_ =	shalt  }
0x78: {  	_ =	shalt  }
0x79: {  	_ =	shalt  }
0x7a: {  	_ =	shalt  }
0x7b: {  	_ =	shalt  }
0x7c: {  	_ =	shalt  }
0x7d: {  	_ =	shalt  }
0x7e: {  	_ =	shalt  }
0x7f: {  	_ =	shalt  }
0x80: {  	_ =	shalt  }
0x81: {  	_ =	shalt  }
0x82: {  	_ =	shalt  }
0x83: {  	_ =	shalt  }
0x84: {  	_ =	shalt  }
0x85: {  	_ =	shalt  }
0x86: {  	_ =	shalt  }
0x87: {  	_ =	shalt  }
.Lfunc_end0:
.L_simem_size_0:
called_computation.2_lowered:
.L_overlay_start_0:
0x88: {  	s2 =	sld [smem:$0x3FD9]  }
0x89: {  	s3 =	sld [smem:$0x3FFE];
	_ =	sdelay $0x1  }
0x8a: {  	s1 =	srdreg.scid  }
0x8b: {  	s0 =	sand.u32 $0x1, s1  }
0x8c: {  	s16 =	sshll.u32 s0, $0xA;
	s2 =	sadd.s32 s3, s2  }
0x8d: {  	s2 =	sadd.s32 s2, s16  }
0x8e: {  	[smem:$0x3FB8] =	sst s2  }
0x8f: {  	_ = 	snop  }
0x90: {  	(tm) =	ssettm $0x1  }
0x91: {  	s17 =	sld [smem:$0x3FFB];
	_ =	sdelay $0x3  }
0x92: {  	_ =	strace s17  }
0x93: {  	s2 =	sld [smem:$0x3FFC];
	_ =	sdelay $0x3  }
0x94: {  	_ =	strace s2  }
0x95: {  	s2 =	sld [smem:$0x3FFD];
	_ =	sdelay $0x3  }
0x96: {  	_ =	strace s2  }
0x97: {  	_ =	strace $0x8FFFFFFF  }
0x98: {  	s18 =	sld [smem:$0x3FDB];
	_ =	sdelay $0x1  }
0x99: {  	s19 =	simm.s32 $_scs_section_size  }
0x9a: {  	s4 =	simm.s32 $_size__tile_overlayer_lowered;
	s5 =	simm.s32 $_tile_overlayer_lowered  }
0x9b: {  	s22 =	simm.s32 $0x1BFF;
	s21 =	sshll.u32 s5, $0x1;
	s2 =	sadd.s32 s19, s18  }
0x9c: {  	s6 =	simm.s32 $0x0;
	s20 =	sshll.u32 s4, $0x1;
	s4 =	sadd.s32 s21, s2  }
0x9d: {  	[timem:s6], [sflag:s22] =	dma.local [hbm:s4], s20  }
0x9e: {  	_ =	swait.ge [sflag:s22], s20  }
0x9f: {  	s3 =	ssub.s32 $0x0, s20;
	[sflag:s22] =	ssyncset.done $0x0  }
0xa0: {  	[sflag:s22] =	ssyncadd.s32 s3;
	_ =	sdelay $0x1  }
0xa1: {  	s23 =	simm.s32 $0x1B8B  }
0xa2: {  	_ =	swait.ge [sflag:s23], $0x1  }
0xa3: {  	[sflag:s23] =	ssyncset.done $0x0  }
0xa4: {  	s25 =	simm.s32 $0x1B8E;
	s24 =	sld [smem:$0x3FFE];
	[sflag:s23] =	ssyncadd.s32 $0xFFFFFFFF  }
0xa5: {  	s26 =	simm.s32 $execute0_lowered;
	[smem:$0x3FD2] =	sst s25  }
0xa6: {  	s4 =	sshll.u32 s26, $0x1;
	_ =	strace $0x8000004C;
	[dreg:$0x1] =	wrdreg $0xFFFFFFFF  }
0xa7: {  	s28 =	simm.s32 $_size_execute0_lowered;
	s2 =	sadd.s32 s2, s4;
	[dreg:$0x0] =	wrdreg $0x0  }
0xa8: {  	s4 =	sshll.u32 s28, $0x1;
	[dreg:$0x2] =	wrdreg s2  }
0xa9: {  	[dreg:$0x3] =	wrdreg s4  }
0xaa: {  	[dreg:$0x4] =	wrdreg $0xC0  }
0xab: {  	_ =	task [dreg:s6], $0x5FFFF  }
0xac: {  	[dreg:$0x1] =	wrdreg $0xFFFFFFFF  }
0xad: {  	[dreg:$0x0] =	wrdreg $0x60  }
0xae: {  	[dreg:$0x2] =	wrdreg s24  }
0xaf: {  	[dreg:$0x3] =	wrdreg $0x51400  }
0xb0: {  	[dreg:$0x4] =	wrdreg $0x9  }
0xb1: {  	_ =	task.clear_ibuf [dreg:s6], $0x5FFFF;
	_ =	strace $0x9000004C  }
0xb2: {  	s29 =	simm.s32 $0x9;
	_ =	strace $0x8000004E  }
0xb3: {  	_ =	swait.ge [sflag:s29], $0x1  }
0xb4: {  	[sflag:s29] =	ssyncadd.s32 $0xFFFFFFFF  }
0xb5: {  	_ =	strace $0x9000004E  }
0xb6: {  	_ =	sfence  }
0xb7: {  	s30 =	sld [smem:$0x0];
	_ =	sdelay $0x2  }
0xb8: {  	s31 =	sshll.u32 s1, $0xD;
	s1 =	sshrl.u32 s1, $0x2  }
0xb9: {  	s3 =	sand.u32 $0x4000, s31;
	s1 =	sadd.s32 s1, s30  }
0xba: {  	s0 =	sor.u32 s3, s0;
	s1 =	sshll.u32 s1, $0x11  }
0xbb: {  	s0 =	sor.u32 s1, s0  }
0xbc: {  	s0 =	sadd.s32 $0x8F2B, s0  }
0xbd: {  	[sflag:s0] =	ssyncadd.remote.s32 $0x1  }
0xbe: {  	_ =	sfence.sel $0xFFFF  }
0xbf: {  	[dreg:$0x0] =	wrdreg $0xFFFFFFFF;
	(pc) =	sbr.abs _section_cstart, $3  }
0xc0: {  	[dreg:$0x1] =	wrdreg $0xFFFFFFFF  }
0xc1: {  	_ =	task.clear_ibuf [dreg:s6], $0x2FFFF;
	_ =	strace $0x9FFFFFFF  }
0xc2: {  	(tm) =	ssettm $0x7FFFFFFF  }
0xc3: {  	_ =	shalt  }
tec
execute0_lowered:
.L_overlay_start_1:
0x0: {  	(tag) =	ssettag $0x1  }
0x1: {  	s0 =	rddreg [dreg:$0x0]  }
0x2: {  	s1 =	rddreg [dreg:$0x1]  }
0x3: {  	s2 =	srdreg.scid;
	s12 =	stileid.u32  }
0x4: {  	s3 =	simm.s32 $0x0;
	s28 =	simm.s32 $0xF0;
	s7 =	smul.u32 $0x14000, s12  }
0x5: {  	s29 =	simm.s32 $0x2940;
	s30 =	simm.s32 $0x1;
	s11 =	smul.u32 $0x50000, s12  }
0x6: {  	s31 =	simm.s32 $0x2;
	s2 =	sand.u32 $0x1, s2;
	s24 =	smul.u32 $0x2710, s12  }
0x7: {  	[smem:$0x7FF] =	sst s3;
	s4 =	sadd.s32 $0x17200, s0;
	s5 =	smul.u32 $0x140000, s2  }
0x8: {  	_ =	strace $0x8000004D;
	s6 =	sshll.u32 s2, $0x4;
	s21 =	ssub.s32 $0x2, s2  }
0x9: {  	s2 =	smul.u32 $0x27100, s2;
	s6 =	sor.u32 s12, s6;
	s10 =	sshrl.u32 s21, $0x1  }
0xa: {  	s23 =	sshrl.u32 s11, $0x2;
	s8 =	sadd.s32 s7, s5;
	s9 =	smul.u32 $0x2710, s6  }
0xb: {  	s5 =	sadd.s32 $0x3600, s0;
	s6 =	sadd.s32 $0xD400, s0;
	s8 =	sshrl.u32 s8, $0x3  }
0xc: {  	s7 =	sadd.s32 s7, s1;
	s0 =	sadd.s32 s8, s0;
	s9 =	sshrl.u32 s9, $0x3  }
0xd: {  	s8 =	ssub.s32 s21, s10;
	s10 =	sadd.s32 s23, s1;
	s23 =	simm.s32 $0x3  }
0xe: {  	s22 =	sadd.s32 s5, s9;
	s9 =	sadd.s32 s6, s9;
	s0 =	sadd.s32 $0x3F200, s0  }
0xf: {  	s8 =	smax.u32 s8, $0x1;
	s25 =	sadd.s32 $0x2800, s10;
	[dreg:$0x3] =	wrdreg s22  }
0x10: {  	s13 =	sadd.s32 $0x5000, s10;
	s14 =	sadd.s32 $0x7800, s10;
	[dreg:$0x4] =	wrdreg s9  }
0x11: {  	s15 =	sadd.s32 $0xA000, s10;
	s16 =	sadd.s32 $0xC800, s10;
	[dreg:$0x5] =	wrdreg s0  }
0x12: {  	s17 =	sadd.s32 $0xF000, s10;
	s18 =	sadd.s32 $0x11800, s10;
	[dreg:$0x6] =	wrdreg s8  }
0x13: {  	[dreg:$0x7] =	wrdreg s25;
	s0 =	sadd.s32 s24, s2;
	s22 =	simm.s32 $0x140  }
0x14: {  	s24 =	simm.s32 $0xA0;
	s25 =	sshrl.u32 s7, $0x3;
	s2 =	sadd.s32 $0x50, s0  }
0x15: {  	s19 =	sadd.s32 $0xA0, s0;
	s0 =	simm.s32 $0x0;
	s26 =	sshrl.u32 s2, $0x3  }
0x16: {  	v0 =	vimm.f32 $0.0e+00;
	s20 =	sadd.s32 s26, s6;
	s21 =	sadd.s32 s26, s5;
	s26 =	simm.s32 $0x50  }
.LBB2_1:
0x17: {  	s2 =	sand.u32 $0xFE00, s3  }
0x18: {  	s7 =	sand.u32 $0x70, s3;
	s8 =	sshrl.u32 s2, $0x2  }
0x19: {  	s2 =	simm.s32 $0x40;
	s8 =	sor.u32 s7, s8;
	s7 =	simm.s32 $0x0  }
.LBB2_2:
0x1a: {  	p0 =	sne.s32 s2, $0x9FC0  }
0x1b: {  	[tilespmem:s8+$0x140] =	vst v0;
	s7 =	sadd.s32 $0x10, s7;
	s8 =	smov.u32 s2;
	s2 =	sadd.s32 $0x40, s2  }
.Ltmp0:
0x1c: {  	(pc) =	sbr.rel @p0 .LBB2_2-.Ltmp0, $4  }
0x1d: {  	_ = 	snop  }
0x1e: {  	s8 =	sand.u32 $0xFE00, s8  }
0x1f: {  	s9 =	sand.u32 $0x70, s7;
	s8 =	sshrl.u32 s8, $0x2  }
0x20: {  	s8 =	sor.u32 s9, s8  }
0x21: {  	[tilespmem:s8+$0x140] =	vst v0  }
0x22: {  	[spmem:s10] =	stream.linear.scatter [tilespmem:s22], [sflag:$0x3], $0x2800, $0x38;
	[tilespmem:$0x19140] =	vst v63  }
0x23: {  	_ =	swait.ge [sflag:s23], $0x2800  }
0x24: {  	[sflag:s23] =	ssyncset.done $0x0  }
0x25: {  	s2 =	rddreg [dreg:$0x7];
	[sflag:s23] =	ssyncadd.s32 $0xFFFFD800  }
0x26: {  	[spmem:s2] =	stream.linear.scatter [tilespmem:s22], [sflag:$0x3], $0x2800, $0x38;
	[tilespmem:$0x19140] =	vst v63  }
0x27: {  	_ =	swait.ge [sflag:s23], $0x2800  }
0x28: {  	[sflag:s23] =	ssyncset.done $0x0  }
0x29: {  	[sflag:s23] =	ssyncadd.s32 $0xFFFFD800  }
0x2a: {  	[spmem:s13] =	stream.linear.scatter [tilespmem:s22], [sflag:$0x3], $0x2800, $0x38;
	[tilespmem:$0x19140] =	vst v63  }
0x2b: {  	_ =	swait.ge [sflag:s23], $0x2800  }
0x2c: {  	[sflag:s23] =	ssyncset.done $0x0  }
0x2d: {  	[sflag:s23] =	ssyncadd.s32 $0xFFFFD800  }
0x2e: {  	[spmem:s14] =	stream.linear.scatter [tilespmem:s22], [sflag:$0x3], $0x2800, $0x38;
	[tilespmem:$0x19140] =	vst v63  }
0x2f: {  	_ =	swait.ge [sflag:s23], $0x2800  }
0x30: {  	[sflag:s23] =	ssyncset.done $0x0  }
0x31: {  	[sflag:s23] =	ssyncadd.s32 $0xFFFFD800  }
0x32: {  	[spmem:s15] =	stream.linear.scatter [tilespmem:s22], [sflag:$0x3], $0x2800, $0x38;
	[tilespmem:$0x19140] =	vst v63  }
0x33: {  	_ =	swait.ge [sflag:s23], $0x2800  }
0x34: {  	[sflag:s23] =	ssyncset.done $0x0  }
0x35: {  	[sflag:s23] =	ssyncadd.s32 $0xFFFFD800  }
0x36: {  	[spmem:s16] =	stream.linear.scatter [tilespmem:s22], [sflag:$0x3], $0x2800, $0x38;
	[tilespmem:$0x19140] =	vst v63  }
0x37: {  	_ =	swait.ge [sflag:s23], $0x2800  }
0x38: {  	[sflag:s23] =	ssyncset.done $0x0  }
0x39: {  	[sflag:s23] =	ssyncadd.s32 $0xFFFFD800  }
0x3a: {  	[spmem:s17] =	stream.linear.scatter [tilespmem:s22], [sflag:$0x3], $0x2800, $0x38;
	[tilespmem:$0x19140] =	vst v63  }
0x3b: {  	_ =	swait.ge [sflag:s23], $0x2800  }
0x3c: {  	[sflag:s23] =	ssyncset.done $0x0  }
0x3d: {  	[sflag:s23] =	ssyncadd.s32 $0xFFFFD800  }
0x3e: {  	[spmem:s18] =	stream.linear.scatter [tilespmem:s22], [sflag:$0x3], $0x2800, $0x38;
	[tilespmem:$0x19140] =	vst v63  }
0x3f: {  	_ =	swait.ge [sflag:s23], $0x2800  }
0x40: {  	[sflag:s23] =	ssyncset.done $0x0  }
0x41: {  	[sflag:s23] =	ssyncadd.s32 $0xFFFFD800  }
0x42: {  	[bflag:$0x0] =	sbarrier.arrive $0xFFFF  }
0x43: {  	s11 =	simm.s32 $0x0;
	s7 =	rddreg [dreg:$0x3]  }
0x44: {  	[tilespmem:s11], [sflag:$0x3] =	stream.linear.gather [hbm4b:s7+s11], $0x50, $0x38;
	[tilespmem:$0x19140] =	vst v63  }
0x45: {  	_ =	swait.ge [sflag:s23], $0x50  }
0x46: {  	[sflag:s23] =	ssyncset.done $0x0  }
0x47: {  	s12 =	rddreg [dreg:$0x4];
	[sflag:s23] =	ssyncadd.s32 $0xFFFFFFB0  }
0x48: {  	[tilespmem:s24], [sflag:$0x3] =	stream.linear.gather [hbm4b:s12+s11], $0x50, $0x38;
	[tilespmem:$0x19140] =	vst v63  }
0x49: {  	_ =	swait.ge [sflag:s23], $0x50  }
0x4a: {  	[sflag:s23] =	ssyncset.done $0x0  }
0x4b: {  	[sflag:s23] =	ssyncadd.s32 $0xFFFFFFB0  }
0x4c: {  	[tilespmem:s22], [sflag:$0x1] =	stream.indirect.gather [hbm4b:s4+s26], $0x80, s11, s26, $0xb8;
	[tilespmem:$0x19140] =	vst v63  }
0x4d: {  	s8 =	sadd.s32 $0x0, s21  }
0x4e: {  	[tilespmem:s26], [sflag:$0x3] =	stream.linear.gather [hbm4b:s8+s3], $0x50, $0x38;
	[tilespmem:$0x19140] =	vst v63  }
0x4f: {  	_ =	swait.ge [sflag:s23], $0x50  }
0x50: {  	[sflag:s23] =	ssyncset.done $0x0  }
0x51: {  	s9 =	sadd.s32 $0x0, s20;
	[sflag:s23] =	ssyncadd.s32 $0xFFFFFFB0  }
0x52: {  	[tilespmem:s28], [sflag:$0x3] =	stream.linear.gather [hbm4b:s9+s3], $0x50, $0x38;
	[tilespmem:$0x19140] =	vst v63  }
0x53: {  	_ =	swait.ge [sflag:s23], $0x50  }
0x54: {  	[sflag:s23] =	ssyncset.done $0x0  }
0x55: {  	[sflag:s23] =	ssyncadd.s32 $0xFFFFFFB0  }
0x56: {  	[tilespmem:s29], [sflag:$0x2] =	stream.indirect.gather [hbm4b:s4+s26], $0x80, s26, s26, $0xb8;
	[tilespmem:$0x19140] =	vst v63  }
0x57: {  	_ =	swait.ge [sflag:s30], $0x2800  }
0x58: {  	[sflag:s30] =	ssyncset.done $0x0  }
0x59: {  	[sflag:s30] =	ssyncadd.s32 $0xFFFFD800  }
0x5a: {  	[spmem:s1] =	stream.indirect.scatter.add.f32 [tilespmem:s22], [sflag:$0x3], $0x80, s24, s26, $0xb8;
	[tilespmem:$0x19140] =	vst v63  }
0x5b: {  	_ =	swait.ge [sflag:s23], $0x2800  }
0x5c: {  	s11 =	sshrl.u32 s19, $0x3;
	[sflag:s23] =	ssyncset.done $0x0  }
0x5d: {  	s12 =	sadd.s32 s5, s11;
	[sflag:s23] =	ssyncadd.s32 $0xFFFFD800  }
0x5e: {  	[tilespmem:s3], [sflag:$0x3] =	stream.linear.gather [hbm4b:s12+s3], $0x50, $0x38;
	[tilespmem:$0x19140] =	vst v63  }
0x5f: {  	_ =	swait.ge [sflag:s23], $0x50  }
0x60: {  	[sflag:s23] =	ssyncset.done $0x0  }
0x61: {  	s2 =	sadd.s32 s6, s11;
	[sflag:s23] =	ssyncadd.s32 $0xFFFFFFB0  }
0x62: {  	[tilespmem:s24], [sflag:$0x3] =	stream.linear.gather [hbm4b:s2+s3], $0x50, $0x38;
	[tilespmem:$0x19140] =	vst v63  }
0x63: {  	_ =	swait.ge [sflag:s23], $0x50  }
0x64: {  	[sflag:s23] =	ssyncset.done $0x0  }
0x65: {  	[sflag:s23] =	ssyncadd.s32 $0xFFFFFFB0  }
0x66: {  	[tilespmem:s22], [sflag:$0x1] =	stream.indirect.gather [hbm4b:s4+s26], $0x80, s3, s26, $0xb8;
	[tilespmem:$0x19140] =	vst v63  }
0x67: {  	_ =	swait.ge [sflag:s31], $0x2800  }
0x68: {  	[sflag:s31] =	ssyncset.done $0x0  }
0x69: {  	[sflag:s31] =	ssyncadd.s32 $0xFFFFD800  }
0x6a: {  	[spmem:s1] =	stream.indirect.scatter.add.f32 [tilespmem:s29], [sflag:$0x3], $0x80, s28, s26, $0xb8;
	[tilespmem:$0x19140] =	vst v63  }
0x6b: {  	s7 =	simm.s32 $0x14;
	_ =	swait.ge [sflag:s23], $0x2800  }
0x6c: {  	s8 =	simm.s32 $0x28;
	s2 =	sadd.s32 $0xA0, s19;
	[sflag:s23] =	ssyncset.done $0x0  }
.LBB2_4:
0x6d: {  	s11 =	sadd.s32 s7, s21  }
0x6e: {  	[sflag:s23] =	ssyncadd.s32 $0xFFFFD800;
	s12 =	smov.u32 s8;
	s9 =	sadd.s32 $0x14, s8  }
0x6f: {  	[tilespmem:s26], [sflag:$0x3] =	stream.linear.gather [hbm4b:s11+s3], $0x50, $0x38;
	[tilespmem:$0x19140] =	vst v63  }
0x70: {  	p0 =	sne.s32 s8, $0x4C4;
	_ =	swait.ge [sflag:s23], $0x50  }
0x71: {  	[sflag:s23] =	ssyncset.done $0x0  }
0x72: {  	s8 =	sadd.s32 s7, s20;
	s7 =	smov.u32 s12;
	[sflag:s23] =	ssyncadd.s32 $0xFFFFFFB0  }
0x73: {  	[tilespmem:s28], [sflag:$0x3] =	stream.linear.gather [hbm4b:s8+s3], $0x50, $0x38;
	[tilespmem:$0x19140] =	vst v63  }
0x74: {  	_ =	swait.ge [sflag:s23], $0x50  }
0x75: {  	[sflag:s23] =	ssyncset.done $0x0  }
0x76: {  	[sflag:s23] =	ssyncadd.s32 $0xFFFFFFB0  }
0x77: {  	[tilespmem:s29], [sflag:$0x2] =	stream.indirect.gather [hbm4b:s4+s26], $0x80, s26, s26, $0xb8;
	[tilespmem:$0x19140] =	vst v63  }
0x78: {  	_ =	swait.ge [sflag:s30], $0x2800  }
0x79: {  	[sflag:s30] =	ssyncset.done $0x0  }
0x7a: {  	[sflag:s30] =	ssyncadd.s32 $0xFFFFD800  }
0x7b: {  	[spmem:s1] =	stream.indirect.scatter.add.f32 [tilespmem:s22], [sflag:$0x3], $0x80, s24, s26, $0xb8;
	[tilespmem:$0x19140] =	vst v63  }
0x7c: {  	_ =	swait.ge [sflag:s23], $0x2800  }
0x7d: {  	s8 =	sshrl.u32 s2, $0x3;
	[sflag:s23] =	ssyncset.done $0x0  }
0x7e: {  	s11 =	sadd.s32 s5, s8;
	[sflag:s23] =	ssyncadd.s32 $0xFFFFD800  }
0x7f: {  	[tilespmem:s3], [sflag:$0x3] =	stream.linear.gather [hbm4b:s11+s3], $0x50, $0x38;
	[tilespmem:$0x19140] =	vst v63  }
0x80: {  	_ =	swait.ge [sflag:s23], $0x50  }
0x81: {  	[sflag:s23] =	ssyncset.done $0x0  }
0x82: {  	s8 =	sadd.s32 s6, s8;
	[sflag:s23] =	ssyncadd.s32 $0xFFFFFFB0  }
0x83: {  	[tilespmem:s24], [sflag:$0x3] =	stream.linear.gather [hbm4b:s8+s3], $0x50, $0x38;
	[tilespmem:$0x19140] =	vst v63  }
0x84: {  	_ =	swait.ge [sflag:s23], $0x50  }
0x85: {  	[sflag:s23] =	ssyncset.done $0x0  }
0x86: {  	[sflag:s23] =	ssyncadd.s32 $0xFFFFFFB0  }
0x87: {  	[tilespmem:s22], [sflag:$0x1] =	stream.indirect.gather [hbm4b:s4+s26], $0x80, s3, s26, $0xb8;
	[tilespmem:$0x19140] =	vst v63  }
0x88: {  	_ =	swait.ge [sflag:s31], $0x2800  }
.Ltmp1:
0x89: {  	[sflag:s31] =	ssyncset.done $0x0;
	(pc) =	sbr.rel @p0 .LBB2_4-.Ltmp1, $4  }
0x8a: {  	[sflag:s31] =	ssyncadd.s32 $0xFFFFD800  }
0x8b: {  	[spmem:s1] =	stream.indirect.scatter.add.f32 [tilespmem:s29], [sflag:$0x3], $0x80, s28, s26, $0xb8;
	[tilespmem:$0x19140] =	vst v63  }
0x8c: {  	_ =	swait.ge [sflag:s23], $0x2800  }
0x8d: {  	s2 =	sadd.s32 $0xA0, s2;
	s8 =	smov.u32 s9;
	[sflag:s23] =	ssyncset.done $0x0  }
0x8e: {  	s8 =	sadd.s32 s7, s21;
	[sflag:s23] =	ssyncadd.s32 $0xFFFFD800  }
0x8f: {  	[tilespmem:s26], [sflag:$0x3] =	stream.linear.gather [hbm4b:s8+s3], $0x50, $0x38;
	[tilespmem:$0x19140] =	vst v63  }
0x90: {  	_ =	swait.ge [sflag:s23], $0x50  }
0x91: {  	[sflag:s23] =	ssyncset.done $0x0  }
0x92: {  	s12 =	sadd.s32 s7, s20;
	[sflag:s23] =	ssyncadd.s32 $0xFFFFFFB0  }
0x93: {  	[tilespmem:s28], [sflag:$0x3] =	stream.linear.gather [hbm4b:s12+s3], $0x50, $0x38;
	[tilespmem:$0x19140] =	vst v63  }
0x94: {  	_ =	swait.ge [sflag:s23], $0x50  }
0x95: {  	[sflag:s23] =	ssyncset.done $0x0  }
0x96: {  	[sflag:s23] =	ssyncadd.s32 $0xFFFFFFB0  }
0x97: {  	[tilespmem:s29], [sflag:$0x2] =	stream.indirect.gather [hbm4b:s4+s26], $0x80, s26, s26, $0xb8;
	[tilespmem:$0x19140] =	vst v63  }
0x98: {  	_ =	swait.ge [sflag:s30], $0x2800  }
0x99: {  	[sflag:s30] =	ssyncset.done $0x0  }
0x9a: {  	[sflag:s30] =	ssyncadd.s32 $0xFFFFD800  }
0x9b: {  	[spmem:s1] =	stream.indirect.scatter.add.f32 [tilespmem:s22], [sflag:$0x3], $0x80, s24, s26, $0xb8;
	[tilespmem:$0x19140] =	vst v63  }
0x9c: {  	_ =	swait.ge [sflag:s23], $0x2800  }
0x9d: {  	s2 =	sshrl.u32 s2, $0x3;
	[sflag:s23] =	ssyncset.done $0x0  }
0x9e: {  	s8 =	sadd.s32 s5, s2;
	[sflag:s23] =	ssyncadd.s32 $0xFFFFD800  }
0x9f: {  	[tilespmem:s3], [sflag:$0x3] =	stream.linear.gather [hbm4b:s8+s3], $0x50, $0x38;
	[tilespmem:$0x19140] =	vst v63  }
0xa0: {  	_ =	swait.ge [sflag:s23], $0x50  }
0xa1: {  	[sflag:s23] =	ssyncset.done $0x0  }
0xa2: {  	s2 =	sadd.s32 s6, s2;
	[sflag:s23] =	ssyncadd.s32 $0xFFFFFFB0  }
0xa3: {  	[tilespmem:s24], [sflag:$0x3] =	stream.linear.gather [hbm4b:s2+s3], $0x50, $0x38;
	[tilespmem:$0x19140] =	vst v63  }
0xa4: {  	_ =	swait.ge [sflag:s23], $0x50  }
0xa5: {  	[sflag:s23] =	ssyncset.done $0x0  }
0xa6: {  	[sflag:s23] =	ssyncadd.s32 $0xFFFFFFB0  }
0xa7: {  	[tilespmem:s22], [sflag:$0x1] =	stream.indirect.gather [hbm4b:s4+s26], $0x80, s3, s26, $0xb8;
	[tilespmem:$0x19140] =	vst v63  }
0xa8: {  	_ =	swait.ge [sflag:s31], $0x2800  }
0xa9: {  	[sflag:s31] =	ssyncset.done $0x0  }
0xaa: {  	[sflag:s31] =	ssyncadd.s32 $0xFFFFD800  }
0xab: {  	[spmem:s1] =	stream.indirect.scatter.add.f32 [tilespmem:s29], [sflag:$0x3], $0x80, s28, s26, $0xb8;
	[tilespmem:$0x19140] =	vst v63  }
0xac: {  	_ =	swait.ge [sflag:s23], $0x2800  }
0xad: {  	[sflag:s23] =	ssyncset.done $0x0  }
0xae: {  	[sflag:s23] =	ssyncadd.s32 $0xFFFFD800  }
0xaf: {  	_ =	swait.ge [sflag:s30], $0x2800  }
0xb0: {  	[sflag:s30] =	ssyncset.done $0x0  }
0xb1: {  	[sflag:s30] =	ssyncadd.s32 $0xFFFFD800  }
0xb2: {  	[spmem:s1] =	stream.indirect.scatter.add.f32 [tilespmem:s22], [sflag:$0x3], $0x80, s24, s26, $0xb8;
	[tilespmem:$0x19140] =	vst v63  }
0xb3: {  	_ =	swait.ge [sflag:s23], $0x2800  }
0xb4: {  	[sflag:s23] =	ssyncset.done $0x0  }
0xb5: {  	s9 =	stileid.u32;
	[sflag:s23] =	ssyncadd.s32 $0xFFFFD800  }
0xb6: {  	s2 =	sshll.u32 s9, $0x6;
	[bflag:$0x0] =	sbarrier.arrive $0xFFFF  }
0xb7: {  	s2 =	sor.u32 $0x1C03, s2;
	s11 =	rddreg [dreg:$0x5]  }
0xb8: {  	[hbm:s11], [sflag:s2] =	dma.local [spmem:s25], $0x2800  }
0xb9: {  	_ =	swait.ge [sflag:s23], $0x2800  }
0xba: {  	s0 =	sadd.s32 $0x1, s0;
	s12 =	rddreg [dreg:$0x6]  }
0xbb: {  	p0 =	sne.s32 s0, s12  }
.Ltmp2:
0xbc: {  	_ = 	snop;
	(pc) =	sbr.rel @p0 .LBB2_1-.Ltmp2, $3  }
0xbd: {  	_ =	sdelay $0x1  }
0xbe: {  	[sflag:s23] =	ssyncset.done $0x0  }
0xbf: {  	[sflag:s23] =	ssyncadd.s32 $0xFFFFD800  }
0xc0: {  	_ =	sfence.sel $0x180000  }
0xc1: {  	[bflag:$0x0] =	sbarrier.arrive $0xFFFF  }
0xc2: {  	_ =	strace $0x9000004D  }
0xc3: {  	s0 =	stileid.u32;
	[bflag:$0x2] =	sbarrier.arrive $0xFFFF  }
0xc4: {  	p0 =	sne.s32 s0, $0x0;
	s0 =	rddreg [dreg:$0x2]  }
0xc5: {  	s0 =	sadd.s32 @!p0 $0x100000, s0  }
0xc6: {  	[sflag:s0] =	ssyncadd.tile.s32 @!p0 $0x1;
	_ =	shalt  }
.Lfunc_end2:
_tile_overlayer_lowered:
.L_overlay_start_2:
0xc7: {  	(tag) =	ssettag $0x2  }
0xc8: {  	s0 =	rddreg [dreg:$0x0];
	s2 =	stileid.u32  }
0xc9: {  	s1 =	rddreg [dreg:$0x1];
	p0 =	sne.s32 s2, $0x0  }
0xca: {  	s3 =	rddreg [dreg:$0x2];
	[bflag:$0x3] =	sbarrier.arrive $0xFFFF;
	s2 =	simm.s32 @!p0 $0x1C03  }
0xcb: {  	[timem:s3], [sflag:s2] =	dma.local @!p0 [hbm:s0], s1  }
0xcc: {  	s0 =	simm.s32 @!p0 $0x3  }
0xcd: {  	_ =	swait.ge @!p0 [sflag:s0], s1  }
0xce: {  	s1 =	ssub.s32 @!p0 $0x0, s1;
	[sflag:s0] =	ssyncset.done @!p0 $0x0  }
0xcf: {  	[sflag:s0] =	ssyncadd.s32 @!p0 s1  }
0xd0: {  	[bflag:$0x3] =	sbarrier.arrive $0xFFFF  }
0xd1: {  	_ =	shalt  }

// kernel: kernel.19.cloned.1.call-start
scs
__scs_entry_jumppad:
0x0: {  	(pc) =	sbr.rel $0x88, $3  }
0x1: {  	(tag) =	ssettag $0x0;
	lr =	simm.s32 $0x1  }
0x2: {  	[smem:$0x3F91] =	sst lr;
	_ =	strace $0xD0000000  }
0x3: {  	_ = 	snop  }
0x4: {  	_ = 	snop  }
0x5: {  	_ = 	snop  }
0x6: {  	_ = 	snop  }
0x7: {  	_ = 	snop  }
__scs_overlays_trampoline_lowered:
0x8: {  	[smem:$0x3FA0] =	sst s0  }
0x9: {  	[smem:$0x3FA1] =	sst s1  }
0xa: {  	[smem:$0x3FA2] =	sst s2  }
0xb: {  	[smem:$0x3FA3] =	sst s3  }
0xc: {  	[smem:$0x3FA4] =	sst s4  }
0xd: {  	[smem:$0x3FA5] =	sst s5  }
0xe: {  	[smem:$0x3FA6] =	sst s6  }
0xf: {  	[smem:$0x3FA7] =	sst s7  }
0x10: {  	[smem:$0x3FA8] =	sst s8  }
0x11: {  	[smem:$0x3FA9] =	sst s9;
	s0 =	simm.s32 @!p0 $0x0  }
0x12: {  	s1 =	sld [smem:$0x3F8F];
	s0 =	simm.s32 @p0 $0x1  }
0x13: {  	[smem:$0x3FAA] =	sst s0;
	s0 =	simm.s32 @!p1 $0x0  }
0x14: {  	s2 =	sld [smem:$0x3F8E];
	s0 =	simm.s32 @p1 $0x1  }
0x15: {  	[smem:$0x3FAB] =	sst s0;
	s0 =	simm.s32 @!p2 $0x0  }
0x16: {  	s3 =	sld [smem:$0x3FDB];
	s0 =	simm.s32 @p2 $0x1  }
0x17: {  	s4 =	simm.s32 $0x1BF5;
	[smem:$0x3FAD] =	sst s0  }
0x18: {  	s0 =	sld [smem:$0x3F90];
	_ =	swait.ge [sflag:s4], $0x0  }
0x19: {  	s7 =	sld [smem:$0x3F91]  }
0x1a: {  	s8 =	sadd.s32 $0xFFFFE003, lr  }
0x1b: {  	s9 =	sadd.s32 $0xFFFFFEF7, lr;
	s5 =	simm.s32 $0xFFFFFFFF;
	p2 =	slt.u32 s8, $0xFFFFF086  }
0x1c: {  	p1 =	slt.u32 s9, $0xF7A;
	s5 =	simm.s32 @!p2 $0x0  }
0x1d: {  	s5 =	simm.s32 @p1 $0x1;
	p0 =	seq.s32 s7, s2  }
0x1e: {  	s7 =	smul.u32 @!p0 $0xF7A, s2;
	p2 =	seq.s32 @!p0 s5, $0x0  }
0x1f: {  	s9 =	smul.u32 $0xF7A, s1;
	s8 =	simm.s32 @!p0 $0x1BF5;
	p2 =	por !p2, p0  }
0x20: {  	[sflag:s8] =	ssyncset.s32 @!p0 $0xFFFFF086;
	s6 =	sadd.s32 @!p0 s3, s7;
	s7 =	simm.s32 @!p0 $0x108  }
0x21: {  	s3 =	sadd.s32 s3, s9;
	s6 =	sadd.s32 @!p0 $0x88, s6;
	s7 =	simm.s32 @p2 $0x1082  }
0x22: {  	[simem:s7], [sflag:s8] =	dma.local @!p0 [hbm:s6], $0xF7A  }
0x23: {  	s9 =	sor.u32 $0xD0000000, s2;
	s6 =	simm.s32 $0x108;
	_ =	swait.ge @!p0 [sflag:s8], $0x0  }
0x24: {  	s3 =	sadd.s32 $0x88, s3;
	s6 =	simm.s32 @!p1 $0x1082;
	[sflag:s4] =	ssyncset.s32 $0xFFFFF086  }
0x25: {  	[simem:s6], [sflag:s4] =	dma.local [hbm:s3], $0xF7A  }
0x26: {  	[smem:$0x3F91] =	sst s1;
	(tag) =	ssettag s2;
	_ =	strace s9  }
0x27: {  	s1 =	sld [smem:$0x3FA1]  }
0x28: {  	s2 =	sld [smem:$0x3FA2]  }
0x29: {  	s4 =	sld [smem:$0x3FA4]  }
0x2a: {  	p0 =	seq.s32 s5, $0x0;
	s5 =	sld [smem:$0x3FA5]  }
0x2b: {  	s6 =	sld [smem:$0x3FA6]  }
0x2c: {  	s7 =	sld [smem:$0x3FA7]  }
0x2d: {  	s3 =	simm.s32 $0x108;
	s8 =	sld [smem:$0x3FA8]  }
0x2e: {  	s3 =	simm.s32 @!p0 $0x1082;
	s9 =	sld [smem:$0x3FA9]  }
0x2f: {  	lr =	sadd.s32 s0, s3;
	s0 =	sld [smem:$0x3FA0]  }
0x30: {  	s3 =	sld [smem:$0x3FA3]  }
0x31: {  	[smem:$0x3FAC] =	sst s10  }
0x32: {  	s10 =	sld [smem:$0x3FAA];
	_ =	sdelay $0x3  }
0x33: {  	p0 =	seq.s32 s10, $0x1;
	s10 =	sld [smem:$0x3FAC];
	_ =	sdelay $0x3  }
0x34: {  	[smem:$0x3FAC] =	sst s10  }
0x35: {  	s10 =	sld [smem:$0x3FAB];
	_ =	sdelay $0x3  }
0x36: {  	p1 =	seq.s32 s10, $0x1;
	s10 =	sld [smem:$0x3FAC];
	_ =	sdelay $0x3  }
0x37: {  	[smem:$0x3FAC] =	sst s10  }
0x38: {  	s10 =	sld [smem:$0x3FAD]  }
0x39: {  	_ = 	snop;
	(pc) =	sbr.ind lr, $3  }
0x3a: {  	_ = 	snop  }
0x3b: {  	_ = 	snop  }
0x3c: {  	p2 =	seq.s32 s10, $0x1;
	s10 =	sld [smem:$0x3FAC]  }
0x3d: {  	_ =	shalt  }
0x3e: {  	_ =	shalt  }
0x3f: {  	_ =	shalt  }
0x40: {  	_ =	shalt  }
0x41: {  	_ =	shalt  }
0x42: {  	_ =	shalt  }
0x43: {  	_ =	shalt  }
0x44: {  	_ =	shalt  }
0x45: {  	_ =	shalt  }
0x46: {  	_ =	shalt  }
0x47: {  	_ =	shalt  }
0x48: {  	_ =	shalt  }
0x49: {  	_ =	shalt  }
0x4a: {  	_ =	shalt  }
0x4b: {  	_ =	shalt  }
0x4c: {  	_ =	shalt  }
0x4d: {  	_ =	shalt  }
0x4e: {  	_ =	shalt  }
0x4f: {  	_ =	shalt  }
0x50: {  	_ =	shalt  }
0x51: {  	_ =	shalt  }
0x52: {  	_ =	shalt  }
0x53: {  	_ =	shalt  }
0x54: {  	_ =	shalt  }
0x55: {  	_ =	shalt  }
0x56: {  	_ =	shalt  }
0x57: {  	_ =	shalt  }
0x58: {  	_ =	shalt  }
0x59: {  	_ =	shalt  }
0x5a: {  	_ =	shalt  }
0x5b: {  	_ =	shalt  }
0x5c: {  	_ =	shalt  }
0x5d: {  	_ =	shalt  }
0x5e: {  	_ =	shalt  }
0x5f: {  	_ =	shalt  }
0x60: {  	_ =	shalt  }
0x61: {  	_ =	shalt  }
0x62: {  	_ =	shalt  }
0x63: {  	_ =	shalt  }
0x64: {  	_ =	shalt  }
0x65: {  	_ =	shalt  }
0x66: {  	_ =	shalt  }
0x67: {  	_ =	shalt  }
0x68: {  	_ =	shalt  }
0x69: {  	_ =	shalt  }
0x6a: {  	_ =	shalt  }
0x6b: {  	_ =	shalt  }
0x6c: {  	_ =	shalt  }
0x6d: {  	_ =	shalt  }
0x6e: {  	_ =	shalt  }
0x6f: {  	_ =	shalt  }
0x70: {  	_ =	shalt  }
0x71: {  	_ =	shalt  }
0x72: {  	_ =	shalt  }
0x73: {  	_ =	shalt  }
0x74: {  	_ =	shalt  }
0x75: {  	_ =	shalt  }
0x76: {  	_ =	shalt  }
0x77: {  	_ =	shalt  }
0x78: {  	_ =	shalt  }
0x79: {  	_ =	shalt  }
0x7a: {  	_ =	shalt  }
0x7b: {  	_ =	shalt  }
0x7c: {  	_ =	shalt  }
0x7d: {  	_ =	shalt  }
0x7e: {  	_ =	shalt  }
0x7f: {  	_ =	shalt  }
0x80: {  	_ =	shalt  }
0x81: {  	_ =	shalt  }
0x82: {  	_ =	shalt  }
0x83: {  	_ =	shalt  }
0x84: {  	_ =	shalt  }
0x85: {  	_ =	shalt  }
0x86: {  	_ =	shalt  }
0x87: {  	_ =	shalt  }
.Lfunc_end0:
.L_simem_size_0:
called_computation.3_lowered:
.L_overlay_start_0:
0x88: {  	s2 =	sld [smem:$0x3FD9]  }
0x89: {  	s3 =	sld [smem:$0x3FFE];
	_ =	sdelay $0x1  }
0x8a: {  	s1 =	srdreg.scid  }
0x8b: {  	s0 =	sand.u32 $0x1, s1  }
0x8c: {  	s16 =	sshll.u32 s0, $0xA;
	s2 =	sadd.s32 s3, s2  }
0x8d: {  	s2 =	sadd.s32 s2, s16  }
0x8e: {  	[smem:$0x3FB8] =	sst s2  }
0x8f: {  	_ = 	snop  }
0x90: {  	(tm) =	ssettm $0x1  }
0x91: {  	s17 =	sld [smem:$0x3FFB];
	_ =	sdelay $0x3  }
0x92: {  	_ =	strace s17  }
0x93: {  	s2 =	sld [smem:$0x3FFC];
	_ =	sdelay $0x3  }
0x94: {  	_ =	strace s2  }
0x95: {  	s2 =	sld [smem:$0x3FFD];
	_ =	sdelay $0x3  }
0x96: {  	_ =	strace s2  }
0x97: {  	_ =	strace $0x8FFFFFFF  }
0x98: {  	s18 =	sld [smem:$0x3FDB];
	_ =	sdelay $0x1  }
0x99: {  	s19 =	simm.s32 $_scs_section_size  }
0x9a: {  	s4 =	simm.s32 $_size__tile_overlayer_lowered;
	s5 =	simm.s32 $_tile_overlayer_lowered  }
0x9b: {  	s22 =	simm.s32 $0x1BFF;
	s21 =	sshll.u32 s5, $0x1;
	s2 =	sadd.s32 s19, s18  }
0x9c: {  	s6 =	simm.s32 $0x0;
	s20 =	sshll.u32 s4, $0x1;
	s4 =	sadd.s32 s21, s2  }
0x9d: {  	[timem:s6], [sflag:s22] =	dma.local [hbm:s4], s20  }
0x9e: {  	_ =	swait.ge [sflag:s22], s20  }
0x9f: {  	s3 =	ssub.s32 $0x0, s20;
	[sflag:s22] =	ssyncset.done $0x0  }
0xa0: {  	[sflag:s22] =	ssyncadd.s32 s3;
	_ =	sdelay $0x1  }
0xa1: {  	s23 =	simm.s32 $0x1B8B  }
0xa2: {  	_ =	swait.ge [sflag:s23], $0x1  }
0xa3: {  	[sflag:s23] =	ssyncset.done $0x0  }
0xa4: {  	s25 =	simm.s32 $0x1B8E;
	s24 =	sld [smem:$0x3FFE];
	[sflag:s23] =	ssyncadd.s32 $0xFFFFFFFF  }
0xa5: {  	s26 =	simm.s32 $execute0_lowered;
	[smem:$0x3FD2] =	sst s25  }
0xa6: {  	s4 =	sshll.u32 s26, $0x1;
	_ =	strace $0x8000004F;
	[dreg:$0x1] =	wrdreg $0xFFFFFFFF  }
0xa7: {  	s28 =	simm.s32 $_size_execute0_lowered;
	s2 =	sadd.s32 s2, s4;
	[dreg:$0x0] =	wrdreg $0x0  }
0xa8: {  	s4 =	sshll.u32 s28, $0x1;
	[dreg:$0x2] =	wrdreg s2  }
0xa9: {  	[dreg:$0x3] =	wrdreg s4  }
0xaa: {  	[dreg:$0x4] =	wrdreg $0xC0  }
0xab: {  	_ =	task [dreg:s6], $0x5FFFF  }
0xac: {  	[dreg:$0x1] =	wrdreg $0xFFFFFFFF  }
0xad: {  	[dreg:$0x0] =	wrdreg $0x60  }
0xae: {  	[dreg:$0x2] =	wrdreg s24  }
0xaf: {  	[dreg:$0x3] =	wrdreg $0x29400  }
0xb0: {  	[dreg:$0x4] =	wrdreg $0x9  }
0xb1: {  	_ =	task.clear_ibuf [dreg:s6], $0x5FFFF;
	_ =	strace $0x9000004F  }
0xb2: {  	s29 =	simm.s32 $0x9;
	_ =	strace $0x80000051  }
0xb3: {  	_ =	swait.ge [sflag:s29], $0x1  }
0xb4: {  	[sflag:s29] =	ssyncadd.s32 $0xFFFFFFFF  }
0xb5: {  	_ =	strace $0x90000051  }
0xb6: {  	_ =	sfence  }
0xb7: {  	s30 =	sld [smem:$0x0];
	_ =	sdelay $0x2  }
0xb8: {  	s31 =	sshll.u32 s1, $0xD;
	s1 =	sshrl.u32 s1, $0x2  }
0xb9: {  	s3 =	sand.u32 $0x4000, s31;
	s1 =	sadd.s32 s1, s30  }
0xba: {  	s0 =	sor.u32 s3, s0;
	s1 =	sshll.u32 s1, $0x11  }
0xbb: {  	s0 =	sor.u32 s1, s0  }
0xbc: {  	s0 =	sadd.s32 $0x8F2B, s0  }
0xbd: {  	[sflag:s0] =	ssyncadd.remote.s32 $0x1  }
0xbe: {  	_ =	sfence.sel $0xFFFF  }
0xbf: {  	[dreg:$0x0] =	wrdreg $0xFFFFFFFF;
	(pc) =	sbr.abs _section_cstart, $3  }
0xc0: {  	[dreg:$0x1] =	wrdreg $0xFFFFFFFF  }
0xc1: {  	_ =	task.clear_ibuf [dreg:s6], $0x2FFFF;
	_ =	strace $0x9FFFFFFF  }
0xc2: {  	(tm) =	ssettm $0x7FFFFFFF  }
0xc3: {  	_ =	shalt  }
tec
execute0_lowered:
.L_overlay_start_1:
0x0: {  	(tag) =	ssettag $0x1  }
0x1: {  	s0 =	rddreg [dreg:$0x0]  }
0x2: {  	s1 =	rddreg [dreg:$0x1]  }
0x3: {  	s2 =	srdreg.scid;
	s12 =	stileid.u32  }
0x4: {  	s3 =	simm.s32 $0x0;
	s28 =	simm.s32 $0xF0;
	s7 =	smul.u32 $0xA000, s12  }
0x5: {  	s29 =	simm.s32 $0x1540;
	s30 =	simm.s32 $0x1;
	s11 =	smul.u32 $0x28000, s12  }
0x6: {  	s31 =	simm.s32 $0x2;
	s2 =	sand.u32 $0x1, s2;
	s24 =	smul.u32 $0x2710, s12  }
0x7: {  	[smem:$0x7FF] =	sst s3;
	s4 =	sadd.s32 $0x17200, s0;
	s5 =	smul.u32 $0xA0000, s2  }
0x8: {  	_ =	strace $0x80000050;
	s6 =	sshll.u32 s2, $0x4;
	s21 =	ssub.s32 $0x2, s2  }
0x9: {  	s2 =	smul.u32 $0x27100, s2;
	s6 =	sor.u32 s12, s6;
	s10 =	sshrl.u32 s21, $0x1  }
0xa: {  	s23 =	sshrl.u32 s11, $0x2;
	s8 =	sadd.s32 s7, s5;
	s9 =	smul.u32 $0x2710, s6  }
0xb: {  	s5 =	sadd.s32 $0x3600, s0;
	s6 =	sadd.s32 $0xD400, s0;
	s8 =	sshrl.u32 s8, $0x3  }
0xc: {  	s7 =	sadd.s32 s7, s1;
	s0 =	sadd.s32 s8, s0;
	s9 =	sshrl.u32 s9, $0x3  }
0xd: {  	s8 =	ssub.s32 s21, s10;
	s10 =	sadd.s32 s23, s1;
	s23 =	simm.s32 $0x3  }
0xe: {  	s22 =	sadd.s32 s5, s9;
	s9 =	sadd.s32 s6, s9;
	s0 =	sadd.s32 $0x2B200, s0  }
0xf: {  	s8 =	smax.u32 s8, $0x1;
	s25 =	sadd.s32 $0x1400, s10;
	[dreg:$0x3] =	wrdreg s22  }
0x10: {  	s13 =	sadd.s32 $0x2800, s10;
	s14 =	sadd.s32 $0x3C00, s10;
	[dreg:$0x4] =	wrdreg s9  }
0x11: {  	s15 =	sadd.s32 $0x5000, s10;
	s16 =	sadd.s32 $0x6400, s10;
	[dreg:$0x5] =	wrdreg s0  }
0x12: {  	s17 =	sadd.s32 $0x7800, s10;
	s18 =	sadd.s32 $0x8C00, s10;
	[dreg:$0x6] =	wrdreg s8  }
0x13: {  	[dreg:$0x7] =	wrdreg s25;
	s0 =	sadd.s32 s24, s2;
	s22 =	simm.s32 $0x140  }
0x14: {  	s24 =	simm.s32 $0xA0;
	s25 =	sshrl.u32 s7, $0x3;
	s2 =	sadd.s32 $0x50, s0  }
0x15: {  	s19 =	sadd.s32 $0xA0, s0;
	s0 =	simm.s32 $0x0;
	s26 =	sshrl.u32 s2, $0x3  }
0x16: {  	v0 =	vimm.f32 $0.0e+00;
	s20 =	sadd.s32 s26, s6;
	s21 =	sadd.s32 s26, s5;
	s26 =	simm.s32 $0x50  }
.LBB2_1:
0x17: {  	s2 =	sand.u32 $0x7F00, s3  }
0x18: {  	s7 =	sand.u32 $0x30, s3;
	s8 =	sshrl.u32 s2, $0x2  }
0x19: {  	s2 =	simm.s32 $0x40;
	s8 =	sor.u32 s7, s8;
	s7 =	simm.s32 $0x0  }
.LBB2_2:
0x1a: {  	p0 =	sne.s32 s2, $0x4FC0  }
0x1b: {  	[tilespmem:s8+$0x140] =	vst v0;
	s7 =	sadd.s32 $0x10, s7;
	s8 =	smov.u32 s2;
	s2 =	sadd.s32 $0x40, s2  }
.Ltmp0:
0x1c: {  	(pc) =	sbr.rel @p0 .LBB2_2-.Ltmp0, $4  }
0x1d: {  	_ = 	snop  }
0x1e: {  	s8 =	sand.u32 $0x7F00, s8  }
0x1f: {  	s9 =	sand.u32 $0x30, s7;
	s8 =	sshrl.u32 s8, $0x2  }
0x20: {  	s8 =	sor.u32 s9, s8  }
0x21: {  	[tilespmem:s8+$0x140] =	vst v0  }
0x22: {  	[spmem:s10] =	stream.linear.scatter [tilespmem:s22], [sflag:$0x3], $0x1400, $0x38;
	[tilespmem:$0xC940] =	vst v63  }
0x23: {  	_ =	swait.ge [sflag:s23], $0x1400  }
0x24: {  	[sflag:s23] =	ssyncset.done $0x0  }
0x25: {  	s2 =	rddreg [dreg:$0x7];
	[sflag:s23] =	ssyncadd.s32 $0xFFFFEC00  }
0x26: {  	[spmem:s2] =	stream.linear.scatter [tilespmem:s22], [sflag:$0x3], $0x1400, $0x38;
	[tilespmem:$0xC940] =	vst v63  }
0x27: {  	_ =	swait.ge [sflag:s23], $0x1400  }
0x28: {  	[sflag:s23] =	ssyncset.done $0x0  }
0x29: {  	[sflag:s23] =	ssyncadd.s32 $0xFFFFEC00  }
0x2a: {  	[spmem:s13] =	stream.linear.scatter [tilespmem:s22], [sflag:$0x3], $0x1400, $0x38;
	[tilespmem:$0xC940] =	vst v63  }
0x2b: {  	_ =	swait.ge [sflag:s23], $0x1400  }
0x2c: {  	[sflag:s23] =	ssyncset.done $0x0  }
0x2d: {  	[sflag:s23] =	ssyncadd.s32 $0xFFFFEC00  }
0x2e: {  	[spmem:s14] =	stream.linear.scatter [tilespmem:s22], [sflag:$0x3], $0x1400, $0x38;
	[tilespmem:$0xC940] =	vst v63  }
0x2f: {  	_ =	swait.ge [sflag:s23], $0x1400  }
0x30: {  	[sflag:s23] =	ssyncset.done $0x0  }
0x31: {  	[sflag:s23] =	ssyncadd.s32 $0xFFFFEC00  }
0x32: {  	[spmem:s15] =	stream.linear.scatter [tilespmem:s22], [sflag:$0x3], $0x1400, $0x38;
	[tilespmem:$0xC940] =	vst v63  }
0x33: {  	_ =	swait.ge [sflag:s23], $0x1400  }
0x34: {  	[sflag:s23] =	ssyncset.done $0x0  }
0x35: {  	[sflag:s23] =	ssyncadd.s32 $0xFFFFEC00  }
0x36: {  	[spmem:s16] =	stream.linear.scatter [tilespmem:s22], [sflag:$0x3], $0x1400, $0x38;
	[tilespmem:$0xC940] =	vst v63  }
0x37: {  	_ =	swait.ge [sflag:s23], $0x1400  }
0x38: {  	[sflag:s23] =	ssyncset.done $0x0  }
0x39: {  	[sflag:s23] =	ssyncadd.s32 $0xFFFFEC00  }
0x3a: {  	[spmem:s17] =	stream.linear.scatter [tilespmem:s22], [sflag:$0x3], $0x1400, $0x38;
	[tilespmem:$0xC940] =	vst v63  }
0x3b: {  	_ =	swait.ge [sflag:s23], $0x1400  }
0x3c: {  	[sflag:s23] =	ssyncset.done $0x0  }
0x3d: {  	[sflag:s23] =	ssyncadd.s32 $0xFFFFEC00  }
0x3e: {  	[spmem:s18] =	stream.linear.scatter [tilespmem:s22], [sflag:$0x3], $0x1400, $0x38;
	[tilespmem:$0xC940] =	vst v63  }
0x3f: {  	_ =	swait.ge [sflag:s23], $0x1400  }
0x40: {  	[sflag:s23] =	ssyncset.done $0x0  }
0x41: {  	[sflag:s23] =	ssyncadd.s32 $0xFFFFEC00  }
0x42: {  	[bflag:$0x0] =	sbarrier.arrive $0xFFFF  }
0x43: {  	s11 =	simm.s32 $0x0;
	s7 =	rddreg [dreg:$0x3]  }
0x44: {  	[tilespmem:s11], [sflag:$0x3] =	stream.linear.gather [hbm4b:s7+s11], $0x50, $0x38;
	[tilespmem:$0xC940] =	vst v63  }
0x45: {  	_ =	swait.ge [sflag:s23], $0x50  }
0x46: {  	[sflag:s23] =	ssyncset.done $0x0  }
0x47: {  	s12 =	rddreg [dreg:$0x4];
	[sflag:s23] =	ssyncadd.s32 $0xFFFFFFB0  }
0x48: {  	[tilespmem:s24], [sflag:$0x3] =	stream.linear.gather [hbm4b:s12+s11], $0x50, $0x38;
	[tilespmem:$0xC940] =	vst v63  }
0x49: {  	_ =	swait.ge [sflag:s23], $0x50  }
0x4a: {  	[sflag:s23] =	ssyncset.done $0x0  }
0x4b: {  	[sflag:s23] =	ssyncadd.s32 $0xFFFFFFB0  }
0x4c: {  	[tilespmem:s22], [sflag:$0x1] =	stream.indirect.gather [hbm4b:s4+s26], $0x40, s11, s26, $0xb8;
	[tilespmem:$0xC940] =	vst v63  }
0x4d: {  	s8 =	sadd.s32 $0x0, s21  }
0x4e: {  	[tilespmem:s26], [sflag:$0x3] =	stream.linear.gather [hbm4b:s8+s3], $0x50, $0x38;
	[tilespmem:$0xC940] =	vst v63  }
0x4f: {  	_ =	swait.ge [sflag:s23], $0x50  }
0x50: {  	[sflag:s23] =	ssyncset.done $0x0  }
0x51: {  	s9 =	sadd.s32 $0x0, s20;
	[sflag:s23] =	ssyncadd.s32 $0xFFFFFFB0  }
0x52: {  	[tilespmem:s28], [sflag:$0x3] =	stream.linear.gather [hbm4b:s9+s3], $0x50, $0x38;
	[tilespmem:$0xC940] =	vst v63  }
0x53: {  	_ =	swait.ge [sflag:s23], $0x50  }
0x54: {  	[sflag:s23] =	ssyncset.done $0x0  }
0x55: {  	[sflag:s23] =	ssyncadd.s32 $0xFFFFFFB0  }
0x56: {  	[tilespmem:s29], [sflag:$0x2] =	stream.indirect.gather [hbm4b:s4+s26], $0x40, s26, s26, $0xb8;
	[tilespmem:$0xC940] =	vst v63  }
0x57: {  	_ =	swait.ge [sflag:s30], $0x1400  }
0x58: {  	[sflag:s30] =	ssyncset.done $0x0  }
0x59: {  	[sflag:s30] =	ssyncadd.s32 $0xFFFFEC00  }
0x5a: {  	[spmem:s1] =	stream.indirect.scatter.add.f32 [tilespmem:s22], [sflag:$0x3], $0x40, s24, s26, $0xb8;
	[tilespmem:$0xC940] =	vst v63  }
0x5b: {  	_ =	swait.ge [sflag:s23], $0x1400  }
0x5c: {  	s11 =	sshrl.u32 s19, $0x3;
	[sflag:s23] =	ssyncset.done $0x0  }
0x5d: {  	s12 =	sadd.s32 s5, s11;
	[sflag:s23] =	ssyncadd.s32 $0xFFFFEC00  }
0x5e: {  	[tilespmem:s3], [sflag:$0x3] =	stream.linear.gather [hbm4b:s12+s3], $0x50, $0x38;
	[tilespmem:$0xC940] =	vst v63  }
0x5f: {  	_ =	swait.ge [sflag:s23], $0x50  }
0x60: {  	[sflag:s23] =	ssyncset.done $0x0  }
0x61: {  	s2 =	sadd.s32 s6, s11;
	[sflag:s23] =	ssyncadd.s32 $0xFFFFFFB0  }
0x62: {  	[tilespmem:s24], [sflag:$0x3] =	stream.linear.gather [hbm4b:s2+s3], $0x50, $0x38;
	[tilespmem:$0xC940] =	vst v63  }
0x63: {  	_ =	swait.ge [sflag:s23], $0x50  }
0x64: {  	[sflag:s23] =	ssyncset.done $0x0  }
0x65: {  	[sflag:s23] =	ssyncadd.s32 $0xFFFFFFB0  }
0x66: {  	[tilespmem:s22], [sflag:$0x1] =	stream.indirect.gather [hbm4b:s4+s26], $0x40, s3, s26, $0xb8;
	[tilespmem:$0xC940] =	vst v63  }
0x67: {  	_ =	swait.ge [sflag:s31], $0x1400  }
0x68: {  	[sflag:s31] =	ssyncset.done $0x0  }
0x69: {  	[sflag:s31] =	ssyncadd.s32 $0xFFFFEC00  }
0x6a: {  	[spmem:s1] =	stream.indirect.scatter.add.f32 [tilespmem:s29], [sflag:$0x3], $0x40, s28, s26, $0xb8;
	[tilespmem:$0xC940] =	vst v63  }
0x6b: {  	s7 =	simm.s32 $0x14;
	_ =	swait.ge [sflag:s23], $0x1400  }
0x6c: {  	s8 =	simm.s32 $0x28;
	s2 =	sadd.s32 $0xA0, s19;
	[sflag:s23] =	ssyncset.done $0x0  }
.LBB2_4:
0x6d: {  	s11 =	sadd.s32 s7, s21  }
0x6e: {  	[sflag:s23] =	ssyncadd.s32 $0xFFFFEC00;
	s12 =	smov.u32 s8;
	s9 =	sadd.s32 $0x14, s8  }
0x6f: {  	[tilespmem:s26], [sflag:$0x3] =	stream.linear.gather [hbm4b:s11+s3], $0x50, $0x38;
	[tilespmem:$0xC940] =	vst v63  }
0x70: {  	p0 =	sne.s32 s8, $0x4C4;
	_ =	swait.ge [sflag:s23], $0x50  }
0x71: {  	[sflag:s23] =	ssyncset.done $0x0  }
0x72: {  	s8 =	sadd.s32 s7, s20;
	s7 =	smov.u32 s12;
	[sflag:s23] =	ssyncadd.s32 $0xFFFFFFB0  }
0x73: {  	[tilespmem:s28], [sflag:$0x3] =	stream.linear.gather [hbm4b:s8+s3], $0x50, $0x38;
	[tilespmem:$0xC940] =	vst v63  }
0x74: {  	_ =	swait.ge [sflag:s23], $0x50  }
0x75: {  	[sflag:s23] =	ssyncset.done $0x0  }
0x76: {  	[sflag:s23] =	ssyncadd.s32 $0xFFFFFFB0  }
0x77: {  	[tilespmem:s29], [sflag:$0x2] =	stream.indirect.gather [hbm4b:s4+s26], $0x40, s26, s26, $0xb8;
	[tilespmem:$0xC940] =	vst v63  }
0x78: {  	_ =	swait.ge [sflag:s30], $0x1400  }
0x79: {  	[sflag:s30] =	ssyncset.done $0x0  }
0x7a: {  	[sflag:s30] =	ssyncadd.s32 $0xFFFFEC00  }
0x7b: {  	[spmem:s1] =	stream.indirect.scatter.add.f32 [tilespmem:s22], [sflag:$0x3], $0x40, s24, s26, $0xb8;
	[tilespmem:$0xC940] =	vst v63  }
0x7c: {  	_ =	swait.ge [sflag:s23], $0x1400  }
0x7d: {  	s8 =	sshrl.u32 s2, $0x3;
	[sflag:s23] =	ssyncset.done $0x0  }
0x7e: {  	s11 =	sadd.s32 s5, s8;
	[sflag:s23] =	ssyncadd.s32 $0xFFFFEC00  }
0x7f: {  	[tilespmem:s3], [sflag:$0x3] =	stream.linear.gather [hbm4b:s11+s3], $0x50, $0x38;
	[tilespmem:$0xC940] =	vst v63  }
0x80: {  	_ =	swait.ge [sflag:s23], $0x50  }
0x81: {  	[sflag:s23] =	ssyncset.done $0x0  }
0x82: {  	s8 =	sadd.s32 s6, s8;
	[sflag:s23] =	ssyncadd.s32 $0xFFFFFFB0  }
0x83: {  	[tilespmem:s24], [sflag:$0x3] =	stream.linear.gather [hbm4b:s8+s3], $0x50, $0x38;
	[tilespmem:$0xC940] =	vst v63  }
0x84: {  	_ =	swait.ge [sflag:s23], $0x50  }
0x85: {  	[sflag:s23] =	ssyncset.done $0x0  }
0x86: {  	[sflag:s23] =	ssyncadd.s32 $0xFFFFFFB0  }
0x87: {  	[tilespmem:s22], [sflag:$0x1] =	stream.indirect.gather [hbm4b:s4+s26], $0x40, s3, s26, $0xb8;
	[tilespmem:$0xC940] =	vst v63  }
0x88: {  	_ =	swait.ge [sflag:s31], $0x1400  }
.Ltmp1:
0x89: {  	[sflag:s31] =	ssyncset.done $0x0;
	(pc) =	sbr.rel @p0 .LBB2_4-.Ltmp1, $4  }
0x8a: {  	[sflag:s31] =	ssyncadd.s32 $0xFFFFEC00  }
0x8b: {  	[spmem:s1] =	stream.indirect.scatter.add.f32 [tilespmem:s29], [sflag:$0x3], $0x40, s28, s26, $0xb8;
	[tilespmem:$0xC940] =	vst v63  }
0x8c: {  	_ =	swait.ge [sflag:s23], $0x1400  }
0x8d: {  	s2 =	sadd.s32 $0xA0, s2;
	s8 =	smov.u32 s9;
	[sflag:s23] =	ssyncset.done $0x0  }
0x8e: {  	s8 =	sadd.s32 s7, s21;
	[sflag:s23] =	ssyncadd.s32 $0xFFFFEC00  }
0x8f: {  	[tilespmem:s26], [sflag:$0x3] =	stream.linear.gather [hbm4b:s8+s3], $0x50, $0x38;
	[tilespmem:$0xC940] =	vst v63  }
0x90: {  	_ =	swait.ge [sflag:s23], $0x50  }
0x91: {  	[sflag:s23] =	ssyncset.done $0x0  }
0x92: {  	s12 =	sadd.s32 s7, s20;
	[sflag:s23] =	ssyncadd.s32 $0xFFFFFFB0  }
0x93: {  	[tilespmem:s28], [sflag:$0x3] =	stream.linear.gather [hbm4b:s12+s3], $0x50, $0x38;
	[tilespmem:$0xC940] =	vst v63  }
0x94: {  	_ =	swait.ge [sflag:s23], $0x50  }
0x95: {  	[sflag:s23] =	ssyncset.done $0x0  }
0x96: {  	[sflag:s23] =	ssyncadd.s32 $0xFFFFFFB0  }
0x97: {  	[tilespmem:s29], [sflag:$0x2] =	stream.indirect.gather [hbm4b:s4+s26], $0x40, s26, s26, $0xb8;
	[tilespmem:$0xC940] =	vst v63  }
0x98: {  	_ =	swait.ge [sflag:s30], $0x1400  }
0x99: {  	[sflag:s30] =	ssyncset.done $0x0  }
0x9a: {  	[sflag:s30] =	ssyncadd.s32 $0xFFFFEC00  }
0x9b: {  	[spmem:s1] =	stream.indirect.scatter.add.f32 [tilespmem:s22], [sflag:$0x3], $0x40, s24, s26, $0xb8;
	[tilespmem:$0xC940] =	vst v63  }
0x9c: {  	_ =	swait.ge [sflag:s23], $0x1400  }
0x9d: {  	s2 =	sshrl.u32 s2, $0x3;
	[sflag:s23] =	ssyncset.done $0x0  }
0x9e: {  	s8 =	sadd.s32 s5, s2;
	[sflag:s23] =	ssyncadd.s32 $0xFFFFEC00  }
0x9f: {  	[tilespmem:s3], [sflag:$0x3] =	stream.linear.gather [hbm4b:s8+s3], $0x50, $0x38;
	[tilespmem:$0xC940] =	vst v63  }
0xa0: {  	_ =	swait.ge [sflag:s23], $0x50  }
0xa1: {  	[sflag:s23] =	ssyncset.done $0x0  }
0xa2: {  	s2 =	sadd.s32 s6, s2;
	[sflag:s23] =	ssyncadd.s32 $0xFFFFFFB0  }
0xa3: {  	[tilespmem:s24], [sflag:$0x3] =	stream.linear.gather [hbm4b:s2+s3], $0x50, $0x38;
	[tilespmem:$0xC940] =	vst v63  }
0xa4: {  	_ =	swait.ge [sflag:s23], $0x50  }
0xa5: {  	[sflag:s23] =	ssyncset.done $0x0  }
0xa6: {  	[sflag:s23] =	ssyncadd.s32 $0xFFFFFFB0  }
0xa7: {  	[tilespmem:s22], [sflag:$0x1] =	stream.indirect.gather [hbm4b:s4+s26], $0x40, s3, s26, $0xb8;
	[tilespmem:$0xC940] =	vst v63  }
0xa8: {  	_ =	swait.ge [sflag:s31], $0x1400  }
0xa9: {  	[sflag:s31] =	ssyncset.done $0x0  }
0xaa: {  	[sflag:s31] =	ssyncadd.s32 $0xFFFFEC00  }
0xab: {  	[spmem:s1] =	stream.indirect.scatter.add.f32 [tilespmem:s29], [sflag:$0x3], $0x40, s28, s26, $0xb8;
	[tilespmem:$0xC940] =	vst v63  }
0xac: {  	_ =	swait.ge [sflag:s23], $0x1400  }
0xad: {  	[sflag:s23] =	ssyncset.done $0x0  }
0xae: {  	[sflag:s23] =	ssyncadd.s32 $0xFFFFEC00  }
0xaf: {  	_ =	swait.ge [sflag:s30], $0x1400  }
0xb0: {  	[sflag:s30] =	ssyncset.done $0x0  }
0xb1: {  	[sflag:s30] =	ssyncadd.s32 $0xFFFFEC00  }
0xb2: {  	[spmem:s1] =	stream.indirect.scatter.add.f32 [tilespmem:s22], [sflag:$0x3], $0x40, s24, s26, $0xb8;
	[tilespmem:$0xC940] =	vst v63  }
0xb3: {  	_ =	swait.ge [sflag:s23], $0x1400  }
0xb4: {  	[sflag:s23] =	ssyncset.done $0x0  }
0xb5: {  	s9 =	stileid.u32;
	[sflag:s23] =	ssyncadd.s32 $0xFFFFEC00  }
0xb6: {  	s2 =	sshll.u32 s9, $0x6;
	[bflag:$0x0] =	sbarrier.arrive $0xFFFF  }
0xb7: {  	s2 =	sor.u32 $0x1C03, s2;
	s11 =	rddreg [dreg:$0x5]  }
0xb8: {  	[hbm:s11], [sflag:s2] =	dma.local [spmem:s25], $0x1400  }
0xb9: {  	_ =	swait.ge [sflag:s23], $0x1400  }
0xba: {  	s0 =	sadd.s32 $0x1, s0;
	s12 =	rddreg [dreg:$0x6]  }
0xbb: {  	p0 =	sne.s32 s0, s12  }
.Ltmp2:
0xbc: {  	_ = 	snop;
	(pc) =	sbr.rel @p0 .LBB2_1-.Ltmp2, $3  }
0xbd: {  	_ =	sdelay $0x1  }
0xbe: {  	[sflag:s23] =	ssyncset.done $0x0  }
0xbf: {  	[sflag:s23] =	ssyncadd.s32 $0xFFFFEC00  }
0xc0: {  	_ =	sfence.sel $0x180000  }
0xc1: {  	[bflag:$0x0] =	sbarrier.arrive $0xFFFF  }
0xc2: {  	_ =	strace $0x90000050  }
0xc3: {  	s0 =	stileid.u32;
	[bflag:$0x2] =	sbarrier.arrive $0xFFFF  }
0xc4: {  	p0 =	sne.s32 s0, $0x0;
	s0 =	rddreg [dreg:$0x2]  }
0xc5: {  	s0 =	sadd.s32 @!p0 $0x100000, s0  }
0xc6: {  	[sflag:s0] =	ssyncadd.tile.s32 @!p0 $0x1;
	_ =	shalt  }
.Lfunc_end2:
_tile_overlayer_lowered:
.L_overlay_start_2:
0xc7: {  	(tag) =	ssettag $0x2  }
0xc8: {  	s0 =	rddreg [dreg:$0x0];
	s2 =	stileid.u32  }
0xc9: {  	s1 =	rddreg [dreg:$0x1];
	p0 =	sne.s32 s2, $0x0  }
0xca: {  	s3 =	rddreg [dreg:$0x2];
	[bflag:$0x3] =	sbarrier.arrive $0xFFFF;
	s2 =	simm.s32 @!p0 $0x1C03  }
0xcb: {  	[timem:s3], [sflag:s2] =	dma.local @!p0 [hbm:s0], s1  }
0xcc: {  	s0 =	simm.s32 @!p0 $0x3  }
0xcd: {  	_ =	swait.ge @!p0 [sflag:s0], s1  }
0xce: {  	s1 =	ssub.s32 @!p0 $0x0, s1;
	[sflag:s0] =	ssyncset.done @!p0 $0x0  }
0xcf: {  	[sflag:s0] =	ssyncadd.s32 @!p0 s1  }
0xd0: {  	[bflag:$0x3] =	sbarrier.arrive $0xFFFF  }
0xd1: {  	_ =	shalt  }

</sc_bundles>
